<compile_context>
chip_gen: v7x
topology: tpu7x:2x2x1
jax: 0.10.2.dev20260603
libtpu: 0.0.44.dev20260713+nightly
codegen_flags: <defaults>
</compile_context>

<pallas_src>
import functools

import jax
import jax.numpy as jnp
from jax import lax
from jax.experimental import pallas as pl
from jax.experimental.pallas import tpu as pltpu
from jax.experimental.pallas import tpu_sc as plsc

N_NODES = 10000
D = 128
NC = 2
NS = 16
NW = NC * NS
CHUNK = 128
ECHUNK = 128
NBUF = 2
N_PAD = 10240
RPT = N_PAD // NS
G = RPT // CHUNK
GA = RPT // ECHUNK


def _mesh():
    return plsc.VectorSubcoreMesh(
        core_axis_name="c", subcore_axis_name="s", num_cores=NC, num_subcores=NS
    )


def _fill_slice_indices(idxv, s, chunk, groups):
    iota16 = lax.iota(jnp.int32, 16)
    per_row = chunk // 16

    def fill(k, _):
        g = k // per_row
        t = k % per_row
        idxv[g, pl.ds(t * 16, 16)] = s * RPT + g * chunk + t * 16 + iota16
        return _

    lax.fori_loop(0, groups * per_row, fill, None)



def _deg_body(K, dst_hbm, out_hbm, dstv, onev, zv, idxv, buf, deg_sh, sem, semb):
    c = lax.axis_index("c")
    s = lax.axis_index("s")
    wid = c * NS + s

    zero16 = jnp.zeros((16,), jnp.float32)
    onehot = jnp.where(lax.iota(jnp.int32, 16) == 0, 1.0, 0.0).astype(jnp.float32)

    def init_bufs(i, _):
        zv[i] = zero16
        onev[i] = onehot
        return _

    lax.fori_loop(0, CHUNK, init_bufs, None)
    _fill_slice_indices(idxv, s, CHUNK, G)

    for g in range(G):
        pltpu.sync_copy(zv, deg_sh.at[idxv.at[g]])
    plsc.subcore_barrier()

    def load_idx(j, p, sem_p):
        pltpu.async_copy(
            dst_hbm.at[pl.ds(wid * K + j, 1)], dstv.at[pl.ds(p, 1)], sem_p
        )

    def wait_idx(p, sem_p):
        pltpu.make_async_copy(
            dst_hbm.at[pl.ds(0, 1)], dstv.at[pl.ds(p, 1)], sem_p
        ).wait()

    load_idx(0, 0, sem)
    load_idx(1, 1, semb)

    def step(m, _):
        j0 = 2 * m
        wait_idx(0, sem)
        pltpu.sync_copy(onev, deg_sh.at[dstv.at[0]], add=True)

        @pl.when(j0 + 2 < K)
        def _n0():
            load_idx(j0 + 2, 0, sem)

        wait_idx(1, semb)
        pltpu.sync_copy(onev, deg_sh.at[dstv.at[1]], add=True)

        @pl.when(j0 + 3 < K)
        def _n1():
            load_idx(j0 + 3, 1, semb)

        return _

    lax.fori_loop(0, K // 2, step, None)
    plsc.subcore_barrier()

    for g in range(G):
        pltpu.async_copy(deg_sh.at[idxv.at[g]], buf, sem).wait()
        pltpu.sync_copy(buf, out_hbm.at[c, pl.ds(s * RPT + g * CHUNK, CHUNK)])


def _make_deg_kernel(K):
    return pl.kernel(
        functools.partial(_deg_body, K),
        out_type=jax.ShapeDtypeStruct((NC, N_PAD, 16), jnp.float32),
        mesh=_mesh(),
        scratch_types=[
            pltpu.VMEM((2, CHUNK), jnp.int32),
            pltpu.VMEM((CHUNK, 16), jnp.float32),
            pltpu.VMEM((CHUNK, 16), jnp.float32),
            pltpu.VMEM((G, CHUNK), jnp.int32),
            pltpu.VMEM((CHUNK, 16), jnp.float32),
            pltpu.VMEM_SHARED((N_PAD, 16), jnp.float32),
            pltpu.SemaphoreType.DMA,
            pltpu.SemaphoreType.DMA,
        ],
    )



def _agg_body(
    K, y_hbm, src_hbm, dst_hbm, out_hbm, srcb, dstb, rows, idxv, acc_sh,
    sem_g, sem_s, sem_d, sem_r
):
    c = lax.axis_index("c")
    s = lax.axis_index("s")
    wid = c * NS + s

    zero16 = jnp.zeros((16,), jnp.float32)

    def zero_rows(k, _):
        rows[0][k // 8, pl.ds((k % 8) * 16, 16)] = zero16
        return _

    lax.fori_loop(0, ECHUNK * 8, zero_rows, None)
    _fill_slice_indices(idxv, s, ECHUNK, GA)

    for g in range(GA):
        pltpu.sync_copy(rows[0], acc_sh.at[idxv.at[g]])
    plsc.subcore_barrier()

    def load_src(j, b):
        pltpu.async_copy(src_hbm.at[pl.ds(wid * K + j, 1)], srcb[b], sem_r[b])

    def wait_src(b):
        pltpu.make_async_copy(src_hbm.at[pl.ds(0, 1)], srcb[b], sem_r[b]).wait()

    def load_dst(j, b):
        pltpu.async_copy(dst_hbm.at[pl.ds(wid * K + j, 1)], dstb[b], sem_d[b])

    def wait_dst(b):
        pltpu.make_async_copy(dst_hbm.at[pl.ds(0, 1)], dstb[b], sem_d[b]).wait()

    def start_gather(b):
        pltpu.async_copy(y_hbm.at[srcb[b].at[0]], rows[b], sem_g[b])

    def wait_gather(b):
        pltpu.make_async_copy(y_hbm.at[srcb[b].at[0]], rows[b], sem_g[b]).wait()

    def scatter_sync(b):
        pltpu.sync_copy(rows[b], acc_sh.at[dstb[b].at[0]], add=True)

    pltpu.sync_copy(src_hbm.at[pl.ds(wid * K, 1)], srcb[0])
    pltpu.sync_copy(src_hbm.at[pl.ds(wid * K + 1, 1)], srcb[1])
    load_dst(0, 0)
    load_dst(1, 1)
    start_gather(0)

    def step(m, _):
        j0 = 2 * m
        wait_gather(0)
        start_gather(1)
        wait_dst(0)
        scatter_sync(0)

        @pl.when(j0 + 2 < K)
        def _next0():
            load_src(j0 + 2, 0)
            load_dst(j0 + 2, 0)

        wait_gather(1)

        @pl.when(j0 + 2 < K)
        def _start0():
            wait_src(0)
            start_gather(0)

        wait_dst(1)
        scatter_sync(1)

        @pl.when(j0 + 3 < K)
        def _next1():
            load_src(j0 + 3, 1)
            load_dst(j0 + 3, 1)
            wait_src(1)

        return _

    lax.fori_loop(0, K // 2, step, None)
    plsc.subcore_barrier()

    for g in range(GA):
        pltpu.async_copy(acc_sh.at[idxv.at[g]], rows[0], sem_g[0]).wait()
        pltpu.sync_copy(rows[0], out_hbm.at[c, pl.ds(s * RPT + g * ECHUNK, ECHUNK)])


def _make_agg_kernel(K):
    body = functools.partial(_agg_body, K)

    def wrapped(y_hbm, src_hbm, dst_hbm, out_hbm, *scratch):
        srcb = scratch[0:NBUF]
        dstb = scratch[NBUF:2 * NBUF]
        rows = scratch[2 * NBUF:3 * NBUF]
        idxv = scratch[3 * NBUF]
        acc_sh = scratch[3 * NBUF + 1]
        sems = scratch[3 * NBUF + 2:]
        sem_g = sems[0:NBUF]
        sem_s = sems[NBUF:2 * NBUF]
        sem_d = sems[2 * NBUF:3 * NBUF]
        sem_r = sems[3 * NBUF:4 * NBUF]
        body(y_hbm, src_hbm, dst_hbm, out_hbm, srcb, dstb, rows, idxv, acc_sh,
             sem_g, sem_s, sem_d, sem_r)

    return pl.kernel(
        wrapped,
        out_type=jax.ShapeDtypeStruct((NC, N_PAD, D), jnp.float32),
        mesh=_mesh(),
        scratch_types=[
            *[pltpu.VMEM((1, ECHUNK), jnp.int32) for _ in range(NBUF)],
            *[pltpu.VMEM((1, ECHUNK), jnp.int32) for _ in range(NBUF)],
            *[pltpu.VMEM((ECHUNK, D), jnp.float32) for _ in range(NBUF)],
            pltpu.VMEM((GA, ECHUNK), jnp.int32),
            pltpu.VMEM_SHARED((N_PAD, D), jnp.float32),
            *[pltpu.SemaphoreType.DMA for _ in range(4 * NBUF)],
        ],
    )



_BLK = 1280
_GRID = N_PAD // _BLK


def _dis_from(deg_ref):
    deg = jnp.sum(deg_ref[0] + deg_ref[1], axis=1) + 1.0
    return lax.rsqrt(deg)


def _y1_body(x_ref, w_ref, deg_ref, y_ref):
    dis = _dis_from(deg_ref)
    xw = jnp.dot(x_ref[...], w_ref[...], preferred_element_type=jnp.float32)
    y_ref[...] = xw * dis[:, None]


def _mid_body(acc_ref, y_ref, deg_ref, w_ref, b_ref, out_ref):
    dis = _dis_from(deg_ref)
    tot = acc_ref[0] + acc_ref[1] + y_ref[...]
    h = jnp.maximum(tot * dis[:, None] + b_ref[...], 0.0)
    out_ref[...] = jnp.dot(h, w_ref[...], preferred_element_type=jnp.float32) * dis[:, None]


def _fin_body(acc_ref, y_ref, deg_ref, b_ref, out_ref):
    dis = _dis_from(deg_ref)
    tot = acc_ref[0] + acc_ref[1] + y_ref[...]
    out_ref[...] = tot * dis[:, None] + b_ref[...]


_deg_spec = pl.BlockSpec((NC, _BLK, 16), lambda i: (0, i, 0))
_acc_spec = pl.BlockSpec((NC, _BLK, D), lambda i: (0, i, 0))
_row_spec = pl.BlockSpec((_BLK, D), lambda i: (i, 0))
_w_spec = pl.BlockSpec((D, D), lambda i: (0, 0))
_b_spec = pl.BlockSpec((1, D), lambda i: (0, 0))


def _tc_call(body, in_specs):
    return pl.pallas_call(
        body,
        grid=(_GRID,),
        in_specs=in_specs,
        out_specs=_row_spec,
        out_shape=jax.ShapeDtypeStruct((N_PAD, D), jnp.float32),
    )



def kernel(x, edge_index, W1, b1, W2, b2):
    E = edge_index.shape[1]
    K = -(-E // (NW * ECHUNK))
    K += (-K) % NBUF
    e_pad = NW * K * ECHUNK - E

    src = edge_index[0].astype(jnp.int32)
    dst = edge_index[1].astype(jnp.int32)
    padv = jnp.full((e_pad,), N_NODES, jnp.int32)
    src_p = jnp.concatenate([src, padv]).reshape(NW * K, ECHUNK)
    dst_p = jnp.concatenate([dst, padv]).reshape(NW * K, ECHUNK)
    kd = NW * K * ECHUNK // (NW * CHUNK)
    src_d = src_p.reshape(NW * kd, CHUNK)
    dst_d = dst_p.reshape(NW * kd, CHUNK)
    x_p = jnp.pad(x, ((0, N_PAD - N_NODES), (0, 0)))
    b1r = b1.reshape(1, D)
    b2r = b2.reshape(1, D)

    deg = _make_deg_kernel(kd)(dst_d)

    y1 = _tc_call(_y1_body, [_row_spec, _w_spec, _deg_spec])(x_p, W1, deg)
    acc1 = _make_agg_kernel(K)(y1, src_p, dst_p)
    y2 = _tc_call(_mid_body, [_acc_spec, _row_spec, _deg_spec, _w_spec, _b_spec])(
        acc1, y1, deg, W2, b1r
    )
    acc2 = _make_agg_kernel(K)(y2, src_p, dst_p)
    out = _tc_call(_fin_body, [_acc_spec, _row_spec, _deg_spec, _b_spec])(
        acc2, y2, deg, b2r
    )
    return out[:N_NODES]

# --- scband reference (transcript-rebuilt; emitter-appended) ---
"""Pipeline reference for scband-gnnmodel-70239895159165 (READ-ONLY COPY).

The authoritative reference and input builder live on the scoring server;
editing this copy changes nothing except your own understanding.
"""

import jax, jax.numpy as jnp
import numpy as np

N_NODES = 10000
N_EDGES = 320000
D_IN = 128
D_HID = 128
D_OUT = 128


def setup_inputs(seed: int = 0) -> dict:
    key = jax.random.key(seed)
    k1, k2, k3, k4, k5, k6 = jax.random.split(key, 6)
    x = jax.random.normal(k1, (N_NODES, D_IN), dtype=jnp.float32)
    edge_index = jax.random.randint(k2, (2, N_EDGES), 0, N_NODES, dtype=jnp.int64)
    # GCNConv weights (glorot-like init) and biases
    W1 = jax.random.normal(k3, (D_IN, D_HID), dtype=jnp.float32) * (1.0 / np.sqrt(D_IN))
    b1 = jnp.zeros((D_HID,), dtype=jnp.float32)
    W2 = jax.random.normal(k4, (D_HID, D_OUT), dtype=jnp.float32) * (1.0 / np.sqrt(D_HID))
    b2 = jnp.zeros((D_OUT,), dtype=jnp.float32)
    return {"x": x, "edge_index": edge_index, "W1": W1, "b1": b1, "W2": W2, "b2": b2}


def _gcn_conv(x, src, dst, W, b, num_nodes):
    # PyG GCNConv with add_self_loops=True, normalize=True, bias=True
    loop = jnp.arange(num_nodes, dtype=src.dtype)
    src2 = jnp.concatenate([src, loop])
    dst2 = jnp.concatenate([dst, loop])
    ones = jnp.ones(src2.shape[0], dtype=x.dtype)
    deg = jnp.zeros((num_nodes,), dtype=x.dtype).at[dst2].add(ones)
    deg_inv_sqrt = jnp.where(deg > 0, jax.lax.rsqrt(deg), 0.0)
    norm = deg_inv_sqrt[src2] * deg_inv_sqrt[dst2]
    xw = x @ W
    msgs = xw[src2] * norm[:, None]
    out = jnp.zeros((num_nodes, W.shape[1]), dtype=x.dtype).at[dst2].add(msgs)
    return out + b


def reference(x, edge_index, W1, b1, W2, b2):
    num_nodes = x.shape[0]
    src = edge_index[0]
    dst = edge_index[1]
    # Layer 1: GCNConv -> ReLU -> Dropout (identity in eval mode)
    h = _gcn_conv(x, src, dst, W1, b1, num_nodes)
    h = jax.nn.relu(h)
    # Layer 2: GCNConv
    out = _gcn_conv(h, src, dst, W2, b2, num_nodes)
    return out

if __name__ == "__main__":
    import jax
    _d = setup_inputs()
    print(jax.jit(kernel)(*tuple(_d.values())))

</pallas_src>

<mosaic_0001>
#map = affine_map<(d0, d1) -> (0, 0)>
#map1 = affine_map<(d0, d1) -> (0, 0, 0)>
module attributes {stable_mosaic.version = 14 : i64} {
  func.func @_deg_body(%arg0: i32, %arg1: i32, %arg2: memref<2560x128xi32, #tpu.memory_space<hbm>>, %arg3: memref<2x10240x16xf32, #tpu.memory_space<hbm>>, %arg4: memref<2x128xi32, #tpu.memory_space<vmem>>, %arg5: memref<128x16xf32, #tpu.memory_space<vmem>>, %arg6: memref<128x16xf32, #tpu.memory_space<vmem>>, %arg7: memref<5x128xi32, #tpu.memory_space<vmem>>, %arg8: memref<128x16xf32, #tpu.memory_space<vmem>>, %arg9: memref<10240x16xf32, #tpu.memory_space<vmem_shared>>, %arg10: memref<!tpu.dma_semaphore, #tpu.memory_space<semaphore_mem>>, %arg11: memref<!tpu.dma_semaphore, #tpu.memory_space<semaphore_mem>>) attributes {dimension_semantics = [#tpu.dimension_semantics<core_parallel>, #tpu.dimension_semantics<subcore_parallel>], iteration_bounds = array<i64: 2, 16>, scalar_prefetch = 0 : i64, scratch_operands = 8 : i64, tpu.core_type = #tpu.core_type<sc_vector_subcore>, window_params = [{transform_indices = #map}, {transform_indices = #map1}]} {
    %mul3A = arith.constant 16 : i32
    %mul3A_0 = arith.muli %arg0, %mul3A : i32
    %add3A = arith.addi %mul3A_0, %arg1 : i32
    %broadcast_in_dim3A = arith.constant 0.000000e+00 : f32
    %broadcast_in_dim3A_1 = vector.broadcast %broadcast_in_dim3A : f32 to vector<16xf32>
    %iota3A = tpu.iota {dimensions = array<i32: 0>} : vector<16xi32>
    %eq3A = arith.constant 0 : i32
    %eq3A_2 = vector.broadcast %eq3A : i32 to vector<16xi32>
    %eq3A_3 = arith.cmpi eq, %iota3A, %eq3A_2 : vector<16xi32>
    %jit3A = arith.constant 1.000000e+00 : f32
    %jit3A_4 = arith.constant 0.000000e+00 : f32
    %broadcast_in_dim3A_5 = vector.broadcast %jit3A : f32 to vector<16xf32>
    %broadcast_in_dim3A_6 = vector.broadcast %jit3A_4 : f32 to vector<16xf32>
    %select_n3A = arith.select %eq3A_3, %broadcast_in_dim3A_5, %broadcast_in_dim3A_6 : vector<16xi1>, vector<16xf32>
    %scan3A = arith.constant 0 : i32
    %scan3A_7 = arith.constant 128 : i32
    %scan3A_8 = arith.addi %scan3A, %scan3A_7 : i32
    %scan3A_9 = arith.constant 1 : i32
    scf.for %scan3A_143 = %scan3A to %scan3A_8 step %scan3A_9  : i32 {
      %swap3A = arith.index_cast %scan3A_143 : i32 to index
      %swap3A_144 = arith.constant 0 : index
      %swap3A_145 = tpu.vector_load %arg6[%swap3A, %swap3A_144] {strides = array<i32>} : memref<128x16xf32, #tpu.memory_space<vmem>>, vector<1x16xf32>,
      %swap3A_146 = vector.shape_cast %swap3A_145 : vector<1x16xf32> to vector<16xf32>
      %swap3A_147 = vector.shape_cast %broadcast_in_dim3A_1 : vector<16xf32> to vector<1x16xf32>
      tpu.vector_store %arg6[%swap3A, %swap3A_144], %swap3A_147 {strides = array<i32>} : memref<128x16xf32, #tpu.memory_space<vmem>>, vector<1x16xf32>,
      %swap3A_148 = arith.index_cast %scan3A_143 : i32 to index
      %swap3A_149 = arith.constant 0 : index
      %swap3A_150 = tpu.vector_load %arg5[%swap3A_148, %swap3A_149] {strides = array<i32>} : memref<128x16xf32, #tpu.memory_space<vmem>>, vector<1x16xf32>,
      %swap3A_151 = vector.shape_cast %swap3A_150 : vector<1x16xf32> to vector<16xf32>
      %swap3A_152 = vector.shape_cast %select_n3A : vector<16xf32> to vector<1x16xf32>
      tpu.vector_store %arg5[%swap3A_148, %swap3A_149], %swap3A_152 {strides = array<i32>} : memref<128x16xf32, #tpu.memory_space<vmem>>, vector<1x16xf32>,
    }
    %scan3A_10 = arith.constant 128 : i32
    %iota3A_11 = tpu.iota {dimensions = array<i32: 0>} : vector<16xi32>
    %scan3A_12 = arith.constant 0 : i32
    %scan3A_13 = arith.constant 40 : i32
    %scan3A_14 = arith.addi %scan3A_12, %scan3A_13 : i32
    %scan3A_15 = arith.constant 1 : i32
    scf.for %scan3A_143 = %scan3A_12 to %scan3A_14 step %scan3A_15  : i32 {
      %jit3A_144 = arith.constant 8 : i32
      %div3A = arith.divsi %scan3A_143, %jit3A_144 : i32
      %sign3A = arith.constant 0 : i32
      %sign3A_145 = arith.cmpi sgt, %scan3A_143, %sign3A : i32
      %sign3A_146 = arith.extui %sign3A_145 : i1 to i32
      %sign3A_147 = arith.constant 0 : i32
      %sign3A_148 = arith.cmpi slt, %scan3A_143, %sign3A_147 : i32
      %sign3A_149 = arith.extui %sign3A_148 : i1 to i32
      %sign3A_150 = arith.subi %sign3A_146, %sign3A_149 : i32
      %sign3A_151 = arith.constant 0 : i32
      %sign3A_152 = arith.cmpi sgt, %jit3A_144, %sign3A_151 : i32
      %sign3A_153 = arith.extui %sign3A_152 : i1 to i32
      %sign3A_154 = arith.constant 0 : i32
      %sign3A_155 = arith.cmpi slt, %jit3A_144, %sign3A_154 : i32
      %sign3A_156 = arith.extui %sign3A_155 : i1 to i32
      %sign3A_157 = arith.subi %sign3A_153, %sign3A_156 : i32
      %ne3A = arith.cmpi ne, %sign3A_150, %sign3A_157 : i32
      %rem3A = arith.remsi %scan3A_143, %jit3A_144 : i32
      %ne3A_158 = arith.constant 0 : i32
      %ne3A_159 = arith.cmpi ne, %rem3A, %ne3A_158 : i32
      %and3A = arith.andi %ne3A, %ne3A_159 : i1
      %sub3A = arith.constant 1 : i32
      %sub3A_160 = arith.subi %div3A, %sub3A : i32
      %select_n3A_161 = arith.select %and3A, %sub3A_160, %div3A : i32
      %jit3A_162 = arith.constant 8 : i32
      %eq3A_163 = arith.constant 0 : i32
      %eq3A_164 = arith.cmpi eq, %jit3A_162, %eq3A_163 : i32
      %jit3A_165 = arith.constant 1 : i32
      %select_n3A_166 = arith.select %eq3A_164, %jit3A_165, %jit3A_162 : i32
      %rem3A_167 = arith.remsi %scan3A_143, %select_n3A_166 : i32
      %ne3A_168 = arith.constant 0 : i32
      %ne3A_169 = arith.cmpi ne, %rem3A_167, %ne3A_168 : i32
      %lt3A = arith.constant 0 : i32
      %lt3A_170 = arith.cmpi slt, %rem3A_167, %lt3A : i32
      %lt3A_171 = arith.constant 0 : i32
      %lt3A_172 = arith.cmpi slt, %select_n3A_166, %lt3A_171 : i32
      %ne3A_173 = arith.xori %lt3A_170, %lt3A_172 : i1
      %and3A_174 = arith.andi %ne3A_173, %ne3A_169 : i1
      %add3A_175 = arith.addi %rem3A_167, %select_n3A_166 : i32
      %select_n3A_176 = arith.select %and3A_174, %add3A_175, %rem3A_167 : i32
      %mul3A_177 = arith.constant 640 : i32
      %mul3A_178 = arith.muli %arg1, %mul3A_177 : i32
      %mul3A_179 = arith.constant 128 : i32
      %mul3A_180 = arith.muli %select_n3A_161, %mul3A_179 : i32
      %add3A_181 = arith.addi %mul3A_178, %mul3A_180 : i32
      %mul3A_182 = arith.constant 16 : i32
      %mul3A_183 = arith.muli %select_n3A_176, %mul3A_182 : i32
      %add3A_184 = arith.addi %add3A_181, %mul3A_183 : i32
      %add3A_185 = vector.broadcast %add3A_184 : i32 to vector<16xi32>
      %add3A_186 = arith.addi %add3A_185, %iota3A_11 : vector<16xi32>
      %mul3A_187 = arith.constant 16 : i32
      %mul3A_188 = arith.muli %select_n3A_176, %mul3A_187 : i32
      %swap3A = arith.index_cast %select_n3A_161 : i32 to index
      %swap3A_189 = arith.index_cast %mul3A_188 : i32 to index
      %swap3A_190 = tpu.vector_load %arg7[%swap3A, %swap3A_189] {strides = array<i32>} : memref<5x128xi32, #tpu.memory_space<vmem>>, vector<1x16xi32>,
      %swap3A_191 = vector.shape_cast %swap3A_190 : vector<1x16xi32> to vector<16xi32>
      %swap3A_192 = vector.shape_cast %add3A_186 : vector<16xi32> to vector<1x16xi32>
      tpu.vector_store %arg7[%swap3A, %swap3A_189], %swap3A_192 {strides = array<i32>} : memref<5x128xi32, #tpu.memory_space<vmem>>, vector<1x16xi32>,
    }
    %scan3A_16 = arith.constant 40 : i32
    %run_scoped3A = arith.constant 0 : i32
    "tpu.region"() ({
      %run_scoped3A_143 = tpu.sem_alloc : memref<!tpu.dma_semaphore, #tpu.memory_space<semaphore_mem>>
      %dma_start3A_144 = arith.constant 0 : i32
      %dma_start3A_145 = tpu.memref_slice %arg7[%run_scoped3A, %dma_start3A_144] : memref<5x128xi32, #tpu.memory_space<vmem>> -> memref<1x128xi32, #tpu.memory_space<vmem>>
      %dma_start3A_146 = tpu.memref_squeeze %dma_start3A_145 : memref<1x128xi32, #tpu.memory_space<vmem>> -> memref<128xi32, #tpu.memory_space<vmem>>
      %dma_start3A_147 = arith.constant 0 : i32
      %dma_start3A_148 = arith.constant 0 : i32
      %dma_start3A_149 = tpu.memref_slice %arg9[%dma_start3A_147, %dma_start3A_148] : memref<10240x16xf32, #tpu.memory_space<vmem_shared>> -> memref<10240x16xf32, #tpu.memory_space<vmem_shared>>
      tpu.enqueue_indirect_dma source(%arg6 : memref<128x16xf32, #tpu.memory_space<vmem>>) target(%dma_start3A_149 : memref<10240x16xf32, #tpu.memory_space<vmem_shared>>) offsets(%dma_start3A_146 : memref<128xi32, #tpu.memory_space<vmem>>) semaphore(%run_scoped3A_143 : memref<!tpu.dma_semaphore, #tpu.memory_space<semaphore_mem>>)
      %dma_wait3A_150 = arith.constant 0 : i32
      %dma_wait3A_151 = tpu.memref_slice %arg7[%run_scoped3A, %dma_wait3A_150] : memref<5x128xi32, #tpu.memory_space<vmem>> -> memref<1x128xi32, #tpu.memory_space<vmem>>
      %dma_wait3A_152 = tpu.memref_squeeze %dma_wait3A_151 : memref<1x128xi32, #tpu.memory_space<vmem>> -> memref<128xi32, #tpu.memory_space<vmem>>
      %dma_wait3A_153 = arith.constant 0 : i32
      %dma_wait3A_154 = arith.constant 0 : i32
      %dma_wait3A_155 = tpu.memref_slice %arg9[%dma_wait3A_153, %dma_wait3A_154] : memref<10240x16xf32, #tpu.memory_space<vmem_shared>> -> memref<10240x16xf32, #tpu.memory_space<vmem_shared>>
      tpu.wait_indirect_dma semaphore(%run_scoped3A_143 : memref<!tpu.dma_semaphore, #tpu.memory_space<semaphore_mem>>) src(%arg6 : memref<128x16xf32, #tpu.memory_space<vmem>>) dst(%dma_wait3A_155 : memref<10240x16xf32, #tpu.memory_space<vmem_shared>>)
      tpu.yield
    }) : () -> ()
    %run_scoped3A_17 = arith.constant 1 : i32
    "tpu.region"() ({
      %run_scoped3A_143 = tpu.sem_alloc : memref<!tpu.dma_semaphore, #tpu.memory_space<semaphore_mem>>
      %dma_start3A_144 = arith.constant 0 : i32
      %dma_start3A_145 = tpu.memref_slice %arg7[%run_scoped3A_17, %dma_start3A_144] : memref<5x128xi32, #tpu.memory_space<vmem>> -> memref<1x128xi32, #tpu.memory_space<vmem>>
      %dma_start3A_146 = tpu.memref_squeeze %dma_start3A_145 : memref<1x128xi32, #tpu.memory_space<vmem>> -> memref<128xi32, #tpu.memory_space<vmem>>
      %dma_start3A_147 = arith.constant 0 : i32
      %dma_start3A_148 = arith.constant 0 : i32
      %dma_start3A_149 = tpu.memref_slice %arg9[%dma_start3A_147, %dma_start3A_148] : memref<10240x16xf32, #tpu.memory_space<vmem_shared>> -> memref<10240x16xf32, #tpu.memory_space<vmem_shared>>
      tpu.enqueue_indirect_dma source(%arg6 : memref<128x16xf32, #tpu.memory_space<vmem>>) target(%dma_start3A_149 : memref<10240x16xf32, #tpu.memory_space<vmem_shared>>) offsets(%dma_start3A_146 : memref<128xi32, #tpu.memory_space<vmem>>) semaphore(%run_scoped3A_143 : memref<!tpu.dma_semaphore, #tpu.memory_space<semaphore_mem>>)
      %dma_wait3A_150 = arith.constant 0 : i32
      %dma_wait3A_151 = tpu.memref_slice %arg7[%run_scoped3A_17, %dma_wait3A_150] : memref<5x128xi32, #tpu.memory_space<vmem>> -> memref<1x128xi32, #tpu.memory_space<vmem>>
      %dma_wait3A_152 = tpu.memref_squeeze %dma_wait3A_151 : memref<1x128xi32, #tpu.memory_space<vmem>> -> memref<128xi32, #tpu.memory_space<vmem>>
      %dma_wait3A_153 = arith.constant 0 : i32
      %dma_wait3A_154 = arith.constant 0 : i32
      %dma_wait3A_155 = tpu.memref_slice %arg9[%dma_wait3A_153, %dma_wait3A_154] : memref<10240x16xf32, #tpu.memory_space<vmem_shared>> -> memref<10240x16xf32, #tpu.memory_space<vmem_shared>>
      tpu.wait_indirect_dma semaphore(%run_scoped3A_143 : memref<!tpu.dma_semaphore, #tpu.memory_space<semaphore_mem>>) src(%arg6 : memref<128x16xf32, #tpu.memory_space<vmem>>) dst(%dma_wait3A_155 : memref<10240x16xf32, #tpu.memory_space<vmem_shared>>)
      tpu.yield
    }) : () -> ()
    %run_scoped3A_18 = arith.constant 2 : i32
    "tpu.region"() ({
      %run_scoped3A_143 = tpu.sem_alloc : memref<!tpu.dma_semaphore, #tpu.memory_space<semaphore_mem>>
      %dma_start3A_144 = arith.constant 0 : i32
      %dma_start3A_145 = tpu.memref_slice %arg7[%run_scoped3A_18, %dma_start3A_144] : memref<5x128xi32, #tpu.memory_space<vmem>> -> memref<1x128xi32, #tpu.memory_space<vmem>>
      %dma_start3A_146 = tpu.memref_squeeze %dma_start3A_145 : memref<1x128xi32, #tpu.memory_space<vmem>> -> memref<128xi32, #tpu.memory_space<vmem>>
      %dma_start3A_147 = arith.constant 0 : i32
      %dma_start3A_148 = arith.constant 0 : i32
      %dma_start3A_149 = tpu.memref_slice %arg9[%dma_start3A_147, %dma_start3A_148] : memref<10240x16xf32, #tpu.memory_space<vmem_shared>> -> memref<10240x16xf32, #tpu.memory_space<vmem_shared>>
      tpu.enqueue_indirect_dma source(%arg6 : memref<128x16xf32, #tpu.memory_space<vmem>>) target(%dma_start3A_149 : memref<10240x16xf32, #tpu.memory_space<vmem_shared>>) offsets(%dma_start3A_146 : memref<128xi32, #tpu.memory_space<vmem>>) semaphore(%run_scoped3A_143 : memref<!tpu.dma_semaphore, #tpu.memory_space<semaphore_mem>>)
      %dma_wait3A_150 = arith.constant 0 : i32
      %dma_wait3A_151 = tpu.memref_slice %arg7[%run_scoped3A_18, %dma_wait3A_150] : memref<5x128xi32, #tpu.memory_space<vmem>> -> memref<1x128xi32, #tpu.memory_space<vmem>>
      %dma_wait3A_152 = tpu.memref_squeeze %dma_wait3A_151 : memref<1x128xi32, #tpu.memory_space<vmem>> -> memref<128xi32, #tpu.memory_space<vmem>>
      %dma_wait3A_153 = arith.constant 0 : i32
      %dma_wait3A_154 = arith.constant 0 : i32
      %dma_wait3A_155 = tpu.memref_slice %arg9[%dma_wait3A_153, %dma_wait3A_154] : memref<10240x16xf32, #tpu.memory_space<vmem_shared>> -> memref<10240x16xf32, #tpu.memory_space<vmem_shared>>
      tpu.wait_indirect_dma semaphore(%run_scoped3A_143 : memref<!tpu.dma_semaphore, #tpu.memory_space<semaphore_mem>>) src(%arg6 : memref<128x16xf32, #tpu.memory_space<vmem>>) dst(%dma_wait3A_155 : memref<10240x16xf32, #tpu.memory_space<vmem_shared>>)
      tpu.yield
    }) : () -> ()
    %run_scoped3A_19 = arith.constant 3 : i32
    "tpu.region"() ({
      %run_scoped3A_143 = tpu.sem_alloc : memref<!tpu.dma_semaphore, #tpu.memory_space<semaphore_mem>>
      %dma_start3A_144 = arith.constant 0 : i32
      %dma_start3A_145 = tpu.memref_slice %arg7[%run_scoped3A_19, %dma_start3A_144] : memref<5x128xi32, #tpu.memory_space<vmem>> -> memref<1x128xi32, #tpu.memory_space<vmem>>
      %dma_start3A_146 = tpu.memref_squeeze %dma_start3A_145 : memref<1x128xi32, #tpu.memory_space<vmem>> -> memref<128xi32, #tpu.memory_space<vmem>>
      %dma_start3A_147 = arith.constant 0 : i32
      %dma_start3A_148 = arith.constant 0 : i32
      %dma_start3A_149 = tpu.memref_slice %arg9[%dma_start3A_147, %dma_start3A_148] : memref<10240x16xf32, #tpu.memory_space<vmem_shared>> -> memref<10240x16xf32, #tpu.memory_space<vmem_shared>>
      tpu.enqueue_indirect_dma source(%arg6 : memref<128x16xf32, #tpu.memory_space<vmem>>) target(%dma_start3A_149 : memref<10240x16xf32, #tpu.memory_space<vmem_shared>>) offsets(%dma_start3A_146 : memref<128xi32, #tpu.memory_space<vmem>>) semaphore(%run_scoped3A_143 : memref<!tpu.dma_semaphore, #tpu.memory_space<semaphore_mem>>)
      %dma_wait3A_150 = arith.constant 0 : i32
      %dma_wait3A_151 = tpu.memref_slice %arg7[%run_scoped3A_19, %dma_wait3A_150] : memref<5x128xi32, #tpu.memory_space<vmem>> -> memref<1x128xi32, #tpu.memory_space<vmem>>
      %dma_wait3A_152 = tpu.memref_squeeze %dma_wait3A_151 : memref<1x128xi32, #tpu.memory_space<vmem>> -> memref<128xi32, #tpu.memory_space<vmem>>
      %dma_wait3A_153 = arith.constant 0 : i32
      %dma_wait3A_154 = arith.constant 0 : i32
      %dma_wait3A_155 = tpu.memref_slice %arg9[%dma_wait3A_153, %dma_wait3A_154] : memref<10240x16xf32, #tpu.memory_space<vmem_shared>> -> memref<10240x16xf32, #tpu.memory_space<vmem_shared>>
      tpu.wait_indirect_dma semaphore(%run_scoped3A_143 : memref<!tpu.dma_semaphore, #tpu.memory_space<semaphore_mem>>) src(%arg6 : memref<128x16xf32, #tpu.memory_space<vmem>>) dst(%dma_wait3A_155 : memref<10240x16xf32, #tpu.memory_space<vmem_shared>>)
      tpu.yield
    }) : () -> ()
    %run_scoped3A_20 = arith.constant 4 : i32
    "tpu.region"() ({
      %run_scoped3A_143 = tpu.sem_alloc : memref<!tpu.dma_semaphore, #tpu.memory_space<semaphore_mem>>
      %dma_start3A_144 = arith.constant 0 : i32
      %dma_start3A_145 = tpu.memref_slice %arg7[%run_scoped3A_20, %dma_start3A_144] : memref<5x128xi32, #tpu.memory_space<vmem>> -> memref<1x128xi32, #tpu.memory_space<vmem>>
      %dma_start3A_146 = tpu.memref_squeeze %dma_start3A_145 : memref<1x128xi32, #tpu.memory_space<vmem>> -> memref<128xi32, #tpu.memory_space<vmem>>
      %dma_start3A_147 = arith.constant 0 : i32
      %dma_start3A_148 = arith.constant 0 : i32
      %dma_start3A_149 = tpu.memref_slice %arg9[%dma_start3A_147, %dma_start3A_148] : memref<10240x16xf32, #tpu.memory_space<vmem_shared>> -> memref<10240x16xf32, #tpu.memory_space<vmem_shared>>
      tpu.enqueue_indirect_dma source(%arg6 : memref<128x16xf32, #tpu.memory_space<vmem>>) target(%dma_start3A_149 : memref<10240x16xf32, #tpu.memory_space<vmem_shared>>) offsets(%dma_start3A_146 : memref<128xi32, #tpu.memory_space<vmem>>) semaphore(%run_scoped3A_143 : memref<!tpu.dma_semaphore, #tpu.memory_space<semaphore_mem>>)
      %dma_wait3A_150 = arith.constant 0 : i32
      %dma_wait3A_151 = tpu.memref_slice %arg7[%run_scoped3A_20, %dma_wait3A_150] : memref<5x128xi32, #tpu.memory_space<vmem>> -> memref<1x128xi32, #tpu.memory_space<vmem>>
      %dma_wait3A_152 = tpu.memref_squeeze %dma_wait3A_151 : memref<1x128xi32, #tpu.memory_space<vmem>> -> memref<128xi32, #tpu.memory_space<vmem>>
      %dma_wait3A_153 = arith.constant 0 : i32
      %dma_wait3A_154 = arith.constant 0 : i32
      %dma_wait3A_155 = tpu.memref_slice %arg9[%dma_wait3A_153, %dma_wait3A_154] : memref<10240x16xf32, #tpu.memory_space<vmem_shared>> -> memref<10240x16xf32, #tpu.memory_space<vmem_shared>>
      tpu.wait_indirect_dma semaphore(%run_scoped3A_143 : memref<!tpu.dma_semaphore, #tpu.memory_space<semaphore_mem>>) src(%arg6 : memref<128x16xf32, #tpu.memory_space<vmem>>) dst(%dma_wait3A_155 : memref<10240x16xf32, #tpu.memory_space<vmem_shared>>)
      tpu.yield
    }) : () -> ()
    %barrier3A = arith.constant 0 : index
    tpu.barrier barrier_id(%barrier3A)
    %mul3A_21 = arith.constant 80 : i32
    %mul3A_22 = arith.muli %add3A, %mul3A_21 : i32
    %add3A_23 = arith.constant 0 : i32
    %add3A_24 = arith.addi %mul3A_22, %add3A_23 : i32
    %dma_start3A = arith.constant 0 : i32
    %dma_start3A_25 = arith.constant 0 : i32
    %dma_start3A_26 = tpu.memref_slice %arg4[%dma_start3A, %dma_start3A_25] : memref<2x128xi32, #tpu.memory_space<vmem>> -> memref<1x128xi32, #tpu.memory_space<vmem>>
    %dma_start3A_27 = arith.constant 0 : i32
    %dma_start3A_28 = tpu.memref_slice %arg2[%add3A_24, %dma_start3A_27] : memref<2560x128xi32, #tpu.memory_space<hbm>> -> memref<1x128xi32, #tpu.memory_space<hbm>>
    %dma_start3A_29 = arith.constant 0 : i32
    %dma_start3A_30 = arith.constant 0 : i32
    %dma_start3A_31 = tpu.memref_slice %arg4[%dma_start3A_29, %dma_start3A_30] : memref<2x128xi32, #tpu.memory_space<vmem>> -> memref<1x128xi32, #tpu.memory_space<vmem>>
    %dma_start3A_32 = arith.constant 0 : i32
    %dma_start3A_33 = tpu.memref_slice %arg2[%add3A_24, %dma_start3A_32] : memref<2560x128xi32, #tpu.memory_space<hbm>> -> memref<1x128xi32, #tpu.memory_space<hbm>>
    tpu.enqueue_dma source(%dma_start3A_33 : memref<1x128xi32, #tpu.memory_space<hbm>>) target(%dma_start3A_31 : memref<1x128xi32, #tpu.memory_space<vmem>>) target_semaphore(%arg10 : memref<!tpu.dma_semaphore, #tpu.memory_space<semaphore_mem>>)
    %mul3A_34 = arith.constant 80 : i32
    %mul3A_35 = arith.muli %add3A, %mul3A_34 : i32
    %add3A_36 = arith.constant 1 : i32
    %add3A_37 = arith.addi %mul3A_35, %add3A_36 : i32
    %dma_start3A_38 = arith.constant 1 : i32
    %dma_start3A_39 = arith.constant 0 : i32
    %dma_start3A_40 = tpu.memref_slice %arg4[%dma_start3A_38, %dma_start3A_39] : memref<2x128xi32, #tpu.memory_space<vmem>> -> memref<1x128xi32, #tpu.memory_space<vmem>>
    %dma_start3A_41 = arith.constant 0 : i32
    %dma_start3A_42 = tpu.memref_slice %arg2[%add3A_37, %dma_start3A_41] : memref<2560x128xi32, #tpu.memory_space<hbm>> -> memref<1x128xi32, #tpu.memory_space<hbm>>
    %dma_start3A_43 = arith.constant 1 : i32
    %dma_start3A_44 = arith.constant 0 : i32
    %dma_start3A_45 = tpu.memref_slice %arg4[%dma_start3A_43, %dma_start3A_44] : memref<2x128xi32, #tpu.memory_space<vmem>> -> memref<1x128xi32, #tpu.memory_space<vmem>>
    %dma_start3A_46 = arith.constant 0 : i32
    %dma_start3A_47 = tpu.memref_slice %arg2[%add3A_37, %dma_start3A_46] : memref<2560x128xi32, #tpu.memory_space<hbm>> -> memref<1x128xi32, #tpu.memory_space<hbm>>
    tpu.enqueue_dma source(%dma_start3A_47 : memref<1x128xi32, #tpu.memory_space<hbm>>) target(%dma_start3A_45 : memref<1x128xi32, #tpu.memory_space<vmem>>) target_semaphore(%arg11 : memref<!tpu.dma_semaphore, #tpu.memory_space<semaphore_mem>>)
    %scan3A_48 = arith.constant 0 : i32
    %scan3A_49 = arith.constant 40 : i32
    %scan3A_50 = arith.addi %scan3A_48, %scan3A_49 : i32
    %scan3A_51 = arith.constant 1 : i32
    scf.for %scan3A_143 = %scan3A_48 to %scan3A_50 step %scan3A_51  : i32 {
      %mul3A_144 = arith.constant 2 : i32
      %mul3A_145 = arith.muli %mul3A_144, %scan3A_143 : i32
      %dma_wait3A_146 = arith.constant 0 : i32
      %dma_wait3A_147 = arith.constant 0 : i32
      %dma_wait3A_148 = tpu.memref_slice %arg4[%dma_wait3A_146, %dma_wait3A_147] : memref<2x128xi32, #tpu.memory_space<vmem>> -> memref<1x128xi32, #tpu.memory_space<vmem>>
      %dma_wait3A_149 = arith.constant 0 : i32
      %dma_wait3A_150 = arith.constant 0 : i32
      %dma_wait3A_151 = tpu.memref_slice %arg2[%dma_wait3A_149, %dma_wait3A_150] : memref<2560x128xi32, #tpu.memory_space<hbm>> -> memref<1x128xi32, #tpu.memory_space<hbm>>
      %dma_wait3A_152 = arith.constant 0 : i32
      %dma_wait3A_153 = arith.constant 0 : i32
      %dma_wait3A_154 = tpu.memref_slice %arg4[%dma_wait3A_152, %dma_wait3A_153] : memref<2x128xi32, #tpu.memory_space<vmem>> -> memref<1x128xi32, #tpu.memory_space<vmem>>
      %dma_wait3A_155 = arith.constant 0 : i32
      %dma_wait3A_156 = arith.constant 0 : i32
      %dma_wait3A_157 = tpu.memref_slice %arg2[%dma_wait3A_155, %dma_wait3A_156] : memref<2560x128xi32, #tpu.memory_space<hbm>> -> memref<1x128xi32, #tpu.memory_space<hbm>>
      tpu.wait_dma2 semaphore(%arg10 : memref<!tpu.dma_semaphore, #tpu.memory_space<semaphore_mem>>) src(%dma_wait3A_157 : memref<1x128xi32, #tpu.memory_space<hbm>>) dst(%dma_wait3A_154 : memref<1x128xi32, #tpu.memory_space<vmem>>)
      %run_scoped3A_158 = arith.constant 0 : i32
      "tpu.region"() ({
        %run_scoped3A_183 = tpu.sem_alloc : memref<!tpu.dma_semaphore, #tpu.memory_space<semaphore_mem>>
        %dma_start3A_184 = arith.constant 0 : i32
        %dma_start3A_185 = tpu.memref_slice %arg4[%run_scoped3A_158, %dma_start3A_184] : memref<2x128xi32, #tpu.memory_space<vmem>> -> memref<1x128xi32, #tpu.memory_space<vmem>>
        %dma_start3A_186 = tpu.memref_squeeze %dma_start3A_185 : memref<1x128xi32, #tpu.memory_space<vmem>> -> memref<128xi32, #tpu.memory_space<vmem>>
        %dma_start3A_187 = arith.constant 0 : i32
        %dma_start3A_188 = arith.constant 0 : i32
        %dma_start3A_189 = tpu.memref_slice %arg9[%dma_start3A_187, %dma_start3A_188] : memref<10240x16xf32, #tpu.memory_space<vmem_shared>> -> memref<10240x16xf32, #tpu.memory_space<vmem_shared>>
        tpu.enqueue_indirect_dma source(%arg5 : memref<128x16xf32, #tpu.memory_space<vmem>>) target(%dma_start3A_189 : memref<10240x16xf32, #tpu.memory_space<vmem_shared>>) offsets(%dma_start3A_186 : memref<128xi32, #tpu.memory_space<vmem>>) semaphore(%run_scoped3A_183 : memref<!tpu.dma_semaphore, #tpu.memory_space<semaphore_mem>>) {add = true}
        %dma_wait3A_190 = arith.constant 0 : i32
        %dma_wait3A_191 = tpu.memref_slice %arg4[%run_scoped3A_158, %dma_wait3A_190] : memref<2x128xi32, #tpu.memory_space<vmem>> -> memref<1x128xi32, #tpu.memory_space<vmem>>
        %dma_wait3A_192 = tpu.memref_squeeze %dma_wait3A_191 : memref<1x128xi32, #tpu.memory_space<vmem>> -> memref<128xi32, #tpu.memory_space<vmem>>
        %dma_wait3A_193 = arith.constant 0 : i32
        %dma_wait3A_194 = arith.constant 0 : i32
        %dma_wait3A_195 = tpu.memref_slice %arg9[%dma_wait3A_193, %dma_wait3A_194] : memref<10240x16xf32, #tpu.memory_space<vmem_shared>> -> memref<10240x16xf32, #tpu.memory_space<vmem_shared>>
        tpu.wait_indirect_dma semaphore(%run_scoped3A_183 : memref<!tpu.dma_semaphore, #tpu.memory_space<semaphore_mem>>) src(%arg5 : memref<128x16xf32, #tpu.memory_space<vmem>>) dst(%dma_wait3A_195 : memref<10240x16xf32, #tpu.memory_space<vmem_shared>>)
        tpu.yield
      }) : () -> ()
      %add3A_159 = arith.constant 2 : i32
      %add3A_160 = arith.addi %mul3A_145, %add3A_159 : i32
      %lt3A = arith.constant 80 : i32
      %lt3A_161 = arith.cmpi slt, %add3A_160, %lt3A : i32
      %convert_element_type3A = arith.extui %lt3A_161 : i1 to i32
      %cond3A = arith.constant 0 : i32
      %cond3A_162 = arith.cmpi ne, %convert_element_type3A, %cond3A : i32
      scf.if %cond3A_162 {
        %add3A_183 = arith.constant 2 : i32
        %add3A_184 = arith.addi %mul3A_145, %add3A_183 : i32
        %mul3A_185 = arith.constant 80 : i32
        %mul3A_186 = arith.muli %add3A, %mul3A_185 : i32
        %add3A_187 = arith.addi %mul3A_186, %add3A_184 : i32
        %dma_start3A_188 = arith.constant 0 : i32
        %dma_start3A_189 = arith.constant 0 : i32
        %dma_start3A_190 = tpu.memref_slice %arg4[%dma_start3A_188, %dma_start3A_189] : memref<2x128xi32, #tpu.memory_space<vmem>> -> memref<1x128xi32, #tpu.memory_space<vmem>>
        %dma_start3A_191 = arith.constant 0 : i32
        %dma_start3A_192 = tpu.memref_slice %arg2[%add3A_187, %dma_start3A_191] : memref<2560x128xi32, #tpu.memory_space<hbm>> -> memref<1x128xi32, #tpu.memory_space<hbm>>
        %dma_start3A_193 = arith.constant 0 : i32
        %dma_start3A_194 = arith.constant 0 : i32
        %dma_start3A_195 = tpu.memref_slice %arg4[%dma_start3A_193, %dma_start3A_194] : memref<2x128xi32, #tpu.memory_space<vmem>> -> memref<1x128xi32, #tpu.memory_space<vmem>>
        %dma_start3A_196 = arith.constant 0 : i32
        %dma_start3A_197 = tpu.memref_slice %arg2[%add3A_187, %dma_start3A_196] : memref<2560x128xi32, #tpu.memory_space<hbm>> -> memref<1x128xi32, #tpu.memory_space<hbm>>
        tpu.enqueue_dma source(%dma_start3A_197 : memref<1x128xi32, #tpu.memory_space<hbm>>) target(%dma_start3A_195 : memref<1x128xi32, #tpu.memory_space<vmem>>) target_semaphore(%arg10 : memref<!tpu.dma_semaphore, #tpu.memory_space<semaphore_mem>>)
      } else {
      }
      %dma_wait3A_163 = arith.constant 1 : i32
      %dma_wait3A_164 = arith.constant 0 : i32
      %dma_wait3A_165 = tpu.memref_slice %arg4[%dma_wait3A_163, %dma_wait3A_164] : memref<2x128xi32, #tpu.memory_space<vmem>> -> memref<1x128xi32, #tpu.memory_space<vmem>>
      %dma_wait3A_166 = arith.constant 0 : i32
      %dma_wait3A_167 = arith.constant 0 : i32
      %dma_wait3A_168 = tpu.memref_slice %arg2[%dma_wait3A_166, %dma_wait3A_167] : memref<2560x128xi32, #tpu.memory_space<hbm>> -> memref<1x128xi32, #tpu.memory_space<hbm>>
      %dma_wait3A_169 = arith.constant 1 : i32
      %dma_wait3A_170 = arith.constant 0 : i32
      %dma_wait3A_171 = tpu.memref_slice %arg4[%dma_wait3A_169, %dma_wait3A_170] : memref<2x128xi32, #tpu.memory_space<vmem>> -> memref<1x128xi32, #tpu.memory_space<vmem>>
      %dma_wait3A_172 = arith.constant 0 : i32
      %dma_wait3A_173 = arith.constant 0 : i32
      %dma_wait3A_174 = tpu.memref_slice %arg2[%dma_wait3A_172, %dma_wait3A_173] : memref<2560x128xi32, #tpu.memory_space<hbm>> -> memref<1x128xi32, #tpu.memory_space<hbm>>
      tpu.wait_dma2 semaphore(%arg11 : memref<!tpu.dma_semaphore, #tpu.memory_space<semaphore_mem>>) src(%dma_wait3A_174 : memref<1x128xi32, #tpu.memory_space<hbm>>) dst(%dma_wait3A_171 : memref<1x128xi32, #tpu.memory_space<vmem>>)
      %run_scoped3A_175 = arith.constant 1 : i32
      "tpu.region"() ({
        %run_scoped3A_183 = tpu.sem_alloc : memref<!tpu.dma_semaphore, #tpu.memory_space<semaphore_mem>>
        %dma_start3A_184 = arith.constant 0 : i32
        %dma_start3A_185 = tpu.memref_slice %arg4[%run_scoped3A_175, %dma_start3A_184] : memref<2x128xi32, #tpu.memory_space<vmem>> -> memref<1x128xi32, #tpu.memory_space<vmem>>
        %dma_start3A_186 = tpu.memref_squeeze %dma_start3A_185 : memref<1x128xi32, #tpu.memory_space<vmem>> -> memref<128xi32, #tpu.memory_space<vmem>>
        %dma_start3A_187 = arith.constant 0 : i32
        %dma_start3A_188 = arith.constant 0 : i32
        %dma_start3A_189 = tpu.memref_slice %arg9[%dma_start3A_187, %dma_start3A_188] : memref<10240x16xf32, #tpu.memory_space<vmem_shared>> -> memref<10240x16xf32, #tpu.memory_space<vmem_shared>>
        tpu.enqueue_indirect_dma source(%arg5 : memref<128x16xf32, #tpu.memory_space<vmem>>) target(%dma_start3A_189 : memref<10240x16xf32, #tpu.memory_space<vmem_shared>>) offsets(%dma_start3A_186 : memref<128xi32, #tpu.memory_space<vmem>>) semaphore(%run_scoped3A_183 : memref<!tpu.dma_semaphore, #tpu.memory_space<semaphore_mem>>) {add = true}
        %dma_wait3A_190 = arith.constant 0 : i32
        %dma_wait3A_191 = tpu.memref_slice %arg4[%run_scoped3A_175, %dma_wait3A_190] : memref<2x128xi32, #tpu.memory_space<vmem>> -> memref<1x128xi32, #tpu.memory_space<vmem>>
        %dma_wait3A_192 = tpu.memref_squeeze %dma_wait3A_191 : memref<1x128xi32, #tpu.memory_space<vmem>> -> memref<128xi32, #tpu.memory_space<vmem>>
        %dma_wait3A_193 = arith.constant 0 : i32
        %dma_wait3A_194 = arith.constant 0 : i32
        %dma_wait3A_195 = tpu.memref_slice %arg9[%dma_wait3A_193, %dma_wait3A_194] : memref<10240x16xf32, #tpu.memory_space<vmem_shared>> -> memref<10240x16xf32, #tpu.memory_space<vmem_shared>>
        tpu.wait_indirect_dma semaphore(%run_scoped3A_183 : memref<!tpu.dma_semaphore, #tpu.memory_space<semaphore_mem>>) src(%arg5 : memref<128x16xf32, #tpu.memory_space<vmem>>) dst(%dma_wait3A_195 : memref<10240x16xf32, #tpu.memory_space<vmem_shared>>)
        tpu.yield
      }) : () -> ()
      %add3A_176 = arith.constant 3 : i32
      %add3A_177 = arith.addi %mul3A_145, %add3A_176 : i32
      %lt3A_178 = arith.constant 80 : i32
      %lt3A_179 = arith.cmpi slt, %add3A_177, %lt3A_178 : i32
      %convert_element_type3A_180 = arith.extui %lt3A_179 : i1 to i32
      %cond3A_181 = arith.constant 0 : i32
      %cond3A_182 = arith.cmpi ne, %convert_element_type3A_180, %cond3A_181 : i32
      scf.if %cond3A_182 {
        %add3A_183 = arith.constant 3 : i32
        %add3A_184 = arith.addi %mul3A_145, %add3A_183 : i32
        %mul3A_185 = arith.constant 80 : i32
        %mul3A_186 = arith.muli %add3A, %mul3A_185 : i32
        %add3A_187 = arith.addi %mul3A_186, %add3A_184 : i32
        %dma_start3A_188 = arith.constant 1 : i32
        %dma_start3A_189 = arith.constant 0 : i32
        %dma_start3A_190 = tpu.memref_slice %arg4[%dma_start3A_188, %dma_start3A_189] : memref<2x128xi32, #tpu.memory_space<vmem>> -> memref<1x128xi32, #tpu.memory_space<vmem>>
        %dma_start3A_191 = arith.constant 0 : i32
        %dma_start3A_192 = tpu.memref_slice %arg2[%add3A_187, %dma_start3A_191] : memref<2560x128xi32, #tpu.memory_space<hbm>> -> memref<1x128xi32, #tpu.memory_space<hbm>>
        %dma_start3A_193 = arith.constant 1 : i32
        %dma_start3A_194 = arith.constant 0 : i32
        %dma_start3A_195 = tpu.memref_slice %arg4[%dma_start3A_193, %dma_start3A_194] : memref<2x128xi32, #tpu.memory_space<vmem>> -> memref<1x128xi32, #tpu.memory_space<vmem>>
        %dma_start3A_196 = arith.constant 0 : i32
        %dma_start3A_197 = tpu.memref_slice %arg2[%add3A_187, %dma_start3A_196] : memref<2560x128xi32, #tpu.memory_space<hbm>> -> memref<1x128xi32, #tpu.memory_space<hbm>>
        tpu.enqueue_dma source(%dma_start3A_197 : memref<1x128xi32, #tpu.memory_space<hbm>>) target(%dma_start3A_195 : memref<1x128xi32, #tpu.memory_space<vmem>>) target_semaphore(%arg11 : memref<!tpu.dma_semaphore, #tpu.memory_space<semaphore_mem>>)
      } else {
      }
    }
    %scan3A_52 = arith.constant 40 : i32
    %barrier3A_53 = arith.constant 0 : index
    tpu.barrier barrier_id(%barrier3A_53)
    %dma_start3A_54 = arith.constant 0 : i32
    %dma_start3A_55 = arith.constant 0 : i32
    %dma_start3A_56 = tpu.memref_slice %arg7[%dma_start3A_54, %dma_start3A_55] : memref<5x128xi32, #tpu.memory_space<vmem>> -> memref<1x128xi32, #tpu.memory_space<vmem>>
    %dma_start3A_57 = tpu.memref_squeeze %dma_start3A_56 : memref<1x128xi32, #tpu.memory_space<vmem>> -> memref<128xi32, #tpu.memory_space<vmem>>
    %dma_start3A_58 = arith.constant 0 : i32
    %dma_start3A_59 = arith.constant 0 : i32
    %dma_start3A_60 = tpu.memref_slice %arg9[%dma_start3A_58, %dma_start3A_59] : memref<10240x16xf32, #tpu.memory_space<vmem_shared>> -> memref<10240x16xf32, #tpu.memory_space<vmem_shared>>
    tpu.enqueue_indirect_dma source(%dma_start3A_60 : memref<10240x16xf32, #tpu.memory_space<vmem_shared>>) target(%arg8 : memref<128x16xf32, #tpu.memory_space<vmem>>) offsets(%dma_start3A_57 : memref<128xi32, #tpu.memory_space<vmem>>) semaphore(%arg10 : memref<!tpu.dma_semaphore, #tpu.memory_space<semaphore_mem>>)
    %dma_wait3A = arith.constant 0 : i32
    %dma_wait3A_61 = arith.constant 0 : i32
    %dma_wait3A_62 = tpu.memref_slice %arg7[%dma_wait3A, %dma_wait3A_61] : memref<5x128xi32, #tpu.memory_space<vmem>> -> memref<1x128xi32, #tpu.memory_space<vmem>>
    %dma_wait3A_63 = tpu.memref_squeeze %dma_wait3A_62 : memref<1x128xi32, #tpu.memory_space<vmem>> -> memref<128xi32, #tpu.memory_space<vmem>>
    %dma_wait3A_64 = arith.constant 0 : i32
    %dma_wait3A_65 = arith.constant 0 : i32
    %dma_wait3A_66 = tpu.memref_slice %arg9[%dma_wait3A_64, %dma_wait3A_65] : memref<10240x16xf32, #tpu.memory_space<vmem_shared>> -> memref<10240x16xf32, #tpu.memory_space<vmem_shared>>
    tpu.wait_indirect_dma semaphore(%arg10 : memref<!tpu.dma_semaphore, #tpu.memory_space<semaphore_mem>>) src(%dma_wait3A_66 : memref<10240x16xf32, #tpu.memory_space<vmem_shared>>) dst(%arg8 : memref<128x16xf32, #tpu.memory_space<vmem>>)
    %mul3A_67 = arith.constant 640 : i32
    %mul3A_68 = arith.muli %arg1, %mul3A_67 : i32
    %add3A_69 = arith.constant 0 : i32
    %add3A_70 = arith.addi %mul3A_68, %add3A_69 : i32
    "tpu.region"() ({
      %run_scoped3A_143 = tpu.sem_alloc : memref<!tpu.dma_semaphore, #tpu.memory_space<semaphore_mem>>
      %dma_start3A_144 = arith.constant 0 : i32
      %dma_start3A_145 = tpu.memref_slice %arg3[%arg0, %add3A_70, %dma_start3A_144] : memref<2x10240x16xf32, #tpu.memory_space<hbm>> -> memref<1x128x16xf32, #tpu.memory_space<hbm>>
      %dma_start3A_146 = tpu.memref_squeeze %dma_start3A_145 : memref<1x128x16xf32, #tpu.memory_space<hbm>> -> memref<128x16xf32, #tpu.memory_space<hbm>>
      %dma_start3A_147 = arith.constant 0 : i32
      %dma_start3A_148 = tpu.memref_slice %arg3[%arg0, %add3A_70, %dma_start3A_147] : memref<2x10240x16xf32, #tpu.memory_space<hbm>> -> memref<1x128x16xf32, #tpu.memory_space<hbm>>
      %dma_start3A_149 = tpu.memref_squeeze %dma_start3A_148 : memref<1x128x16xf32, #tpu.memory_space<hbm>> -> memref<128x16xf32, #tpu.memory_space<hbm>>
      tpu.enqueue_dma source(%arg8 : memref<128x16xf32, #tpu.memory_space<vmem>>) target(%dma_start3A_149 : memref<128x16xf32, #tpu.memory_space<hbm>>) target_semaphore(%run_scoped3A_143 : memref<!tpu.dma_semaphore, #tpu.memory_space<semaphore_mem>>)
      %dma_wait3A_150 = arith.constant 0 : i32
      %dma_wait3A_151 = tpu.memref_slice %arg3[%arg0, %add3A_70, %dma_wait3A_150] : memref<2x10240x16xf32, #tpu.memory_space<hbm>> -> memref<1x128x16xf32, #tpu.memory_space<hbm>>
      %dma_wait3A_152 = tpu.memref_squeeze %dma_wait3A_151 : memref<1x128x16xf32, #tpu.memory_space<hbm>> -> memref<128x16xf32, #tpu.memory_space<hbm>>
      %dma_wait3A_153 = arith.constant 0 : i32
      %dma_wait3A_154 = tpu.memref_slice %arg3[%arg0, %add3A_70, %dma_wait3A_153] : memref<2x10240x16xf32, #tpu.memory_space<hbm>> -> memref<1x128x16xf32, #tpu.memory_space<hbm>>
      %dma_wait3A_155 = tpu.memref_squeeze %dma_wait3A_154 : memref<1x128x16xf32, #tpu.memory_space<hbm>> -> memref<128x16xf32, #tpu.memory_space<hbm>>
      tpu.wait_dma2 semaphore(%run_scoped3A_143 : memref<!tpu.dma_semaphore, #tpu.memory_space<semaphore_mem>>) src(%arg8 : memref<128x16xf32, #tpu.memory_space<vmem>>) dst(%dma_wait3A_155 : memref<128x16xf32, #tpu.memory_space<hbm>>)
      tpu.yield
    }) : () -> ()
    %dma_start3A_71 = arith.constant 1 : i32
    %dma_start3A_72 = arith.constant 0 : i32
    %dma_start3A_73 = tpu.memref_slice %arg7[%dma_start3A_71, %dma_start3A_72] : memref<5x128xi32, #tpu.memory_space<vmem>> -> memref<1x128xi32, #tpu.memory_space<vmem>>
    %dma_start3A_74 = tpu.memref_squeeze %dma_start3A_73 : memref<1x128xi32, #tpu.memory_space<vmem>> -> memref<128xi32, #tpu.memory_space<vmem>>
    %dma_start3A_75 = arith.constant 0 : i32
    %dma_start3A_76 = arith.constant 0 : i32
    %dma_start3A_77 = tpu.memref_slice %arg9[%dma_start3A_75, %dma_start3A_76] : memref<10240x16xf32, #tpu.memory_space<vmem_shared>> -> memref<10240x16xf32, #tpu.memory_space<vmem_shared>>
    tpu.enqueue_indirect_dma source(%dma_start3A_77 : memref<10240x16xf32, #tpu.memory_space<vmem_shared>>) target(%arg8 : memref<128x16xf32, #tpu.memory_space<vmem>>) offsets(%dma_start3A_74 : memref<128xi32, #tpu.memory_space<vmem>>) semaphore(%arg10 : memref<!tpu.dma_semaphore, #tpu.memory_space<semaphore_mem>>)
    %dma_wait3A_78 = arith.constant 1 : i32
    %dma_wait3A_79 = arith.constant 0 : i32
    %dma_wait3A_80 = tpu.memref_slice %arg7[%dma_wait3A_78, %dma_wait3A_79] : memref<5x128xi32, #tpu.memory_space<vmem>> -> memref<1x128xi32, #tpu.memory_space<vmem>>
    %dma_wait3A_81 = tpu.memref_squeeze %dma_wait3A_80 : memref<1x128xi32, #tpu.memory_space<vmem>> -> memref<128xi32, #tpu.memory_space<vmem>>
    %dma_wait3A_82 = arith.constant 0 : i32
    %dma_wait3A_83 = arith.constant 0 : i32
    %dma_wait3A_84 = tpu.memref_slice %arg9[%dma_wait3A_82, %dma_wait3A_83] : memref<10240x16xf32, #tpu.memory_space<vmem_shared>> -> memref<10240x16xf32, #tpu.memory_space<vmem_shared>>
    tpu.wait_indirect_dma semaphore(%arg10 : memref<!tpu.dma_semaphore, #tpu.memory_space<semaphore_mem>>) src(%dma_wait3A_84 : memref<10240x16xf32, #tpu.memory_space<vmem_shared>>) dst(%arg8 : memref<128x16xf32, #tpu.memory_space<vmem>>)
    %mul3A_85 = arith.constant 640 : i32
    %mul3A_86 = arith.muli %arg1, %mul3A_85 : i32
    %add3A_87 = arith.constant 128 : i32
    %add3A_88 = arith.addi %mul3A_86, %add3A_87 : i32
    "tpu.region"() ({
      %run_scoped3A_143 = tpu.sem_alloc : memref<!tpu.dma_semaphore, #tpu.memory_space<semaphore_mem>>
      %dma_start3A_144 = arith.constant 0 : i32
      %dma_start3A_145 = tpu.memref_slice %arg3[%arg0, %add3A_88, %dma_start3A_144] : memref<2x10240x16xf32, #tpu.memory_space<hbm>> -> memref<1x128x16xf32, #tpu.memory_space<hbm>>
      %dma_start3A_146 = tpu.memref_squeeze %dma_start3A_145 : memref<1x128x16xf32, #tpu.memory_space<hbm>> -> memref<128x16xf32, #tpu.memory_space<hbm>>
      %dma_start3A_147 = arith.constant 0 : i32
      %dma_start3A_148 = tpu.memref_slice %arg3[%arg0, %add3A_88, %dma_start3A_147] : memref<2x10240x16xf32, #tpu.memory_space<hbm>> -> memref<1x128x16xf32, #tpu.memory_space<hbm>>
      %dma_start3A_149 = tpu.memref_squeeze %dma_start3A_148 : memref<1x128x16xf32, #tpu.memory_space<hbm>> -> memref<128x16xf32, #tpu.memory_space<hbm>>
      tpu.enqueue_dma source(%arg8 : memref<128x16xf32, #tpu.memory_space<vmem>>) target(%dma_start3A_149 : memref<128x16xf32, #tpu.memory_space<hbm>>) target_semaphore(%run_scoped3A_143 : memref<!tpu.dma_semaphore, #tpu.memory_space<semaphore_mem>>)
      %dma_wait3A_150 = arith.constant 0 : i32
      %dma_wait3A_151 = tpu.memref_slice %arg3[%arg0, %add3A_88, %dma_wait3A_150] : memref<2x10240x16xf32, #tpu.memory_space<hbm>> -> memref<1x128x16xf32, #tpu.memory_space<hbm>>
      %dma_wait3A_152 = tpu.memref_squeeze %dma_wait3A_151 : memref<1x128x16xf32, #tpu.memory_space<hbm>> -> memref<128x16xf32, #tpu.memory_space<hbm>>
      %dma_wait3A_153 = arith.constant 0 : i32
      %dma_wait3A_154 = tpu.memref_slice %arg3[%arg0, %add3A_88, %dma_wait3A_153] : memref<2x10240x16xf32, #tpu.memory_space<hbm>> -> memref<1x128x16xf32, #tpu.memory_space<hbm>>
      %dma_wait3A_155 = tpu.memref_squeeze %dma_wait3A_154 : memref<1x128x16xf32, #tpu.memory_space<hbm>> -> memref<128x16xf32, #tpu.memory_space<hbm>>
      tpu.wait_dma2 semaphore(%run_scoped3A_143 : memref<!tpu.dma_semaphore, #tpu.memory_space<semaphore_mem>>) src(%arg8 : memref<128x16xf32, #tpu.memory_space<vmem>>) dst(%dma_wait3A_155 : memref<128x16xf32, #tpu.memory_space<hbm>>)
      tpu.yield
    }) : () -> ()
    %dma_start3A_89 = arith.constant 2 : i32
    %dma_start3A_90 = arith.constant 0 : i32
    %dma_start3A_91 = tpu.memref_slice %arg7[%dma_start3A_89, %dma_start3A_90] : memref<5x128xi32, #tpu.memory_space<vmem>> -> memref<1x128xi32, #tpu.memory_space<vmem>>
    %dma_start3A_92 = tpu.memref_squeeze %dma_start3A_91 : memref<1x128xi32, #tpu.memory_space<vmem>> -> memref<128xi32, #tpu.memory_space<vmem>>
    %dma_start3A_93 = arith.constant 0 : i32
    %dma_start3A_94 = arith.constant 0 : i32
    %dma_start3A_95 = tpu.memref_slice %arg9[%dma_start3A_93, %dma_start3A_94] : memref<10240x16xf32, #tpu.memory_space<vmem_shared>> -> memref<10240x16xf32, #tpu.memory_space<vmem_shared>>
    tpu.enqueue_indirect_dma source(%dma_start3A_95 : memref<10240x16xf32, #tpu.memory_space<vmem_shared>>) target(%arg8 : memref<128x16xf32, #tpu.memory_space<vmem>>) offsets(%dma_start3A_92 : memref<128xi32, #tpu.memory_space<vmem>>) semaphore(%arg10 : memref<!tpu.dma_semaphore, #tpu.memory_space<semaphore_mem>>)
    %dma_wait3A_96 = arith.constant 2 : i32
    %dma_wait3A_97 = arith.constant 0 : i32
    %dma_wait3A_98 = tpu.memref_slice %arg7[%dma_wait3A_96, %dma_wait3A_97] : memref<5x128xi32, #tpu.memory_space<vmem>> -> memref<1x128xi32, #tpu.memory_space<vmem>>
    %dma_wait3A_99 = tpu.memref_squeeze %dma_wait3A_98 : memref<1x128xi32, #tpu.memory_space<vmem>> -> memref<128xi32, #tpu.memory_space<vmem>>
    %dma_wait3A_100 = arith.constant 0 : i32
    %dma_wait3A_101 = arith.constant 0 : i32
    %dma_wait3A_102 = tpu.memref_slice %arg9[%dma_wait3A_100, %dma_wait3A_101] : memref<10240x16xf32, #tpu.memory_space<vmem_shared>> -> memref<10240x16xf32, #tpu.memory_space<vmem_shared>>
    tpu.wait_indirect_dma semaphore(%arg10 : memref<!tpu.dma_semaphore, #tpu.memory_space<semaphore_mem>>) src(%dma_wait3A_102 : memref<10240x16xf32, #tpu.memory_space<vmem_shared>>) dst(%arg8 : memref<128x16xf32, #tpu.memory_space<vmem>>)
    %mul3A_103 = arith.constant 640 : i32
    %mul3A_104 = arith.muli %arg1, %mul3A_103 : i32
    %add3A_105 = arith.constant 256 : i32
    %add3A_106 = arith.addi %mul3A_104, %add3A_105 : i32
    "tpu.region"() ({
      %run_scoped3A_143 = tpu.sem_alloc : memref<!tpu.dma_semaphore, #tpu.memory_space<semaphore_mem>>
      %dma_start3A_144 = arith.constant 0 : i32
      %dma_start3A_145 = tpu.memref_slice %arg3[%arg0, %add3A_106, %dma_start3A_144] : memref<2x10240x16xf32, #tpu.memory_space<hbm>> -> memref<1x128x16xf32, #tpu.memory_space<hbm>>
      %dma_start3A_146 = tpu.memref_squeeze %dma_start3A_145 : memref<1x128x16xf32, #tpu.memory_space<hbm>> -> memref<128x16xf32, #tpu.memory_space<hbm>>
      %dma_start3A_147 = arith.constant 0 : i32
      %dma_start3A_148 = tpu.memref_slice %arg3[%arg0, %add3A_106, %dma_start3A_147] : memref<2x10240x16xf32, #tpu.memory_space<hbm>> -> memref<1x128x16xf32, #tpu.memory_space<hbm>>
      %dma_start3A_149 = tpu.memref_squeeze %dma_start3A_148 : memref<1x128x16xf32, #tpu.memory_space<hbm>> -> memref<128x16xf32, #tpu.memory_space<hbm>>
      tpu.enqueue_dma source(%arg8 : memref<128x16xf32, #tpu.memory_space<vmem>>) target(%dma_start3A_149 : memref<128x16xf32, #tpu.memory_space<hbm>>) target_semaphore(%run_scoped3A_143 : memref<!tpu.dma_semaphore, #tpu.memory_space<semaphore_mem>>)
      %dma_wait3A_150 = arith.constant 0 : i32
      %dma_wait3A_151 = tpu.memref_slice %arg3[%arg0, %add3A_106, %dma_wait3A_150] : memref<2x10240x16xf32, #tpu.memory_space<hbm>> -> memref<1x128x16xf32, #tpu.memory_space<hbm>>
      %dma_wait3A_152 = tpu.memref_squeeze %dma_wait3A_151 : memref<1x128x16xf32, #tpu.memory_space<hbm>> -> memref<128x16xf32, #tpu.memory_space<hbm>>
      %dma_wait3A_153 = arith.constant 0 : i32
      %dma_wait3A_154 = tpu.memref_slice %arg3[%arg0, %add3A_106, %dma_wait3A_153] : memref<2x10240x16xf32, #tpu.memory_space<hbm>> -> memref<1x128x16xf32, #tpu.memory_space<hbm>>
      %dma_wait3A_155 = tpu.memref_squeeze %dma_wait3A_154 : memref<1x128x16xf32, #tpu.memory_space<hbm>> -> memref<128x16xf32, #tpu.memory_space<hbm>>
      tpu.wait_dma2 semaphore(%run_scoped3A_143 : memref<!tpu.dma_semaphore, #tpu.memory_space<semaphore_mem>>) src(%arg8 : memref<128x16xf32, #tpu.memory_space<vmem>>) dst(%dma_wait3A_155 : memref<128x16xf32, #tpu.memory_space<hbm>>)
      tpu.yield
    }) : () -> ()
    %dma_start3A_107 = arith.constant 3 : i32
    %dma_start3A_108 = arith.constant 0 : i32
    %dma_start3A_109 = tpu.memref_slice %arg7[%dma_start3A_107, %dma_start3A_108] : memref<5x128xi32, #tpu.memory_space<vmem>> -> memref<1x128xi32, #tpu.memory_space<vmem>>
    %dma_start3A_110 = tpu.memref_squeeze %dma_start3A_109 : memref<1x128xi32, #tpu.memory_space<vmem>> -> memref<128xi32, #tpu.memory_space<vmem>>
    %dma_start3A_111 = arith.constant 0 : i32
    %dma_start3A_112 = arith.constant 0 : i32
    %dma_start3A_113 = tpu.memref_slice %arg9[%dma_start3A_111, %dma_start3A_112] : memref<10240x16xf32, #tpu.memory_space<vmem_shared>> -> memref<10240x16xf32, #tpu.memory_space<vmem_shared>>
    tpu.enqueue_indirect_dma source(%dma_start3A_113 : memref<10240x16xf32, #tpu.memory_space<vmem_shared>>) target(%arg8 : memref<128x16xf32, #tpu.memory_space<vmem>>) offsets(%dma_start3A_110 : memref<128xi32, #tpu.memory_space<vmem>>) semaphore(%arg10 : memref<!tpu.dma_semaphore, #tpu.memory_space<semaphore_mem>>)
    %dma_wait3A_114 = arith.constant 3 : i32
    %dma_wait3A_115 = arith.constant 0 : i32
    %dma_wait3A_116 = tpu.memref_slice %arg7[%dma_wait3A_114, %dma_wait3A_115] : memref<5x128xi32, #tpu.memory_space<vmem>> -> memref<1x128xi32, #tpu.memory_space<vmem>>
    %dma_wait3A_117 = tpu.memref_squeeze %dma_wait3A_116 : memref<1x128xi32, #tpu.memory_space<vmem>> -> memref<128xi32, #tpu.memory_space<vmem>>
    %dma_wait3A_118 = arith.constant 0 : i32
    %dma_wait3A_119 = arith.constant 0 : i32
    %dma_wait3A_120 = tpu.memref_slice %arg9[%dma_wait3A_118, %dma_wait3A_119] : memref<10240x16xf32, #tpu.memory_space<vmem_shared>> -> memref<10240x16xf32, #tpu.memory_space<vmem_shared>>
    tpu.wait_indirect_dma semaphore(%arg10 : memref<!tpu.dma_semaphore, #tpu.memory_space<semaphore_mem>>) src(%dma_wait3A_120 : memref<10240x16xf32, #tpu.memory_space<vmem_shared>>) dst(%arg8 : memref<128x16xf32, #tpu.memory_space<vmem>>)
    %mul3A_121 = arith.constant 640 : i32
    %mul3A_122 = arith.muli %arg1, %mul3A_121 : i32
    %add3A_123 = arith.constant 384 : i32
    %add3A_124 = arith.addi %mul3A_122, %add3A_123 : i32
    "tpu.region"() ({
      %run_scoped3A_143 = tpu.sem_alloc : memref<!tpu.dma_semaphore, #tpu.memory_space<semaphore_mem>>
      %dma_start3A_144 = arith.constant 0 : i32
      %dma_start3A_145 = tpu.memref_slice %arg3[%arg0, %add3A_124, %dma_start3A_144] : memref<2x10240x16xf32, #tpu.memory_space<hbm>> -> memref<1x128x16xf32, #tpu.memory_space<hbm>>
      %dma_start3A_146 = tpu.memref_squeeze %dma_start3A_145 : memref<1x128x16xf32, #tpu.memory_space<hbm>> -> memref<128x16xf32, #tpu.memory_space<hbm>>
      %dma_start3A_147 = arith.constant 0 : i32
      %dma_start3A_148 = tpu.memref_slice %arg3[%arg0, %add3A_124, %dma_start3A_147] : memref<2x10240x16xf32, #tpu.memory_space<hbm>> -> memref<1x128x16xf32, #tpu.memory_space<hbm>>
      %dma_start3A_149 = tpu.memref_squeeze %dma_start3A_148 : memref<1x128x16xf32, #tpu.memory_space<hbm>> -> memref<128x16xf32, #tpu.memory_space<hbm>>
      tpu.enqueue_dma source(%arg8 : memref<128x16xf32, #tpu.memory_space<vmem>>) target(%dma_start3A_149 : memref<128x16xf32, #tpu.memory_space<hbm>>) target_semaphore(%run_scoped3A_143 : memref<!tpu.dma_semaphore, #tpu.memory_space<semaphore_mem>>)
      %dma_wait3A_150 = arith.constant 0 : i32
      %dma_wait3A_151 = tpu.memref_slice %arg3[%arg0, %add3A_124, %dma_wait3A_150] : memref<2x10240x16xf32, #tpu.memory_space<hbm>> -> memref<1x128x16xf32, #tpu.memory_space<hbm>>
      %dma_wait3A_152 = tpu.memref_squeeze %dma_wait3A_151 : memref<1x128x16xf32, #tpu.memory_space<hbm>> -> memref<128x16xf32, #tpu.memory_space<hbm>>
      %dma_wait3A_153 = arith.constant 0 : i32
      %dma_wait3A_154 = tpu.memref_slice %arg3[%arg0, %add3A_124, %dma_wait3A_153] : memref<2x10240x16xf32, #tpu.memory_space<hbm>> -> memref<1x128x16xf32, #tpu.memory_space<hbm>>
      %dma_wait3A_155 = tpu.memref_squeeze %dma_wait3A_154 : memref<1x128x16xf32, #tpu.memory_space<hbm>> -> memref<128x16xf32, #tpu.memory_space<hbm>>
      tpu.wait_dma2 semaphore(%run_scoped3A_143 : memref<!tpu.dma_semaphore, #tpu.memory_space<semaphore_mem>>) src(%arg8 : memref<128x16xf32, #tpu.memory_space<vmem>>) dst(%dma_wait3A_155 : memref<128x16xf32, #tpu.memory_space<hbm>>)
      tpu.yield
    }) : () -> ()
    %dma_start3A_125 = arith.constant 4 : i32
    %dma_start3A_126 = arith.constant 0 : i32
    %dma_start3A_127 = tpu.memref_slice %arg7[%dma_start3A_125, %dma_start3A_126] : memref<5x128xi32, #tpu.memory_space<vmem>> -> memref<1x128xi32, #tpu.memory_space<vmem>>
    %dma_start3A_128 = tpu.memref_squeeze %dma_start3A_127 : memref<1x128xi32, #tpu.memory_space<vmem>> -> memref<128xi32, #tpu.memory_space<vmem>>
    %dma_start3A_129 = arith.constant 0 : i32
    %dma_start3A_130 = arith.constant 0 : i32
    %dma_start3A_131 = tpu.memref_slice %arg9[%dma_start3A_129, %dma_start3A_130] : memref<10240x16xf32, #tpu.memory_space<vmem_shared>> -> memref<10240x16xf32, #tpu.memory_space<vmem_shared>>
    tpu.enqueue_indirect_dma source(%dma_start3A_131 : memref<10240x16xf32, #tpu.memory_space<vmem_shared>>) target(%arg8 : memref<128x16xf32, #tpu.memory_space<vmem>>) offsets(%dma_start3A_128 : memref<128xi32, #tpu.memory_space<vmem>>) semaphore(%arg10 : memref<!tpu.dma_semaphore, #tpu.memory_space<semaphore_mem>>)
    %dma_wait3A_132 = arith.constant 4 : i32
    %dma_wait3A_133 = arith.constant 0 : i32
    %dma_wait3A_134 = tpu.memref_slice %arg7[%dma_wait3A_132, %dma_wait3A_133] : memref<5x128xi32, #tpu.memory_space<vmem>> -> memref<1x128xi32, #tpu.memory_space<vmem>>
    %dma_wait3A_135 = tpu.memref_squeeze %dma_wait3A_134 : memref<1x128xi32, #tpu.memory_space<vmem>> -> memref<128xi32, #tpu.memory_space<vmem>>
    %dma_wait3A_136 = arith.constant 0 : i32
    %dma_wait3A_137 = arith.constant 0 : i32
    %dma_wait3A_138 = tpu.memref_slice %arg9[%dma_wait3A_136, %dma_wait3A_137] : memref<10240x16xf32, #tpu.memory_space<vmem_shared>> -> memref<10240x16xf32, #tpu.memory_space<vmem_shared>>
    tpu.wait_indirect_dma semaphore(%arg10 : memref<!tpu.dma_semaphore, #tpu.memory_space<semaphore_mem>>) src(%dma_wait3A_138 : memref<10240x16xf32, #tpu.memory_space<vmem_shared>>) dst(%arg8 : memref<128x16xf32, #tpu.memory_space<vmem>>)
    %mul3A_139 = arith.constant 640 : i32
    %mul3A_140 = arith.muli %arg1, %mul3A_139 : i32
    %add3A_141 = arith.constant 512 : i32
    %add3A_142 = arith.addi %mul3A_140, %add3A_141 : i32
    "tpu.region"() ({
      %run_scoped3A_143 = tpu.sem_alloc : memref<!tpu.dma_semaphore, #tpu.memory_space<semaphore_mem>>
      %dma_start3A_144 = arith.constant 0 : i32
      %dma_start3A_145 = tpu.memref_slice %arg3[%arg0, %add3A_142, %dma_start3A_144] : memref<2x10240x16xf32, #tpu.memory_space<hbm>> -> memref<1x128x16xf32, #tpu.memory_space<hbm>>
      %dma_start3A_146 = tpu.memref_squeeze %dma_start3A_145 : memref<1x128x16xf32, #tpu.memory_space<hbm>> -> memref<128x16xf32, #tpu.memory_space<hbm>>
      %dma_start3A_147 = arith.constant 0 : i32
      %dma_start3A_148 = tpu.memref_slice %arg3[%arg0, %add3A_142, %dma_start3A_147] : memref<2x10240x16xf32, #tpu.memory_space<hbm>> -> memref<1x128x16xf32, #tpu.memory_space<hbm>>
      %dma_start3A_149 = tpu.memref_squeeze %dma_start3A_148 : memref<1x128x16xf32, #tpu.memory_space<hbm>> -> memref<128x16xf32, #tpu.memory_space<hbm>>
      tpu.enqueue_dma source(%arg8 : memref<128x16xf32, #tpu.memory_space<vmem>>) target(%dma_start3A_149 : memref<128x16xf32, #tpu.memory_space<hbm>>) target_semaphore(%run_scoped3A_143 : memref<!tpu.dma_semaphore, #tpu.memory_space<semaphore_mem>>)
      %dma_wait3A_150 = arith.constant 0 : i32
      %dma_wait3A_151 = tpu.memref_slice %arg3[%arg0, %add3A_142, %dma_wait3A_150] : memref<2x10240x16xf32, #tpu.memory_space<hbm>> -> memref<1x128x16xf32, #tpu.memory_space<hbm>>
      %dma_wait3A_152 = tpu.memref_squeeze %dma_wait3A_151 : memref<1x128x16xf32, #tpu.memory_space<hbm>> -> memref<128x16xf32, #tpu.memory_space<hbm>>
      %dma_wait3A_153 = arith.constant 0 : i32
      %dma_wait3A_154 = tpu.memref_slice %arg3[%arg0, %add3A_142, %dma_wait3A_153] : memref<2x10240x16xf32, #tpu.memory_space<hbm>> -> memref<1x128x16xf32, #tpu.memory_space<hbm>>
      %dma_wait3A_155 = tpu.memref_squeeze %dma_wait3A_154 : memref<1x128x16xf32, #tpu.memory_space<hbm>> -> memref<128x16xf32, #tpu.memory_space<hbm>>
      tpu.wait_dma2 semaphore(%run_scoped3A_143 : memref<!tpu.dma_semaphore, #tpu.memory_space<semaphore_mem>>) src(%arg8 : memref<128x16xf32, #tpu.memory_space<vmem>>) dst(%dma_wait3A_155 : memref<128x16xf32, #tpu.memory_space<hbm>>)
      tpu.yield
    }) : () -> ()
    return
  }
}

#map = affine_map<(d0, d1) -> (0, 0)>
#map1 = affine_map<(d0, d1) -> (0, 0, 0)>
module attributes {stable_mosaic.version = 14 : i64} {
  func.func @wrapped(%arg0: i32, %arg1: i32, %arg2: memref<10240x128xf32, #tpu.memory_space<hbm>>, %arg3: memref<2560x128xi32, #tpu.memory_space<hbm>>, %arg4: memref<2560x128xi32, #tpu.memory_space<hbm>>, %arg5: memref<2x10240x128xf32, #tpu.memory_space<hbm>>, %arg6: memref<1x128xi32, #tpu.memory_space<vmem>>, %arg7: memref<1x128xi32, #tpu.memory_space<vmem>>, %arg8: memref<1x128xi32, #tpu.memory_space<vmem>>, %arg9: memref<1x128xi32, #tpu.memory_space<vmem>>, %arg10: memref<128x128xf32, #tpu.memory_space<vmem>>, %arg11: memref<128x128xf32, #tpu.memory_space<vmem>>, %arg12: memref<5x128xi32, #tpu.memory_space<vmem>>, %arg13: memref<10240x128xf32, #tpu.memory_space<vmem_shared>>, %arg14: memref<!tpu.dma_semaphore, #tpu.memory_space<semaphore_mem>>, %arg15: memref<!tpu.dma_semaphore, #tpu.memory_space<semaphore_mem>>, %arg16: memref<!tpu.dma_semaphore, #tpu.memory_space<semaphore_mem>>, %arg17: memref<!tpu.dma_semaphore, #tpu.memory_space<semaphore_mem>>, %arg18: memref<!tpu.dma_semaphore, #tpu.memory_space<semaphore_mem>>, %arg19: memref<!tpu.dma_semaphore, #tpu.memory_space<semaphore_mem>>, %arg20: memref<!tpu.dma_semaphore, #tpu.memory_space<semaphore_mem>>, %arg21: memref<!tpu.dma_semaphore, #tpu.memory_space<semaphore_mem>>) attributes {dimension_semantics = [#tpu.dimension_semantics<core_parallel>, #tpu.dimension_semantics<subcore_parallel>], iteration_bounds = array<i64: 2, 16>, scalar_prefetch = 0 : i64, scratch_operands = 16 : i64, tpu.core_type = #tpu.core_type<sc_vector_subcore>, window_params = [{transform_indices = #map}, {transform_indices = #map}, {transform_indices = #map}, {transform_indices = #map1}]} {
    %mul3A = arith.constant 16 : i32
    %mul3A_0 = arith.muli %arg0, %mul3A : i32
    %add3A = arith.addi %mul3A_0, %arg1 : i32
    %broadcast_in_dim3A = arith.constant 0.000000e+00 : f32
    %broadcast_in_dim3A_1 = vector.broadcast %broadcast_in_dim3A : f32 to vector<16xf32>
    %scan3A = arith.constant 0 : i32
    %scan3A_2 = arith.constant 1024 : i32
    %scan3A_3 = arith.addi %scan3A, %scan3A_2 : i32
    %scan3A_4 = arith.constant 1 : i32
    scf.for %scan3A_138 = %scan3A to %scan3A_3 step %scan3A_4  : i32 {
      %jit3A = arith.constant 8 : i32
      %div3A = arith.divsi %scan3A_138, %jit3A : i32
      %sign3A = arith.constant 0 : i32
      %sign3A_139 = arith.cmpi sgt, %scan3A_138, %sign3A : i32
      %sign3A_140 = arith.extui %sign3A_139 : i1 to i32
      %sign3A_141 = arith.constant 0 : i32
      %sign3A_142 = arith.cmpi slt, %scan3A_138, %sign3A_141 : i32
      %sign3A_143 = arith.extui %sign3A_142 : i1 to i32
      %sign3A_144 = arith.subi %sign3A_140, %sign3A_143 : i32
      %sign3A_145 = arith.constant 0 : i32
      %sign3A_146 = arith.cmpi sgt, %jit3A, %sign3A_145 : i32
      %sign3A_147 = arith.extui %sign3A_146 : i1 to i32
      %sign3A_148 = arith.constant 0 : i32
      %sign3A_149 = arith.cmpi slt, %jit3A, %sign3A_148 : i32
      %sign3A_150 = arith.extui %sign3A_149 : i1 to i32
      %sign3A_151 = arith.subi %sign3A_147, %sign3A_150 : i32
      %ne3A = arith.cmpi ne, %sign3A_144, %sign3A_151 : i32
      %rem3A = arith.remsi %scan3A_138, %jit3A : i32
      %ne3A_152 = arith.constant 0 : i32
      %ne3A_153 = arith.cmpi ne, %rem3A, %ne3A_152 : i32
      %and3A = arith.andi %ne3A, %ne3A_153 : i1
      %sub3A = arith.constant 1 : i32
      %sub3A_154 = arith.subi %div3A, %sub3A : i32
      %select_n3A = arith.select %and3A, %sub3A_154, %div3A : i32
      %jit3A_155 = arith.constant 8 : i32
      %eq3A = arith.constant 0 : i32
      %eq3A_156 = arith.cmpi eq, %jit3A_155, %eq3A : i32
      %jit3A_157 = arith.constant 1 : i32
      %select_n3A_158 = arith.select %eq3A_156, %jit3A_157, %jit3A_155 : i32
      %rem3A_159 = arith.remsi %scan3A_138, %select_n3A_158 : i32
      %ne3A_160 = arith.constant 0 : i32
      %ne3A_161 = arith.cmpi ne, %rem3A_159, %ne3A_160 : i32
      %lt3A = arith.constant 0 : i32
      %lt3A_162 = arith.cmpi slt, %rem3A_159, %lt3A : i32
      %lt3A_163 = arith.constant 0 : i32
      %lt3A_164 = arith.cmpi slt, %select_n3A_158, %lt3A_163 : i32
      %ne3A_165 = arith.xori %lt3A_162, %lt3A_164 : i1
      %and3A_166 = arith.andi %ne3A_165, %ne3A_161 : i1
      %add3A_167 = arith.addi %rem3A_159, %select_n3A_158 : i32
      %select_n3A_168 = arith.select %and3A_166, %add3A_167, %rem3A_159 : i32
      %mul3A_169 = arith.constant 16 : i32
      %mul3A_170 = arith.muli %select_n3A_168, %mul3A_169 : i32
      %swap3A = arith.index_cast %select_n3A : i32 to index
      %swap3A_171 = arith.index_cast %mul3A_170 : i32 to index
      %swap3A_172 = tpu.vector_load %arg10[%swap3A, %swap3A_171] {strides = array<i32>} : memref<128x128xf32, #tpu.memory_space<vmem>>, vector<1x16xf32>,
      %swap3A_173 = vector.shape_cast %swap3A_172 : vector<1x16xf32> to vector<16xf32>
      %swap3A_174 = vector.shape_cast %broadcast_in_dim3A_1 : vector<16xf32> to vector<1x16xf32>
      tpu.vector_store %arg10[%swap3A, %swap3A_171], %swap3A_174 {strides = array<i32>} : memref<128x128xf32, #tpu.memory_space<vmem>>, vector<1x16xf32>,
    }
    %scan3A_5 = arith.constant 1024 : i32
    %iota3A = tpu.iota {dimensions = array<i32: 0>} : vector<16xi32>
    %scan3A_6 = arith.constant 0 : i32
    %scan3A_7 = arith.constant 40 : i32
    %scan3A_8 = arith.addi %scan3A_6, %scan3A_7 : i32
    %scan3A_9 = arith.constant 1 : i32
    scf.for %scan3A_138 = %scan3A_6 to %scan3A_8 step %scan3A_9  : i32 {
      %jit3A = arith.constant 8 : i32
      %div3A = arith.divsi %scan3A_138, %jit3A : i32
      %sign3A = arith.constant 0 : i32
      %sign3A_139 = arith.cmpi sgt, %scan3A_138, %sign3A : i32
      %sign3A_140 = arith.extui %sign3A_139 : i1 to i32
      %sign3A_141 = arith.constant 0 : i32
      %sign3A_142 = arith.cmpi slt, %scan3A_138, %sign3A_141 : i32
      %sign3A_143 = arith.extui %sign3A_142 : i1 to i32
      %sign3A_144 = arith.subi %sign3A_140, %sign3A_143 : i32
      %sign3A_145 = arith.constant 0 : i32
      %sign3A_146 = arith.cmpi sgt, %jit3A, %sign3A_145 : i32
      %sign3A_147 = arith.extui %sign3A_146 : i1 to i32
      %sign3A_148 = arith.constant 0 : i32
      %sign3A_149 = arith.cmpi slt, %jit3A, %sign3A_148 : i32
      %sign3A_150 = arith.extui %sign3A_149 : i1 to i32
      %sign3A_151 = arith.subi %sign3A_147, %sign3A_150 : i32
      %ne3A = arith.cmpi ne, %sign3A_144, %sign3A_151 : i32
      %rem3A = arith.remsi %scan3A_138, %jit3A : i32
      %ne3A_152 = arith.constant 0 : i32
      %ne3A_153 = arith.cmpi ne, %rem3A, %ne3A_152 : i32
      %and3A = arith.andi %ne3A, %ne3A_153 : i1
      %sub3A = arith.constant 1 : i32
      %sub3A_154 = arith.subi %div3A, %sub3A : i32
      %select_n3A = arith.select %and3A, %sub3A_154, %div3A : i32
      %jit3A_155 = arith.constant 8 : i32
      %eq3A = arith.constant 0 : i32
      %eq3A_156 = arith.cmpi eq, %jit3A_155, %eq3A : i32
      %jit3A_157 = arith.constant 1 : i32
      %select_n3A_158 = arith.select %eq3A_156, %jit3A_157, %jit3A_155 : i32
      %rem3A_159 = arith.remsi %scan3A_138, %select_n3A_158 : i32
      %ne3A_160 = arith.constant 0 : i32
      %ne3A_161 = arith.cmpi ne, %rem3A_159, %ne3A_160 : i32
      %lt3A = arith.constant 0 : i32
      %lt3A_162 = arith.cmpi slt, %rem3A_159, %lt3A : i32
      %lt3A_163 = arith.constant 0 : i32
      %lt3A_164 = arith.cmpi slt, %select_n3A_158, %lt3A_163 : i32
      %ne3A_165 = arith.xori %lt3A_162, %lt3A_164 : i1
      %and3A_166 = arith.andi %ne3A_165, %ne3A_161 : i1
      %add3A_167 = arith.addi %rem3A_159, %select_n3A_158 : i32
      %select_n3A_168 = arith.select %and3A_166, %add3A_167, %rem3A_159 : i32
      %mul3A_169 = arith.constant 640 : i32
      %mul3A_170 = arith.muli %arg1, %mul3A_169 : i32
      %mul3A_171 = arith.constant 128 : i32
      %mul3A_172 = arith.muli %select_n3A, %mul3A_171 : i32
      %add3A_173 = arith.addi %mul3A_170, %mul3A_172 : i32
      %mul3A_174 = arith.constant 16 : i32
      %mul3A_175 = arith.muli %select_n3A_168, %mul3A_174 : i32
      %add3A_176 = arith.addi %add3A_173, %mul3A_175 : i32
      %add3A_177 = vector.broadcast %add3A_176 : i32 to vector<16xi32>
      %add3A_178 = arith.addi %add3A_177, %iota3A : vector<16xi32>
      %mul3A_179 = arith.constant 16 : i32
      %mul3A_180 = arith.muli %select_n3A_168, %mul3A_179 : i32
      %swap3A = arith.index_cast %select_n3A : i32 to index
      %swap3A_181 = arith.index_cast %mul3A_180 : i32 to index
      %swap3A_182 = tpu.vector_load %arg12[%swap3A, %swap3A_181] {strides = array<i32>} : memref<5x128xi32, #tpu.memory_space<vmem>>, vector<1x16xi32>,
      %swap3A_183 = vector.shape_cast %swap3A_182 : vector<1x16xi32> to vector<16xi32>
      %swap3A_184 = vector.shape_cast %add3A_178 : vector<16xi32> to vector<1x16xi32>
      tpu.vector_store %arg12[%swap3A, %swap3A_181], %swap3A_184 {strides = array<i32>} : memref<5x128xi32, #tpu.memory_space<vmem>>, vector<1x16xi32>,
    }
    %scan3A_10 = arith.constant 40 : i32
    %run_scoped3A = arith.constant 0 : i32
    "tpu.region"() ({
      %run_scoped3A_138 = tpu.sem_alloc : memref<!tpu.dma_semaphore, #tpu.memory_space<semaphore_mem>>
      %dma_start3A_139 = arith.constant 0 : i32
      %dma_start3A_140 = tpu.memref_slice %arg12[%run_scoped3A, %dma_start3A_139] : memref<5x128xi32, #tpu.memory_space<vmem>> -> memref<1x128xi32, #tpu.memory_space<vmem>>
      %dma_start3A_141 = tpu.memref_squeeze %dma_start3A_140 : memref<1x128xi32, #tpu.memory_space<vmem>> -> memref<128xi32, #tpu.memory_space<vmem>>
      %dma_start3A_142 = arith.constant 0 : i32
      %dma_start3A_143 = arith.constant 0 : i32
      %dma_start3A_144 = tpu.memref_slice %arg13[%dma_start3A_142, %dma_start3A_143] : memref<10240x128xf32, #tpu.memory_space<vmem_shared>> -> memref<10240x128xf32, #tpu.memory_space<vmem_shared>>
      tpu.enqueue_indirect_dma source(%arg10 : memref<128x128xf32, #tpu.memory_space<vmem>>) target(%dma_start3A_144 : memref<10240x128xf32, #tpu.memory_space<vmem_shared>>) offsets(%dma_start3A_141 : memref<128xi32, #tpu.memory_space<vmem>>) semaphore(%run_scoped3A_138 : memref<!tpu.dma_semaphore, #tpu.memory_space<semaphore_mem>>)
      %dma_wait3A_145 = arith.constant 0 : i32
      %dma_wait3A_146 = tpu.memref_slice %arg12[%run_scoped3A, %dma_wait3A_145] : memref<5x128xi32, #tpu.memory_space<vmem>> -> memref<1x128xi32, #tpu.memory_space<vmem>>
      %dma_wait3A_147 = tpu.memref_squeeze %dma_wait3A_146 : memref<1x128xi32, #tpu.memory_space<vmem>> -> memref<128xi32, #tpu.memory_space<vmem>>
      %dma_wait3A_148 = arith.constant 0 : i32
      %dma_wait3A_149 = arith.constant 0 : i32
      %dma_wait3A_150 = tpu.memref_slice %arg13[%dma_wait3A_148, %dma_wait3A_149] : memref<10240x128xf32, #tpu.memory_space<vmem_shared>> -> memref<10240x128xf32, #tpu.memory_space<vmem_shared>>
      tpu.wait_indirect_dma semaphore(%run_scoped3A_138 : memref<!tpu.dma_semaphore, #tpu.memory_space<semaphore_mem>>) src(%arg10 : memref<128x128xf32, #tpu.memory_space<vmem>>) dst(%dma_wait3A_150 : memref<10240x128xf32, #tpu.memory_space<vmem_shared>>)
      tpu.yield
    }) : () -> ()
    %run_scoped3A_11 = arith.constant 1 : i32
    "tpu.region"() ({
      %run_scoped3A_138 = tpu.sem_alloc : memref<!tpu.dma_semaphore, #tpu.memory_space<semaphore_mem>>
      %dma_start3A_139 = arith.constant 0 : i32
      %dma_start3A_140 = tpu.memref_slice %arg12[%run_scoped3A_11, %dma_start3A_139] : memref<5x128xi32, #tpu.memory_space<vmem>> -> memref<1x128xi32, #tpu.memory_space<vmem>>
      %dma_start3A_141 = tpu.memref_squeeze %dma_start3A_140 : memref<1x128xi32, #tpu.memory_space<vmem>> -> memref<128xi32, #tpu.memory_space<vmem>>
      %dma_start3A_142 = arith.constant 0 : i32
      %dma_start3A_143 = arith.constant 0 : i32
      %dma_start3A_144 = tpu.memref_slice %arg13[%dma_start3A_142, %dma_start3A_143] : memref<10240x128xf32, #tpu.memory_space<vmem_shared>> -> memref<10240x128xf32, #tpu.memory_space<vmem_shared>>
      tpu.enqueue_indirect_dma source(%arg10 : memref<128x128xf32, #tpu.memory_space<vmem>>) target(%dma_start3A_144 : memref<10240x128xf32, #tpu.memory_space<vmem_shared>>) offsets(%dma_start3A_141 : memref<128xi32, #tpu.memory_space<vmem>>) semaphore(%run_scoped3A_138 : memref<!tpu.dma_semaphore, #tpu.memory_space<semaphore_mem>>)
      %dma_wait3A_145 = arith.constant 0 : i32
      %dma_wait3A_146 = tpu.memref_slice %arg12[%run_scoped3A_11, %dma_wait3A_145] : memref<5x128xi32, #tpu.memory_space<vmem>> -> memref<1x128xi32, #tpu.memory_space<vmem>>
      %dma_wait3A_147 = tpu.memref_squeeze %dma_wait3A_146 : memref<1x128xi32, #tpu.memory_space<vmem>> -> memref<128xi32, #tpu.memory_space<vmem>>
      %dma_wait3A_148 = arith.constant 0 : i32
      %dma_wait3A_149 = arith.constant 0 : i32
      %dma_wait3A_150 = tpu.memref_slice %arg13[%dma_wait3A_148, %dma_wait3A_149] : memref<10240x128xf32, #tpu.memory_space<vmem_shared>> -> memref<10240x128xf32, #tpu.memory_space<vmem_shared>>
      tpu.wait_indirect_dma semaphore(%run_scoped3A_138 : memref<!tpu.dma_semaphore, #tpu.memory_space<semaphore_mem>>) src(%arg10 : memref<128x128xf32, #tpu.memory_space<vmem>>) dst(%dma_wait3A_150 : memref<10240x128xf32, #tpu.memory_space<vmem_shared>>)
      tpu.yield
    }) : () -> ()
    %run_scoped3A_12 = arith.constant 2 : i32
    "tpu.region"() ({
      %run_scoped3A_138 = tpu.sem_alloc : memref<!tpu.dma_semaphore, #tpu.memory_space<semaphore_mem>>
      %dma_start3A_139 = arith.constant 0 : i32
      %dma_start3A_140 = tpu.memref_slice %arg12[%run_scoped3A_12, %dma_start3A_139] : memref<5x128xi32, #tpu.memory_space<vmem>> -> memref<1x128xi32, #tpu.memory_space<vmem>>
      %dma_start3A_141 = tpu.memref_squeeze %dma_start3A_140 : memref<1x128xi32, #tpu.memory_space<vmem>> -> memref<128xi32, #tpu.memory_space<vmem>>
      %dma_start3A_142 = arith.constant 0 : i32
      %dma_start3A_143 = arith.constant 0 : i32
      %dma_start3A_144 = tpu.memref_slice %arg13[%dma_start3A_142, %dma_start3A_143] : memref<10240x128xf32, #tpu.memory_space<vmem_shared>> -> memref<10240x128xf32, #tpu.memory_space<vmem_shared>>
      tpu.enqueue_indirect_dma source(%arg10 : memref<128x128xf32, #tpu.memory_space<vmem>>) target(%dma_start3A_144 : memref<10240x128xf32, #tpu.memory_space<vmem_shared>>) offsets(%dma_start3A_141 : memref<128xi32, #tpu.memory_space<vmem>>) semaphore(%run_scoped3A_138 : memref<!tpu.dma_semaphore, #tpu.memory_space<semaphore_mem>>)
      %dma_wait3A_145 = arith.constant 0 : i32
      %dma_wait3A_146 = tpu.memref_slice %arg12[%run_scoped3A_12, %dma_wait3A_145] : memref<5x128xi32, #tpu.memory_space<vmem>> -> memref<1x128xi32, #tpu.memory_space<vmem>>
      %dma_wait3A_147 = tpu.memref_squeeze %dma_wait3A_146 : memref<1x128xi32, #tpu.memory_space<vmem>> -> memref<128xi32, #tpu.memory_space<vmem>>
      %dma_wait3A_148 = arith.constant 0 : i32
      %dma_wait3A_149 = arith.constant 0 : i32
      %dma_wait3A_150 = tpu.memref_slice %arg13[%dma_wait3A_148, %dma_wait3A_149] : memref<10240x128xf32, #tpu.memory_space<vmem_shared>> -> memref<10240x128xf32, #tpu.memory_space<vmem_shared>>
      tpu.wait_indirect_dma semaphore(%run_scoped3A_138 : memref<!tpu.dma_semaphore, #tpu.memory_space<semaphore_mem>>) src(%arg10 : memref<128x128xf32, #tpu.memory_space<vmem>>) dst(%dma_wait3A_150 : memref<10240x128xf32, #tpu.memory_space<vmem_shared>>)
      tpu.yield
    }) : () -> ()
    %run_scoped3A_13 = arith.constant 3 : i32
    "tpu.region"() ({
      %run_scoped3A_138 = tpu.sem_alloc : memref<!tpu.dma_semaphore, #tpu.memory_space<semaphore_mem>>
      %dma_start3A_139 = arith.constant 0 : i32
      %dma_start3A_140 = tpu.memref_slice %arg12[%run_scoped3A_13, %dma_start3A_139] : memref<5x128xi32, #tpu.memory_space<vmem>> -> memref<1x128xi32, #tpu.memory_space<vmem>>
      %dma_start3A_141 = tpu.memref_squeeze %dma_start3A_140 : memref<1x128xi32, #tpu.memory_space<vmem>> -> memref<128xi32, #tpu.memory_space<vmem>>
      %dma_start3A_142 = arith.constant 0 : i32
      %dma_start3A_143 = arith.constant 0 : i32
      %dma_start3A_144 = tpu.memref_slice %arg13[%dma_start3A_142, %dma_start3A_143] : memref<10240x128xf32, #tpu.memory_space<vmem_shared>> -> memref<10240x128xf32, #tpu.memory_space<vmem_shared>>
      tpu.enqueue_indirect_dma source(%arg10 : memref<128x128xf32, #tpu.memory_space<vmem>>) target(%dma_start3A_144 : memref<10240x128xf32, #tpu.memory_space<vmem_shared>>) offsets(%dma_start3A_141 : memref<128xi32, #tpu.memory_space<vmem>>) semaphore(%run_scoped3A_138 : memref<!tpu.dma_semaphore, #tpu.memory_space<semaphore_mem>>)
      %dma_wait3A_145 = arith.constant 0 : i32
      %dma_wait3A_146 = tpu.memref_slice %arg12[%run_scoped3A_13, %dma_wait3A_145] : memref<5x128xi32, #tpu.memory_space<vmem>> -> memref<1x128xi32, #tpu.memory_space<vmem>>
      %dma_wait3A_147 = tpu.memref_squeeze %dma_wait3A_146 : memref<1x128xi32, #tpu.memory_space<vmem>> -> memref<128xi32, #tpu.memory_space<vmem>>
      %dma_wait3A_148 = arith.constant 0 : i32
      %dma_wait3A_149 = arith.constant 0 : i32
      %dma_wait3A_150 = tpu.memref_slice %arg13[%dma_wait3A_148, %dma_wait3A_149] : memref<10240x128xf32, #tpu.memory_space<vmem_shared>> -> memref<10240x128xf32, #tpu.memory_space<vmem_shared>>
      tpu.wait_indirect_dma semaphore(%run_scoped3A_138 : memref<!tpu.dma_semaphore, #tpu.memory_space<semaphore_mem>>) src(%arg10 : memref<128x128xf32, #tpu.memory_space<vmem>>) dst(%dma_wait3A_150 : memref<10240x128xf32, #tpu.memory_space<vmem_shared>>)
      tpu.yield
    }) : () -> ()
    %run_scoped3A_14 = arith.constant 4 : i32
    "tpu.region"() ({
      %run_scoped3A_138 = tpu.sem_alloc : memref<!tpu.dma_semaphore, #tpu.memory_space<semaphore_mem>>
      %dma_start3A_139 = arith.constant 0 : i32
      %dma_start3A_140 = tpu.memref_slice %arg12[%run_scoped3A_14, %dma_start3A_139] : memref<5x128xi32, #tpu.memory_space<vmem>> -> memref<1x128xi32, #tpu.memory_space<vmem>>
      %dma_start3A_141 = tpu.memref_squeeze %dma_start3A_140 : memref<1x128xi32, #tpu.memory_space<vmem>> -> memref<128xi32, #tpu.memory_space<vmem>>
      %dma_start3A_142 = arith.constant 0 : i32
      %dma_start3A_143 = arith.constant 0 : i32
      %dma_start3A_144 = tpu.memref_slice %arg13[%dma_start3A_142, %dma_start3A_143] : memref<10240x128xf32, #tpu.memory_space<vmem_shared>> -> memref<10240x128xf32, #tpu.memory_space<vmem_shared>>
      tpu.enqueue_indirect_dma source(%arg10 : memref<128x128xf32, #tpu.memory_space<vmem>>) target(%dma_start3A_144 : memref<10240x128xf32, #tpu.memory_space<vmem_shared>>) offsets(%dma_start3A_141 : memref<128xi32, #tpu.memory_space<vmem>>) semaphore(%run_scoped3A_138 : memref<!tpu.dma_semaphore, #tpu.memory_space<semaphore_mem>>)
      %dma_wait3A_145 = arith.constant 0 : i32
      %dma_wait3A_146 = tpu.memref_slice %arg12[%run_scoped3A_14, %dma_wait3A_145] : memref<5x128xi32, #tpu.memory_space<vmem>> -> memref<1x128xi32, #tpu.memory_space<vmem>>
      %dma_wait3A_147 = tpu.memref_squeeze %dma_wait3A_146 : memref<1x128xi32, #tpu.memory_space<vmem>> -> memref<128xi32, #tpu.memory_space<vmem>>
      %dma_wait3A_148 = arith.constant 0 : i32
      %dma_wait3A_149 = arith.constant 0 : i32
      %dma_wait3A_150 = tpu.memref_slice %arg13[%dma_wait3A_148, %dma_wait3A_149] : memref<10240x128xf32, #tpu.memory_space<vmem_shared>> -> memref<10240x128xf32, #tpu.memory_space<vmem_shared>>
      tpu.wait_indirect_dma semaphore(%run_scoped3A_138 : memref<!tpu.dma_semaphore, #tpu.memory_space<semaphore_mem>>) src(%arg10 : memref<128x128xf32, #tpu.memory_space<vmem>>) dst(%dma_wait3A_150 : memref<10240x128xf32, #tpu.memory_space<vmem_shared>>)
      tpu.yield
    }) : () -> ()
    %barrier3A = arith.constant 0 : index
    tpu.barrier barrier_id(%barrier3A)
    %mul3A_15 = arith.constant 80 : i32
    %mul3A_16 = arith.muli %add3A, %mul3A_15 : i32
    "tpu.region"() ({
      %run_scoped3A_138 = tpu.sem_alloc : memref<!tpu.dma_semaphore, #tpu.memory_space<semaphore_mem>>
      %dma_start3A_139 = arith.constant 0 : i32
      %dma_start3A_140 = tpu.memref_slice %arg3[%mul3A_16, %dma_start3A_139] : memref<2560x128xi32, #tpu.memory_space<hbm>> -> memref<1x128xi32, #tpu.memory_space<hbm>>
      %dma_start3A_141 = arith.constant 0 : i32
      %dma_start3A_142 = tpu.memref_slice %arg3[%mul3A_16, %dma_start3A_141] : memref<2560x128xi32, #tpu.memory_space<hbm>> -> memref<1x128xi32, #tpu.memory_space<hbm>>
      tpu.enqueue_dma source(%dma_start3A_142 : memref<1x128xi32, #tpu.memory_space<hbm>>) target(%arg6 : memref<1x128xi32, #tpu.memory_space<vmem>>) target_semaphore(%run_scoped3A_138 : memref<!tpu.dma_semaphore, #tpu.memory_space<semaphore_mem>>)
      %dma_wait3A_143 = arith.constant 0 : i32
      %dma_wait3A_144 = tpu.memref_slice %arg3[%mul3A_16, %dma_wait3A_143] : memref<2560x128xi32, #tpu.memory_space<hbm>> -> memref<1x128xi32, #tpu.memory_space<hbm>>
      %dma_wait3A_145 = arith.constant 0 : i32
      %dma_wait3A_146 = tpu.memref_slice %arg3[%mul3A_16, %dma_wait3A_145] : memref<2560x128xi32, #tpu.memory_space<hbm>> -> memref<1x128xi32, #tpu.memory_space<hbm>>
      tpu.wait_dma2 semaphore(%run_scoped3A_138 : memref<!tpu.dma_semaphore, #tpu.memory_space<semaphore_mem>>) src(%dma_wait3A_146 : memref<1x128xi32, #tpu.memory_space<hbm>>) dst(%arg6 : memref<1x128xi32, #tpu.memory_space<vmem>>)
      tpu.yield
    }) : () -> ()
    %mul3A_17 = arith.constant 80 : i32
    %mul3A_18 = arith.muli %add3A, %mul3A_17 : i32
    %add3A_19 = arith.constant 1 : i32
    %add3A_20 = arith.addi %mul3A_18, %add3A_19 : i32
    "tpu.region"() ({
      %run_scoped3A_138 = tpu.sem_alloc : memref<!tpu.dma_semaphore, #tpu.memory_space<semaphore_mem>>
      %dma_start3A_139 = arith.constant 0 : i32
      %dma_start3A_140 = tpu.memref_slice %arg3[%add3A_20, %dma_start3A_139] : memref<2560x128xi32, #tpu.memory_space<hbm>> -> memref<1x128xi32, #tpu.memory_space<hbm>>
      %dma_start3A_141 = arith.constant 0 : i32
      %dma_start3A_142 = tpu.memref_slice %arg3[%add3A_20, %dma_start3A_141] : memref<2560x128xi32, #tpu.memory_space<hbm>> -> memref<1x128xi32, #tpu.memory_space<hbm>>
      tpu.enqueue_dma source(%dma_start3A_142 : memref<1x128xi32, #tpu.memory_space<hbm>>) target(%arg7 : memref<1x128xi32, #tpu.memory_space<vmem>>) target_semaphore(%run_scoped3A_138 : memref<!tpu.dma_semaphore, #tpu.memory_space<semaphore_mem>>)
      %dma_wait3A_143 = arith.constant 0 : i32
      %dma_wait3A_144 = tpu.memref_slice %arg3[%add3A_20, %dma_wait3A_143] : memref<2560x128xi32, #tpu.memory_space<hbm>> -> memref<1x128xi32, #tpu.memory_space<hbm>>
      %dma_wait3A_145 = arith.constant 0 : i32
      %dma_wait3A_146 = tpu.memref_slice %arg3[%add3A_20, %dma_wait3A_145] : memref<2560x128xi32, #tpu.memory_space<hbm>> -> memref<1x128xi32, #tpu.memory_space<hbm>>
      tpu.wait_dma2 semaphore(%run_scoped3A_138 : memref<!tpu.dma_semaphore, #tpu.memory_space<semaphore_mem>>) src(%dma_wait3A_146 : memref<1x128xi32, #tpu.memory_space<hbm>>) dst(%arg7 : memref<1x128xi32, #tpu.memory_space<vmem>>)
      tpu.yield
    }) : () -> ()
    %mul3A_21 = arith.constant 80 : i32
    %mul3A_22 = arith.muli %add3A, %mul3A_21 : i32
    %add3A_23 = arith.constant 0 : i32
    %add3A_24 = arith.addi %mul3A_22, %add3A_23 : i32
    %dma_start3A = arith.constant 0 : i32
    %dma_start3A_25 = tpu.memref_slice %arg4[%add3A_24, %dma_start3A] : memref<2560x128xi32, #tpu.memory_space<hbm>> -> memref<1x128xi32, #tpu.memory_space<hbm>>
    %dma_start3A_26 = arith.constant 0 : i32
    %dma_start3A_27 = tpu.memref_slice %arg4[%add3A_24, %dma_start3A_26] : memref<2560x128xi32, #tpu.memory_space<hbm>> -> memref<1x128xi32, #tpu.memory_space<hbm>>
    tpu.enqueue_dma source(%dma_start3A_27 : memref<1x128xi32, #tpu.memory_space<hbm>>) target(%arg8 : memref<1x128xi32, #tpu.memory_space<vmem>>) target_semaphore(%arg18 : memref<!tpu.dma_semaphore, #tpu.memory_space<semaphore_mem>>)
    %mul3A_28 = arith.constant 80 : i32
    %mul3A_29 = arith.muli %add3A, %mul3A_28 : i32
    %add3A_30 = arith.constant 1 : i32
    %add3A_31 = arith.addi %mul3A_29, %add3A_30 : i32
    %dma_start3A_32 = arith.constant 0 : i32
    %dma_start3A_33 = tpu.memref_slice %arg4[%add3A_31, %dma_start3A_32] : memref<2560x128xi32, #tpu.memory_space<hbm>> -> memref<1x128xi32, #tpu.memory_space<hbm>>
    %dma_start3A_34 = arith.constant 0 : i32
    %dma_start3A_35 = tpu.memref_slice %arg4[%add3A_31, %dma_start3A_34] : memref<2560x128xi32, #tpu.memory_space<hbm>> -> memref<1x128xi32, #tpu.memory_space<hbm>>
    tpu.enqueue_dma source(%dma_start3A_35 : memref<1x128xi32, #tpu.memory_space<hbm>>) target(%arg9 : memref<1x128xi32, #tpu.memory_space<vmem>>) target_semaphore(%arg19 : memref<!tpu.dma_semaphore, #tpu.memory_space<semaphore_mem>>)
    %dma_start3A_36 = arith.constant 0 : i32
    %dma_start3A_37 = arith.constant 0 : i32
    %dma_start3A_38 = tpu.memref_slice %arg6[%dma_start3A_36, %dma_start3A_37] : memref<1x128xi32, #tpu.memory_space<vmem>> -> memref<1x128xi32, #tpu.memory_space<vmem>>
    %dma_start3A_39 = tpu.memref_squeeze %dma_start3A_38 : memref<1x128xi32, #tpu.memory_space<vmem>> -> memref<128xi32, #tpu.memory_space<vmem>>
    %dma_start3A_40 = arith.constant 0 : i32
    %dma_start3A_41 = arith.constant 0 : i32
    %dma_start3A_42 = tpu.memref_slice %arg2[%dma_start3A_40, %dma_start3A_41] : memref<10240x128xf32, #tpu.memory_space<hbm>> -> memref<10240x128xf32, #tpu.memory_space<hbm>>
    tpu.enqueue_indirect_dma source(%dma_start3A_42 : memref<10240x128xf32, #tpu.memory_space<hbm>>) target(%arg10 : memref<128x128xf32, #tpu.memory_space<vmem>>) offsets(%dma_start3A_39 : memref<128xi32, #tpu.memory_space<vmem>>) semaphore(%arg14 : memref<!tpu.dma_semaphore, #tpu.memory_space<semaphore_mem>>)
    %scan3A_43 = arith.constant 0 : i32
    %scan3A_44 = arith.constant 40 : i32
    %scan3A_45 = arith.addi %scan3A_43, %scan3A_44 : i32
    %scan3A_46 = arith.constant 1 : i32
    scf.for %scan3A_138 = %scan3A_43 to %scan3A_45 step %scan3A_46  : i32 {
      %mul3A_139 = arith.constant 2 : i32
      %mul3A_140 = arith.muli %mul3A_139, %scan3A_138 : i32
      %dma_wait3A_141 = arith.constant 0 : i32
      %dma_wait3A_142 = arith.constant 0 : i32
      %dma_wait3A_143 = tpu.memref_slice %arg6[%dma_wait3A_141, %dma_wait3A_142] : memref<1x128xi32, #tpu.memory_space<vmem>> -> memref<1x128xi32, #tpu.memory_space<vmem>>
      %dma_wait3A_144 = tpu.memref_squeeze %dma_wait3A_143 : memref<1x128xi32, #tpu.memory_space<vmem>> -> memref<128xi32, #tpu.memory_space<vmem>>
      %dma_wait3A_145 = arith.constant 0 : i32
      %dma_wait3A_146 = arith.constant 0 : i32
      %dma_wait3A_147 = tpu.memref_slice %arg2[%dma_wait3A_145, %dma_wait3A_146] : memref<10240x128xf32, #tpu.memory_space<hbm>> -> memref<10240x128xf32, #tpu.memory_space<hbm>>
      tpu.wait_indirect_dma semaphore(%arg14 : memref<!tpu.dma_semaphore, #tpu.memory_space<semaphore_mem>>) src(%dma_wait3A_147 : memref<10240x128xf32, #tpu.memory_space<hbm>>) dst(%arg10 : memref<128x128xf32, #tpu.memory_space<vmem>>)
      %dma_start3A_148 = arith.constant 0 : i32
      %dma_start3A_149 = arith.constant 0 : i32
      %dma_start3A_150 = tpu.memref_slice %arg7[%dma_start3A_148, %dma_start3A_149] : memref<1x128xi32, #tpu.memory_space<vmem>> -> memref<1x128xi32, #tpu.memory_space<vmem>>
      %dma_start3A_151 = tpu.memref_squeeze %dma_start3A_150 : memref<1x128xi32, #tpu.memory_space<vmem>> -> memref<128xi32, #tpu.memory_space<vmem>>
      %dma_start3A_152 = arith.constant 0 : i32
      %dma_start3A_153 = arith.constant 0 : i32
      %dma_start3A_154 = tpu.memref_slice %arg2[%dma_start3A_152, %dma_start3A_153] : memref<10240x128xf32, #tpu.memory_space<hbm>> -> memref<10240x128xf32, #tpu.memory_space<hbm>>
      tpu.enqueue_indirect_dma source(%dma_start3A_154 : memref<10240x128xf32, #tpu.memory_space<hbm>>) target(%arg11 : memref<128x128xf32, #tpu.memory_space<vmem>>) offsets(%dma_start3A_151 : memref<128xi32, #tpu.memory_space<vmem>>) semaphore(%arg15 : memref<!tpu.dma_semaphore, #tpu.memory_space<semaphore_mem>>)
      %dma_wait3A_155 = arith.constant 0 : i32
      %dma_wait3A_156 = arith.constant 0 : i32
      %dma_wait3A_157 = tpu.memref_slice %arg4[%dma_wait3A_155, %dma_wait3A_156] : memref<2560x128xi32, #tpu.memory_space<hbm>> -> memref<1x128xi32, #tpu.memory_space<hbm>>
      %dma_wait3A_158 = arith.constant 0 : i32
      %dma_wait3A_159 = arith.constant 0 : i32
      %dma_wait3A_160 = tpu.memref_slice %arg4[%dma_wait3A_158, %dma_wait3A_159] : memref<2560x128xi32, #tpu.memory_space<hbm>> -> memref<1x128xi32, #tpu.memory_space<hbm>>
      tpu.wait_dma2 semaphore(%arg18 : memref<!tpu.dma_semaphore, #tpu.memory_space<semaphore_mem>>) src(%dma_wait3A_160 : memref<1x128xi32, #tpu.memory_space<hbm>>) dst(%arg8 : memref<1x128xi32, #tpu.memory_space<vmem>>)
      %run_scoped3A_161 = arith.constant 0 : i32
      "tpu.region"() ({
        %run_scoped3A_194 = tpu.sem_alloc : memref<!tpu.dma_semaphore, #tpu.memory_space<semaphore_mem>>
        %dma_start3A_195 = arith.constant 0 : i32
        %dma_start3A_196 = tpu.memref_slice %arg8[%run_scoped3A_161, %dma_start3A_195] : memref<1x128xi32, #tpu.memory_space<vmem>> -> memref<1x128xi32, #tpu.memory_space<vmem>>
        %dma_start3A_197 = tpu.memref_squeeze %dma_start3A_196 : memref<1x128xi32, #tpu.memory_space<vmem>> -> memref<128xi32, #tpu.memory_space<vmem>>
        %dma_start3A_198 = arith.constant 0 : i32
        %dma_start3A_199 = arith.constant 0 : i32
        %dma_start3A_200 = tpu.memref_slice %arg13[%dma_start3A_198, %dma_start3A_199] : memref<10240x128xf32, #tpu.memory_space<vmem_shared>> -> memref<10240x128xf32, #tpu.memory_space<vmem_shared>>
        tpu.enqueue_indirect_dma source(%arg10 : memref<128x128xf32, #tpu.memory_space<vmem>>) target(%dma_start3A_200 : memref<10240x128xf32, #tpu.memory_space<vmem_shared>>) offsets(%dma_start3A_197 : memref<128xi32, #tpu.memory_space<vmem>>) semaphore(%run_scoped3A_194 : memref<!tpu.dma_semaphore, #tpu.memory_space<semaphore_mem>>) {add = true}
        %dma_wait3A_201 = arith.constant 0 : i32
        %dma_wait3A_202 = tpu.memref_slice %arg8[%run_scoped3A_161, %dma_wait3A_201] : memref<1x128xi32, #tpu.memory_space<vmem>> -> memref<1x128xi32, #tpu.memory_space<vmem>>
        %dma_wait3A_203 = tpu.memref_squeeze %dma_wait3A_202 : memref<1x128xi32, #tpu.memory_space<vmem>> -> memref<128xi32, #tpu.memory_space<vmem>>
        %dma_wait3A_204 = arith.constant 0 : i32
        %dma_wait3A_205 = arith.constant 0 : i32
        %dma_wait3A_206 = tpu.memref_slice %arg13[%dma_wait3A_204, %dma_wait3A_205] : memref<10240x128xf32, #tpu.memory_space<vmem_shared>> -> memref<10240x128xf32, #tpu.memory_space<vmem_shared>>
        tpu.wait_indirect_dma semaphore(%run_scoped3A_194 : memref<!tpu.dma_semaphore, #tpu.memory_space<semaphore_mem>>) src(%arg10 : memref<128x128xf32, #tpu.memory_space<vmem>>) dst(%dma_wait3A_206 : memref<10240x128xf32, #tpu.memory_space<vmem_shared>>)
        tpu.yield
      }) : () -> ()
      %add3A_162 = arith.constant 2 : i32
      %add3A_163 = arith.addi %mul3A_140, %add3A_162 : i32
      %lt3A = arith.constant 80 : i32
      %lt3A_164 = arith.cmpi slt, %add3A_163, %lt3A : i32
      %convert_element_type3A = arith.extui %lt3A_164 : i1 to i32
      %cond3A = arith.constant 0 : i32
      %cond3A_165 = arith.cmpi ne, %convert_element_type3A, %cond3A : i32
      scf.if %cond3A_165 {
        %add3A_194 = arith.constant 2 : i32
        %add3A_195 = arith.addi %mul3A_140, %add3A_194 : i32
        %mul3A_196 = arith.constant 80 : i32
        %mul3A_197 = arith.muli %add3A, %mul3A_196 : i32
        %add3A_198 = arith.addi %mul3A_197, %add3A_195 : i32
        %dma_start3A_199 = arith.constant 0 : i32
        %dma_start3A_200 = tpu.memref_slice %arg3[%add3A_198, %dma_start3A_199] : memref<2560x128xi32, #tpu.memory_space<hbm>> -> memref<1x128xi32, #tpu.memory_space<hbm>>
        %dma_start3A_201 = arith.constant 0 : i32
        %dma_start3A_202 = tpu.memref_slice %arg3[%add3A_198, %dma_start3A_201] : memref<2560x128xi32, #tpu.memory_space<hbm>> -> memref<1x128xi32, #tpu.memory_space<hbm>>
        tpu.enqueue_dma source(%dma_start3A_202 : memref<1x128xi32, #tpu.memory_space<hbm>>) target(%arg6 : memref<1x128xi32, #tpu.memory_space<vmem>>) target_semaphore(%arg20 : memref<!tpu.dma_semaphore, #tpu.memory_space<semaphore_mem>>)
        %add3A_203 = arith.constant 2 : i32
        %add3A_204 = arith.addi %mul3A_140, %add3A_203 : i32
        %mul3A_205 = arith.constant 80 : i32
        %mul3A_206 = arith.muli %add3A, %mul3A_205 : i32
        %add3A_207 = arith.addi %mul3A_206, %add3A_204 : i32
        %dma_start3A_208 = arith.constant 0 : i32
        %dma_start3A_209 = tpu.memref_slice %arg4[%add3A_207, %dma_start3A_208] : memref<2560x128xi32, #tpu.memory_space<hbm>> -> memref<1x128xi32, #tpu.memory_space<hbm>>
        %dma_start3A_210 = arith.constant 0 : i32
        %dma_start3A_211 = tpu.memref_slice %arg4[%add3A_207, %dma_start3A_210] : memref<2560x128xi32, #tpu.memory_space<hbm>> -> memref<1x128xi32, #tpu.memory_space<hbm>>
        tpu.enqueue_dma source(%dma_start3A_211 : memref<1x128xi32, #tpu.memory_space<hbm>>) target(%arg8 : memref<1x128xi32, #tpu.memory_space<vmem>>) target_semaphore(%arg18 : memref<!tpu.dma_semaphore, #tpu.memory_space<semaphore_mem>>)
      } else {
      }
      %dma_wait3A_166 = arith.constant 0 : i32
      %dma_wait3A_167 = arith.constant 0 : i32
      %dma_wait3A_168 = tpu.memref_slice %arg7[%dma_wait3A_166, %dma_wait3A_167] : memref<1x128xi32, #tpu.memory_space<vmem>> -> memref<1x128xi32, #tpu.memory_space<vmem>>
      %dma_wait3A_169 = tpu.memref_squeeze %dma_wait3A_168 : memref<1x128xi32, #tpu.memory_space<vmem>> -> memref<128xi32, #tpu.memory_space<vmem>>
      %dma_wait3A_170 = arith.constant 0 : i32
      %dma_wait3A_171 = arith.constant 0 : i32
      %dma_wait3A_172 = tpu.memref_slice %arg2[%dma_wait3A_170, %dma_wait3A_171] : memref<10240x128xf32, #tpu.memory_space<hbm>> -> memref<10240x128xf32, #tpu.memory_space<hbm>>
      tpu.wait_indirect_dma semaphore(%arg15 : memref<!tpu.dma_semaphore, #tpu.memory_space<semaphore_mem>>) src(%dma_wait3A_172 : memref<10240x128xf32, #tpu.memory_space<hbm>>) dst(%arg11 : memref<128x128xf32, #tpu.memory_space<vmem>>)
      %add3A_173 = arith.constant 2 : i32
      %add3A_174 = arith.addi %mul3A_140, %add3A_173 : i32
      %lt3A_175 = arith.constant 80 : i32
      %lt3A_176 = arith.cmpi slt, %add3A_174, %lt3A_175 : i32
      %convert_element_type3A_177 = arith.extui %lt3A_176 : i1 to i32
      %cond3A_178 = arith.constant 0 : i32
      %cond3A_179 = arith.cmpi ne, %convert_element_type3A_177, %cond3A_178 : i32
      scf.if %cond3A_179 {
        %dma_wait3A_194 = arith.constant 0 : i32
        %dma_wait3A_195 = arith.constant 0 : i32
        %dma_wait3A_196 = tpu.memref_slice %arg3[%dma_wait3A_194, %dma_wait3A_195] : memref<2560x128xi32, #tpu.memory_space<hbm>> -> memref<1x128xi32, #tpu.memory_space<hbm>>
        %dma_wait3A_197 = arith.constant 0 : i32
        %dma_wait3A_198 = arith.constant 0 : i32
        %dma_wait3A_199 = tpu.memref_slice %arg3[%dma_wait3A_197, %dma_wait3A_198] : memref<2560x128xi32, #tpu.memory_space<hbm>> -> memref<1x128xi32, #tpu.memory_space<hbm>>
        tpu.wait_dma2 semaphore(%arg20 : memref<!tpu.dma_semaphore, #tpu.memory_space<semaphore_mem>>) src(%dma_wait3A_199 : memref<1x128xi32, #tpu.memory_space<hbm>>) dst(%arg6 : memref<1x128xi32, #tpu.memory_space<vmem>>)
        %dma_start3A_200 = arith.constant 0 : i32
        %dma_start3A_201 = arith.constant 0 : i32
        %dma_start3A_202 = tpu.memref_slice %arg6[%dma_start3A_200, %dma_start3A_201] : memref<1x128xi32, #tpu.memory_space<vmem>> -> memref<1x128xi32, #tpu.memory_space<vmem>>
        %dma_start3A_203 = tpu.memref_squeeze %dma_start3A_202 : memref<1x128xi32, #tpu.memory_space<vmem>> -> memref<128xi32, #tpu.memory_space<vmem>>
        %dma_start3A_204 = arith.constant 0 : i32
        %dma_start3A_205 = arith.constant 0 : i32
        %dma_start3A_206 = tpu.memref_slice %arg2[%dma_start3A_204, %dma_start3A_205] : memref<10240x128xf32, #tpu.memory_space<hbm>> -> memref<10240x128xf32, #tpu.memory_space<hbm>>
        tpu.enqueue_indirect_dma source(%dma_start3A_206 : memref<10240x128xf32, #tpu.memory_space<hbm>>) target(%arg10 : memref<128x128xf32, #tpu.memory_space<vmem>>) offsets(%dma_start3A_203 : memref<128xi32, #tpu.memory_space<vmem>>) semaphore(%arg14 : memref<!tpu.dma_semaphore, #tpu.memory_space<semaphore_mem>>)
      } else {
      }
      %dma_wait3A_180 = arith.constant 0 : i32
      %dma_wait3A_181 = arith.constant 0 : i32
      %dma_wait3A_182 = tpu.memref_slice %arg4[%dma_wait3A_180, %dma_wait3A_181] : memref<2560x128xi32, #tpu.memory_space<hbm>> -> memref<1x128xi32, #tpu.memory_space<hbm>>
      %dma_wait3A_183 = arith.constant 0 : i32
      %dma_wait3A_184 = arith.constant 0 : i32
      %dma_wait3A_185 = tpu.memref_slice %arg4[%dma_wait3A_183, %dma_wait3A_184] : memref<2560x128xi32, #tpu.memory_space<hbm>> -> memref<1x128xi32, #tpu.memory_space<hbm>>
      tpu.wait_dma2 semaphore(%arg19 : memref<!tpu.dma_semaphore, #tpu.memory_space<semaphore_mem>>) src(%dma_wait3A_185 : memref<1x128xi32, #tpu.memory_space<hbm>>) dst(%arg9 : memref<1x128xi32, #tpu.memory_space<vmem>>)
      %run_scoped3A_186 = arith.constant 0 : i32
      "tpu.region"() ({
        %run_scoped3A_194 = tpu.sem_alloc : memref<!tpu.dma_semaphore, #tpu.memory_space<semaphore_mem>>
        %dma_start3A_195 = arith.constant 0 : i32
        %dma_start3A_196 = tpu.memref_slice %arg9[%run_scoped3A_186, %dma_start3A_195] : memref<1x128xi32, #tpu.memory_space<vmem>> -> memref<1x128xi32, #tpu.memory_space<vmem>>
        %dma_start3A_197 = tpu.memref_squeeze %dma_start3A_196 : memref<1x128xi32, #tpu.memory_space<vmem>> -> memref<128xi32, #tpu.memory_space<vmem>>
        %dma_start3A_198 = arith.constant 0 : i32
        %dma_start3A_199 = arith.constant 0 : i32
        %dma_start3A_200 = tpu.memref_slice %arg13[%dma_start3A_198, %dma_start3A_199] : memref<10240x128xf32, #tpu.memory_space<vmem_shared>> -> memref<10240x128xf32, #tpu.memory_space<vmem_shared>>
        tpu.enqueue_indirect_dma source(%arg11 : memref<128x128xf32, #tpu.memory_space<vmem>>) target(%dma_start3A_200 : memref<10240x128xf32, #tpu.memory_space<vmem_shared>>) offsets(%dma_start3A_197 : memref<128xi32, #tpu.memory_space<vmem>>) semaphore(%run_scoped3A_194 : memref<!tpu.dma_semaphore, #tpu.memory_space<semaphore_mem>>) {add = true}
        %dma_wait3A_201 = arith.constant 0 : i32
        %dma_wait3A_202 = tpu.memref_slice %arg9[%run_scoped3A_186, %dma_wait3A_201] : memref<1x128xi32, #tpu.memory_space<vmem>> -> memref<1x128xi32, #tpu.memory_space<vmem>>
        %dma_wait3A_203 = tpu.memref_squeeze %dma_wait3A_202 : memref<1x128xi32, #tpu.memory_space<vmem>> -> memref<128xi32, #tpu.memory_space<vmem>>
        %dma_wait3A_204 = arith.constant 0 : i32
        %dma_wait3A_205 = arith.constant 0 : i32
        %dma_wait3A_206 = tpu.memref_slice %arg13[%dma_wait3A_204, %dma_wait3A_205] : memref<10240x128xf32, #tpu.memory_space<vmem_shared>> -> memref<10240x128xf32, #tpu.memory_space<vmem_shared>>
        tpu.wait_indirect_dma semaphore(%run_scoped3A_194 : memref<!tpu.dma_semaphore, #tpu.memory_space<semaphore_mem>>) src(%arg11 : memref<128x128xf32, #tpu.memory_space<vmem>>) dst(%dma_wait3A_206 : memref<10240x128xf32, #tpu.memory_space<vmem_shared>>)
        tpu.yield
      }) : () -> ()
      %add3A_187 = arith.constant 3 : i32
      %add3A_188 = arith.addi %mul3A_140, %add3A_187 : i32
      %lt3A_189 = arith.constant 80 : i32
      %lt3A_190 = arith.cmpi slt, %add3A_188, %lt3A_189 : i32
      %convert_element_type3A_191 = arith.extui %lt3A_190 : i1 to i32
      %cond3A_192 = arith.constant 0 : i32
      %cond3A_193 = arith.cmpi ne, %convert_element_type3A_191, %cond3A_192 : i32
      scf.if %cond3A_193 {
        %add3A_194 = arith.constant 3 : i32
        %add3A_195 = arith.addi %mul3A_140, %add3A_194 : i32
        %mul3A_196 = arith.constant 80 : i32
        %mul3A_197 = arith.muli %add3A, %mul3A_196 : i32
        %add3A_198 = arith.addi %mul3A_197, %add3A_195 : i32
        %dma_start3A_199 = arith.constant 0 : i32
        %dma_start3A_200 = tpu.memref_slice %arg3[%add3A_198, %dma_start3A_199] : memref<2560x128xi32, #tpu.memory_space<hbm>> -> memref<1x128xi32, #tpu.memory_space<hbm>>
        %dma_start3A_201 = arith.constant 0 : i32
        %dma_start3A_202 = tpu.memref_slice %arg3[%add3A_198, %dma_start3A_201] : memref<2560x128xi32, #tpu.memory_space<hbm>> -> memref<1x128xi32, #tpu.memory_space<hbm>>
        tpu.enqueue_dma source(%dma_start3A_202 : memref<1x128xi32, #tpu.memory_space<hbm>>) target(%arg7 : memref<1x128xi32, #tpu.memory_space<vmem>>) target_semaphore(%arg21 : memref<!tpu.dma_semaphore, #tpu.memory_space<semaphore_mem>>)
        %add3A_203 = arith.constant 3 : i32
        %add3A_204 = arith.addi %mul3A_140, %add3A_203 : i32
        %mul3A_205 = arith.constant 80 : i32
        %mul3A_206 = arith.muli %add3A, %mul3A_205 : i32
        %add3A_207 = arith.addi %mul3A_206, %add3A_204 : i32
        %dma_start3A_208 = arith.constant 0 : i32
        %dma_start3A_209 = tpu.memref_slice %arg4[%add3A_207, %dma_start3A_208] : memref<2560x128xi32, #tpu.memory_space<hbm>> -> memref<1x128xi32, #tpu.memory_space<hbm>>
        %dma_start3A_210 = arith.constant 0 : i32
        %dma_start3A_211 = tpu.memref_slice %arg4[%add3A_207, %dma_start3A_210] : memref<2560x128xi32, #tpu.memory_space<hbm>> -> memref<1x128xi32, #tpu.memory_space<hbm>>
        tpu.enqueue_dma source(%dma_start3A_211 : memref<1x128xi32, #tpu.memory_space<hbm>>) target(%arg9 : memref<1x128xi32, #tpu.memory_space<vmem>>) target_semaphore(%arg19 : memref<!tpu.dma_semaphore, #tpu.memory_space<semaphore_mem>>)
        %dma_wait3A_212 = arith.constant 0 : i32
        %dma_wait3A_213 = arith.constant 0 : i32
        %dma_wait3A_214 = tpu.memref_slice %arg3[%dma_wait3A_212, %dma_wait3A_213] : memref<2560x128xi32, #tpu.memory_space<hbm>> -> memref<1x128xi32, #tpu.memory_space<hbm>>
        %dma_wait3A_215 = arith.constant 0 : i32
        %dma_wait3A_216 = arith.constant 0 : i32
        %dma_wait3A_217 = tpu.memref_slice %arg3[%dma_wait3A_215, %dma_wait3A_216] : memref<2560x128xi32, #tpu.memory_space<hbm>> -> memref<1x128xi32, #tpu.memory_space<hbm>>
        tpu.wait_dma2 semaphore(%arg21 : memref<!tpu.dma_semaphore, #tpu.memory_space<semaphore_mem>>) src(%dma_wait3A_217 : memref<1x128xi32, #tpu.memory_space<hbm>>) dst(%arg7 : memref<1x128xi32, #tpu.memory_space<vmem>>)
      } else {
      }
    }
    %scan3A_47 = arith.constant 40 : i32
    %barrier3A_48 = arith.constant 0 : index
    tpu.barrier barrier_id(%barrier3A_48)
    %dma_start3A_49 = arith.constant 0 : i32
    %dma_start3A_50 = arith.constant 0 : i32
    %dma_start3A_51 = tpu.memref_slice %arg12[%dma_start3A_49, %dma_start3A_50] : memref<5x128xi32, #tpu.memory_space<vmem>> -> memref<1x128xi32, #tpu.memory_space<vmem>>
    %dma_start3A_52 = tpu.memref_squeeze %dma_start3A_51 : memref<1x128xi32, #tpu.memory_space<vmem>> -> memref<128xi32, #tpu.memory_space<vmem>>
    %dma_start3A_53 = arith.constant 0 : i32
    %dma_start3A_54 = arith.constant 0 : i32
    %dma_start3A_55 = tpu.memref_slice %arg13[%dma_start3A_53, %dma_start3A_54] : memref<10240x128xf32, #tpu.memory_space<vmem_shared>> -> memref<10240x128xf32, #tpu.memory_space<vmem_shared>>
    tpu.enqueue_indirect_dma source(%dma_start3A_55 : memref<10240x128xf32, #tpu.memory_space<vmem_shared>>) target(%arg10 : memref<128x128xf32, #tpu.memory_space<vmem>>) offsets(%dma_start3A_52 : memref<128xi32, #tpu.memory_space<vmem>>) semaphore(%arg14 : memref<!tpu.dma_semaphore, #tpu.memory_space<semaphore_mem>>)
    %dma_wait3A = arith.constant 0 : i32
    %dma_wait3A_56 = arith.constant 0 : i32
    %dma_wait3A_57 = tpu.memref_slice %arg12[%dma_wait3A, %dma_wait3A_56] : memref<5x128xi32, #tpu.memory_space<vmem>> -> memref<1x128xi32, #tpu.memory_space<vmem>>
    %dma_wait3A_58 = tpu.memref_squeeze %dma_wait3A_57 : memref<1x128xi32, #tpu.memory_space<vmem>> -> memref<128xi32, #tpu.memory_space<vmem>>
    %dma_wait3A_59 = arith.constant 0 : i32
    %dma_wait3A_60 = arith.constant 0 : i32
    %dma_wait3A_61 = tpu.memref_slice %arg13[%dma_wait3A_59, %dma_wait3A_60] : memref<10240x128xf32, #tpu.memory_space<vmem_shared>> -> memref<10240x128xf32, #tpu.memory_space<vmem_shared>>
    tpu.wait_indirect_dma semaphore(%arg14 : memref<!tpu.dma_semaphore, #tpu.memory_space<semaphore_mem>>) src(%dma_wait3A_61 : memref<10240x128xf32, #tpu.memory_space<vmem_shared>>) dst(%arg10 : memref<128x128xf32, #tpu.memory_space<vmem>>)
    %mul3A_62 = arith.constant 640 : i32
    %mul3A_63 = arith.muli %arg1, %mul3A_62 : i32
    %add3A_64 = arith.constant 0 : i32
    %add3A_65 = arith.addi %mul3A_63, %add3A_64 : i32
    "tpu.region"() ({
      %run_scoped3A_138 = tpu.sem_alloc : memref<!tpu.dma_semaphore, #tpu.memory_space<semaphore_mem>>
      %dma_start3A_139 = arith.constant 0 : i32
      %dma_start3A_140 = tpu.memref_slice %arg5[%arg0, %add3A_65, %dma_start3A_139] : memref<2x10240x128xf32, #tpu.memory_space<hbm>> -> memref<1x128x128xf32, #tpu.memory_space<hbm>>
      %dma_start3A_141 = tpu.memref_squeeze %dma_start3A_140 : memref<1x128x128xf32, #tpu.memory_space<hbm>> -> memref<128x128xf32, #tpu.memory_space<hbm>>
      %dma_start3A_142 = arith.constant 0 : i32
      %dma_start3A_143 = tpu.memref_slice %arg5[%arg0, %add3A_65, %dma_start3A_142] : memref<2x10240x128xf32, #tpu.memory_space<hbm>> -> memref<1x128x128xf32, #tpu.memory_space<hbm>>
      %dma_start3A_144 = tpu.memref_squeeze %dma_start3A_143 : memref<1x128x128xf32, #tpu.memory_space<hbm>> -> memref<128x128xf32, #tpu.memory_space<hbm>>
      tpu.enqueue_dma source(%arg10 : memref<128x128xf32, #tpu.memory_space<vmem>>) target(%dma_start3A_144 : memref<128x128xf32, #tpu.memory_space<hbm>>) target_semaphore(%run_scoped3A_138 : memref<!tpu.dma_semaphore, #tpu.memory_space<semaphore_mem>>)
      %dma_wait3A_145 = arith.constant 0 : i32
      %dma_wait3A_146 = tpu.memref_slice %arg5[%arg0, %add3A_65, %dma_wait3A_145] : memref<2x10240x128xf32, #tpu.memory_space<hbm>> -> memref<1x128x128xf32, #tpu.memory_space<hbm>>
      %dma_wait3A_147 = tpu.memref_squeeze %dma_wait3A_146 : memref<1x128x128xf32, #tpu.memory_space<hbm>> -> memref<128x128xf32, #tpu.memory_space<hbm>>
      %dma_wait3A_148 = arith.constant 0 : i32
      %dma_wait3A_149 = tpu.memref_slice %arg5[%arg0, %add3A_65, %dma_wait3A_148] : memref<2x10240x128xf32, #tpu.memory_space<hbm>> -> memref<1x128x128xf32, #tpu.memory_space<hbm>>
      %dma_wait3A_150 = tpu.memref_squeeze %dma_wait3A_149 : memref<1x128x128xf32, #tpu.memory_space<hbm>> -> memref<128x128xf32, #tpu.memory_space<hbm>>
      tpu.wait_dma2 semaphore(%run_scoped3A_138 : memref<!tpu.dma_semaphore, #tpu.memory_space<semaphore_mem>>) src(%arg10 : memref<128x128xf32, #tpu.memory_space<vmem>>) dst(%dma_wait3A_150 : memref<128x128xf32, #tpu.memory_space<hbm>>)
      tpu.yield
    }) : () -> ()
    %dma_start3A_66 = arith.constant 1 : i32
    %dma_start3A_67 = arith.constant 0 : i32
    %dma_start3A_68 = tpu.memref_slice %arg12[%dma_start3A_66, %dma_start3A_67] : memref<5x128xi32, #tpu.memory_space<vmem>> -> memref<1x128xi32, #tpu.memory_space<vmem>>
    %dma_start3A_69 = tpu.memref_squeeze %dma_start3A_68 : memref<1x128xi32, #tpu.memory_space<vmem>> -> memref<128xi32, #tpu.memory_space<vmem>>
    %dma_start3A_70 = arith.constant 0 : i32
    %dma_start3A_71 = arith.constant 0 : i32
    %dma_start3A_72 = tpu.memref_slice %arg13[%dma_start3A_70, %dma_start3A_71] : memref<10240x128xf32, #tpu.memory_space<vmem_shared>> -> memref<10240x128xf32, #tpu.memory_space<vmem_shared>>
    tpu.enqueue_indirect_dma source(%dma_start3A_72 : memref<10240x128xf32, #tpu.memory_space<vmem_shared>>) target(%arg10 : memref<128x128xf32, #tpu.memory_space<vmem>>) offsets(%dma_start3A_69 : memref<128xi32, #tpu.memory_space<vmem>>) semaphore(%arg14 : memref<!tpu.dma_semaphore, #tpu.memory_space<semaphore_mem>>)
    %dma_wait3A_73 = arith.constant 1 : i32
    %dma_wait3A_74 = arith.constant 0 : i32
    %dma_wait3A_75 = tpu.memref_slice %arg12[%dma_wait3A_73, %dma_wait3A_74] : memref<5x128xi32, #tpu.memory_space<vmem>> -> memref<1x128xi32, #tpu.memory_space<vmem>>
    %dma_wait3A_76 = tpu.memref_squeeze %dma_wait3A_75 : memref<1x128xi32, #tpu.memory_space<vmem>> -> memref<128xi32, #tpu.memory_space<vmem>>
    %dma_wait3A_77 = arith.constant 0 : i32
    %dma_wait3A_78 = arith.constant 0 : i32
    %dma_wait3A_79 = tpu.memref_slice %arg13[%dma_wait3A_77, %dma_wait3A_78] : memref<10240x128xf32, #tpu.memory_space<vmem_shared>> -> memref<10240x128xf32, #tpu.memory_space<vmem_shared>>
    tpu.wait_indirect_dma semaphore(%arg14 : memref<!tpu.dma_semaphore, #tpu.memory_space<semaphore_mem>>) src(%dma_wait3A_79 : memref<10240x128xf32, #tpu.memory_space<vmem_shared>>) dst(%arg10 : memref<128x128xf32, #tpu.memory_space<vmem>>)
    %mul3A_80 = arith.constant 640 : i32
    %mul3A_81 = arith.muli %arg1, %mul3A_80 : i32
    %add3A_82 = arith.constant 128 : i32
    %add3A_83 = arith.addi %mul3A_81, %add3A_82 : i32
    "tpu.region"() ({
      %run_scoped3A_138 = tpu.sem_alloc : memref<!tpu.dma_semaphore, #tpu.memory_space<semaphore_mem>>
      %dma_start3A_139 = arith.constant 0 : i32
      %dma_start3A_140 = tpu.memref_slice %arg5[%arg0, %add3A_83, %dma_start3A_139] : memref<2x10240x128xf32, #tpu.memory_space<hbm>> -> memref<1x128x128xf32, #tpu.memory_space<hbm>>
      %dma_start3A_141 = tpu.memref_squeeze %dma_start3A_140 : memref<1x128x128xf32, #tpu.memory_space<hbm>> -> memref<128x128xf32, #tpu.memory_space<hbm>>
      %dma_start3A_142 = arith.constant 0 : i32
      %dma_start3A_143 = tpu.memref_slice %arg5[%arg0, %add3A_83, %dma_start3A_142] : memref<2x10240x128xf32, #tpu.memory_space<hbm>> -> memref<1x128x128xf32, #tpu.memory_space<hbm>>
      %dma_start3A_144 = tpu.memref_squeeze %dma_start3A_143 : memref<1x128x128xf32, #tpu.memory_space<hbm>> -> memref<128x128xf32, #tpu.memory_space<hbm>>
      tpu.enqueue_dma source(%arg10 : memref<128x128xf32, #tpu.memory_space<vmem>>) target(%dma_start3A_144 : memref<128x128xf32, #tpu.memory_space<hbm>>) target_semaphore(%run_scoped3A_138 : memref<!tpu.dma_semaphore, #tpu.memory_space<semaphore_mem>>)
      %dma_wait3A_145 = arith.constant 0 : i32
      %dma_wait3A_146 = tpu.memref_slice %arg5[%arg0, %add3A_83, %dma_wait3A_145] : memref<2x10240x128xf32, #tpu.memory_space<hbm>> -> memref<1x128x128xf32, #tpu.memory_space<hbm>>
      %dma_wait3A_147 = tpu.memref_squeeze %dma_wait3A_146 : memref<1x128x128xf32, #tpu.memory_space<hbm>> -> memref<128x128xf32, #tpu.memory_space<hbm>>
      %dma_wait3A_148 = arith.constant 0 : i32
      %dma_wait3A_149 = tpu.memref_slice %arg5[%arg0, %add3A_83, %dma_wait3A_148] : memref<2x10240x128xf32, #tpu.memory_space<hbm>> -> memref<1x128x128xf32, #tpu.memory_space<hbm>>
      %dma_wait3A_150 = tpu.memref_squeeze %dma_wait3A_149 : memref<1x128x128xf32, #tpu.memory_space<hbm>> -> memref<128x128xf32, #tpu.memory_space<hbm>>
      tpu.wait_dma2 semaphore(%run_scoped3A_138 : memref<!tpu.dma_semaphore, #tpu.memory_space<semaphore_mem>>) src(%arg10 : memref<128x128xf32, #tpu.memory_space<vmem>>) dst(%dma_wait3A_150 : memref<128x128xf32, #tpu.memory_space<hbm>>)
      tpu.yield
    }) : () -> ()
    %dma_start3A_84 = arith.constant 2 : i32
    %dma_start3A_85 = arith.constant 0 : i32
    %dma_start3A_86 = tpu.memref_slice %arg12[%dma_start3A_84, %dma_start3A_85] : memref<5x128xi32, #tpu.memory_space<vmem>> -> memref<1x128xi32, #tpu.memory_space<vmem>>
    %dma_start3A_87 = tpu.memref_squeeze %dma_start3A_86 : memref<1x128xi32, #tpu.memory_space<vmem>> -> memref<128xi32, #tpu.memory_space<vmem>>
    %dma_start3A_88 = arith.constant 0 : i32
    %dma_start3A_89 = arith.constant 0 : i32
    %dma_start3A_90 = tpu.memref_slice %arg13[%dma_start3A_88, %dma_start3A_89] : memref<10240x128xf32, #tpu.memory_space<vmem_shared>> -> memref<10240x128xf32, #tpu.memory_space<vmem_shared>>
    tpu.enqueue_indirect_dma source(%dma_start3A_90 : memref<10240x128xf32, #tpu.memory_space<vmem_shared>>) target(%arg10 : memref<128x128xf32, #tpu.memory_space<vmem>>) offsets(%dma_start3A_87 : memref<128xi32, #tpu.memory_space<vmem>>) semaphore(%arg14 : memref<!tpu.dma_semaphore, #tpu.memory_space<semaphore_mem>>)
    %dma_wait3A_91 = arith.constant 2 : i32
    %dma_wait3A_92 = arith.constant 0 : i32
    %dma_wait3A_93 = tpu.memref_slice %arg12[%dma_wait3A_91, %dma_wait3A_92] : memref<5x128xi32, #tpu.memory_space<vmem>> -> memref<1x128xi32, #tpu.memory_space<vmem>>
    %dma_wait3A_94 = tpu.memref_squeeze %dma_wait3A_93 : memref<1x128xi32, #tpu.memory_space<vmem>> -> memref<128xi32, #tpu.memory_space<vmem>>
    %dma_wait3A_95 = arith.constant 0 : i32
    %dma_wait3A_96 = arith.constant 0 : i32
    %dma_wait3A_97 = tpu.memref_slice %arg13[%dma_wait3A_95, %dma_wait3A_96] : memref<10240x128xf32, #tpu.memory_space<vmem_shared>> -> memref<10240x128xf32, #tpu.memory_space<vmem_shared>>
    tpu.wait_indirect_dma semaphore(%arg14 : memref<!tpu.dma_semaphore, #tpu.memory_space<semaphore_mem>>) src(%dma_wait3A_97 : memref<10240x128xf32, #tpu.memory_space<vmem_shared>>) dst(%arg10 : memref<128x128xf32, #tpu.memory_space<vmem>>)
    %mul3A_98 = arith.constant 640 : i32
    %mul3A_99 = arith.muli %arg1, %mul3A_98 : i32
    %add3A_100 = arith.constant 256 : i32
    %add3A_101 = arith.addi %mul3A_99, %add3A_100 : i32
    "tpu.region"() ({
      %run_scoped3A_138 = tpu.sem_alloc : memref<!tpu.dma_semaphore, #tpu.memory_space<semaphore_mem>>
      %dma_start3A_139 = arith.constant 0 : i32
      %dma_start3A_140 = tpu.memref_slice %arg5[%arg0, %add3A_101, %dma_start3A_139] : memref<2x10240x128xf32, #tpu.memory_space<hbm>> -> memref<1x128x128xf32, #tpu.memory_space<hbm>>
      %dma_start3A_141 = tpu.memref_squeeze %dma_start3A_140 : memref<1x128x128xf32, #tpu.memory_space<hbm>> -> memref<128x128xf32, #tpu.memory_space<hbm>>
      %dma_start3A_142 = arith.constant 0 : i32
      %dma_start3A_143 = tpu.memref_slice %arg5[%arg0, %add3A_101, %dma_start3A_142] : memref<2x10240x128xf32, #tpu.memory_space<hbm>> -> memref<1x128x128xf32, #tpu.memory_space<hbm>>
      %dma_start3A_144 = tpu.memref_squeeze %dma_start3A_143 : memref<1x128x128xf32, #tpu.memory_space<hbm>> -> memref<128x128xf32, #tpu.memory_space<hbm>>
      tpu.enqueue_dma source(%arg10 : memref<128x128xf32, #tpu.memory_space<vmem>>) target(%dma_start3A_144 : memref<128x128xf32, #tpu.memory_space<hbm>>) target_semaphore(%run_scoped3A_138 : memref<!tpu.dma_semaphore, #tpu.memory_space<semaphore_mem>>)
      %dma_wait3A_145 = arith.constant 0 : i32
      %dma_wait3A_146 = tpu.memref_slice %arg5[%arg0, %add3A_101, %dma_wait3A_145] : memref<2x10240x128xf32, #tpu.memory_space<hbm>> -> memref<1x128x128xf32, #tpu.memory_space<hbm>>
      %dma_wait3A_147 = tpu.memref_squeeze %dma_wait3A_146 : memref<1x128x128xf32, #tpu.memory_space<hbm>> -> memref<128x128xf32, #tpu.memory_space<hbm>>
      %dma_wait3A_148 = arith.constant 0 : i32
      %dma_wait3A_149 = tpu.memref_slice %arg5[%arg0, %add3A_101, %dma_wait3A_148] : memref<2x10240x128xf32, #tpu.memory_space<hbm>> -> memref<1x128x128xf32, #tpu.memory_space<hbm>>
      %dma_wait3A_150 = tpu.memref_squeeze %dma_wait3A_149 : memref<1x128x128xf32, #tpu.memory_space<hbm>> -> memref<128x128xf32, #tpu.memory_space<hbm>>
      tpu.wait_dma2 semaphore(%run_scoped3A_138 : memref<!tpu.dma_semaphore, #tpu.memory_space<semaphore_mem>>) src(%arg10 : memref<128x128xf32, #tpu.memory_space<vmem>>) dst(%dma_wait3A_150 : memref<128x128xf32, #tpu.memory_space<hbm>>)
      tpu.yield
    }) : () -> ()
    %dma_start3A_102 = arith.constant 3 : i32
    %dma_start3A_103 = arith.constant 0 : i32
    %dma_start3A_104 = tpu.memref_slice %arg12[%dma_start3A_102, %dma_start3A_103] : memref<5x128xi32, #tpu.memory_space<vmem>> -> memref<1x128xi32, #tpu.memory_space<vmem>>
    %dma_start3A_105 = tpu.memref_squeeze %dma_start3A_104 : memref<1x128xi32, #tpu.memory_space<vmem>> -> memref<128xi32, #tpu.memory_space<vmem>>
    %dma_start3A_106 = arith.constant 0 : i32
    %dma_start3A_107 = arith.constant 0 : i32
    %dma_start3A_108 = tpu.memref_slice %arg13[%dma_start3A_106, %dma_start3A_107] : memref<10240x128xf32, #tpu.memory_space<vmem_shared>> -> memref<10240x128xf32, #tpu.memory_space<vmem_shared>>
    tpu.enqueue_indirect_dma source(%dma_start3A_108 : memref<10240x128xf32, #tpu.memory_space<vmem_shared>>) target(%arg10 : memref<128x128xf32, #tpu.memory_space<vmem>>) offsets(%dma_start3A_105 : memref<128xi32, #tpu.memory_space<vmem>>) semaphore(%arg14 : memref<!tpu.dma_semaphore, #tpu.memory_space<semaphore_mem>>)
    %dma_wait3A_109 = arith.constant 3 : i32
    %dma_wait3A_110 = arith.constant 0 : i32
    %dma_wait3A_111 = tpu.memref_slice %arg12[%dma_wait3A_109, %dma_wait3A_110] : memref<5x128xi32, #tpu.memory_space<vmem>> -> memref<1x128xi32, #tpu.memory_space<vmem>>
    %dma_wait3A_112 = tpu.memref_squeeze %dma_wait3A_111 : memref<1x128xi32, #tpu.memory_space<vmem>> -> memref<128xi32, #tpu.memory_space<vmem>>
    %dma_wait3A_113 = arith.constant 0 : i32
    %dma_wait3A_114 = arith.constant 0 : i32
    %dma_wait3A_115 = tpu.memref_slice %arg13[%dma_wait3A_113, %dma_wait3A_114] : memref<10240x128xf32, #tpu.memory_space<vmem_shared>> -> memref<10240x128xf32, #tpu.memory_space<vmem_shared>>
    tpu.wait_indirect_dma semaphore(%arg14 : memref<!tpu.dma_semaphore, #tpu.memory_space<semaphore_mem>>) src(%dma_wait3A_115 : memref<10240x128xf32, #tpu.memory_space<vmem_shared>>) dst(%arg10 : memref<128x128xf32, #tpu.memory_space<vmem>>)
    %mul3A_116 = arith.constant 640 : i32
    %mul3A_117 = arith.muli %arg1, %mul3A_116 : i32
    %add3A_118 = arith.constant 384 : i32
    %add3A_119 = arith.addi %mul3A_117, %add3A_118 : i32
    "tpu.region"() ({
      %run_scoped3A_138 = tpu.sem_alloc : memref<!tpu.dma_semaphore, #tpu.memory_space<semaphore_mem>>
      %dma_start3A_139 = arith.constant 0 : i32
      %dma_start3A_140 = tpu.memref_slice %arg5[%arg0, %add3A_119, %dma_start3A_139] : memref<2x10240x128xf32, #tpu.memory_space<hbm>> -> memref<1x128x128xf32, #tpu.memory_space<hbm>>
      %dma_start3A_141 = tpu.memref_squeeze %dma_start3A_140 : memref<1x128x128xf32, #tpu.memory_space<hbm>> -> memref<128x128xf32, #tpu.memory_space<hbm>>
      %dma_start3A_142 = arith.constant 0 : i32
      %dma_start3A_143 = tpu.memref_slice %arg5[%arg0, %add3A_119, %dma_start3A_142] : memref<2x10240x128xf32, #tpu.memory_space<hbm>> -> memref<1x128x128xf32, #tpu.memory_space<hbm>>
      %dma_start3A_144 = tpu.memref_squeeze %dma_start3A_143 : memref<1x128x128xf32, #tpu.memory_space<hbm>> -> memref<128x128xf32, #tpu.memory_space<hbm>>
      tpu.enqueue_dma source(%arg10 : memref<128x128xf32, #tpu.memory_space<vmem>>) target(%dma_start3A_144 : memref<128x128xf32, #tpu.memory_space<hbm>>) target_semaphore(%run_scoped3A_138 : memref<!tpu.dma_semaphore, #tpu.memory_space<semaphore_mem>>)
      %dma_wait3A_145 = arith.constant 0 : i32
      %dma_wait3A_146 = tpu.memref_slice %arg5[%arg0, %add3A_119, %dma_wait3A_145] : memref<2x10240x128xf32, #tpu.memory_space<hbm>> -> memref<1x128x128xf32, #tpu.memory_space<hbm>>
      %dma_wait3A_147 = tpu.memref_squeeze %dma_wait3A_146 : memref<1x128x128xf32, #tpu.memory_space<hbm>> -> memref<128x128xf32, #tpu.memory_space<hbm>>
      %dma_wait3A_148 = arith.constant 0 : i32
      %dma_wait3A_149 = tpu.memref_slice %arg5[%arg0, %add3A_119, %dma_wait3A_148] : memref<2x10240x128xf32, #tpu.memory_space<hbm>> -> memref<1x128x128xf32, #tpu.memory_space<hbm>>
      %dma_wait3A_150 = tpu.memref_squeeze %dma_wait3A_149 : memref<1x128x128xf32, #tpu.memory_space<hbm>> -> memref<128x128xf32, #tpu.memory_space<hbm>>
      tpu.wait_dma2 semaphore(%run_scoped3A_138 : memref<!tpu.dma_semaphore, #tpu.memory_space<semaphore_mem>>) src(%arg10 : memref<128x128xf32, #tpu.memory_space<vmem>>) dst(%dma_wait3A_150 : memref<128x128xf32, #tpu.memory_space<hbm>>)
      tpu.yield
    }) : () -> ()
    %dma_start3A_120 = arith.constant 4 : i32
    %dma_start3A_121 = arith.constant 0 : i32
    %dma_start3A_122 = tpu.memref_slice %arg12[%dma_start3A_120, %dma_start3A_121] : memref<5x128xi32, #tpu.memory_space<vmem>> -> memref<1x128xi32, #tpu.memory_space<vmem>>
    %dma_start3A_123 = tpu.memref_squeeze %dma_start3A_122 : memref<1x128xi32, #tpu.memory_space<vmem>> -> memref<128xi32, #tpu.memory_space<vmem>>
    %dma_start3A_124 = arith.constant 0 : i32
    %dma_start3A_125 = arith.constant 0 : i32
    %dma_start3A_126 = tpu.memref_slice %arg13[%dma_start3A_124, %dma_start3A_125] : memref<10240x128xf32, #tpu.memory_space<vmem_shared>> -> memref<10240x128xf32, #tpu.memory_space<vmem_shared>>
    tpu.enqueue_indirect_dma source(%dma_start3A_126 : memref<10240x128xf32, #tpu.memory_space<vmem_shared>>) target(%arg10 : memref<128x128xf32, #tpu.memory_space<vmem>>) offsets(%dma_start3A_123 : memref<128xi32, #tpu.memory_space<vmem>>) semaphore(%arg14 : memref<!tpu.dma_semaphore, #tpu.memory_space<semaphore_mem>>)
    %dma_wait3A_127 = arith.constant 4 : i32
    %dma_wait3A_128 = arith.constant 0 : i32
    %dma_wait3A_129 = tpu.memref_slice %arg12[%dma_wait3A_127, %dma_wait3A_128] : memref<5x128xi32, #tpu.memory_space<vmem>> -> memref<1x128xi32, #tpu.memory_space<vmem>>
    %dma_wait3A_130 = tpu.memref_squeeze %dma_wait3A_129 : memref<1x128xi32, #tpu.memory_space<vmem>> -> memref<128xi32, #tpu.memory_space<vmem>>
    %dma_wait3A_131 = arith.constant 0 : i32
    %dma_wait3A_132 = arith.constant 0 : i32
    %dma_wait3A_133 = tpu.memref_slice %arg13[%dma_wait3A_131, %dma_wait3A_132] : memref<10240x128xf32, #tpu.memory_space<vmem_shared>> -> memref<10240x128xf32, #tpu.memory_space<vmem_shared>>
    tpu.wait_indirect_dma semaphore(%arg14 : memref<!tpu.dma_semaphore, #tpu.memory_space<semaphore_mem>>) src(%dma_wait3A_133 : memref<10240x128xf32, #tpu.memory_space<vmem_shared>>) dst(%arg10 : memref<128x128xf32, #tpu.memory_space<vmem>>)
    %mul3A_134 = arith.constant 640 : i32
    %mul3A_135 = arith.muli %arg1, %mul3A_134 : i32
    %add3A_136 = arith.constant 512 : i32
    %add3A_137 = arith.addi %mul3A_135, %add3A_136 : i32
    "tpu.region"() ({
      %run_scoped3A_138 = tpu.sem_alloc : memref<!tpu.dma_semaphore, #tpu.memory_space<semaphore_mem>>
      %dma_start3A_139 = arith.constant 0 : i32
      %dma_start3A_140 = tpu.memref_slice %arg5[%arg0, %add3A_137, %dma_start3A_139] : memref<2x10240x128xf32, #tpu.memory_space<hbm>> -> memref<1x128x128xf32, #tpu.memory_space<hbm>>
      %dma_start3A_141 = tpu.memref_squeeze %dma_start3A_140 : memref<1x128x128xf32, #tpu.memory_space<hbm>> -> memref<128x128xf32, #tpu.memory_space<hbm>>
      %dma_start3A_142 = arith.constant 0 : i32
      %dma_start3A_143 = tpu.memref_slice %arg5[%arg0, %add3A_137, %dma_start3A_142] : memref<2x10240x128xf32, #tpu.memory_space<hbm>> -> memref<1x128x128xf32, #tpu.memory_space<hbm>>
      %dma_start3A_144 = tpu.memref_squeeze %dma_start3A_143 : memref<1x128x128xf32, #tpu.memory_space<hbm>> -> memref<128x128xf32, #tpu.memory_space<hbm>>
      tpu.enqueue_dma source(%arg10 : memref<128x128xf32, #tpu.memory_space<vmem>>) target(%dma_start3A_144 : memref<128x128xf32, #tpu.memory_space<hbm>>) target_semaphore(%run_scoped3A_138 : memref<!tpu.dma_semaphore, #tpu.memory_space<semaphore_mem>>)
      %dma_wait3A_145 = arith.constant 0 : i32
      %dma_wait3A_146 = tpu.memref_slice %arg5[%arg0, %add3A_137, %dma_wait3A_145] : memref<2x10240x128xf32, #tpu.memory_space<hbm>> -> memref<1x128x128xf32, #tpu.memory_space<hbm>>
      %dma_wait3A_147 = tpu.memref_squeeze %dma_wait3A_146 : memref<1x128x128xf32, #tpu.memory_space<hbm>> -> memref<128x128xf32, #tpu.memory_space<hbm>>
      %dma_wait3A_148 = arith.constant 0 : i32
      %dma_wait3A_149 = tpu.memref_slice %arg5[%arg0, %add3A_137, %dma_wait3A_148] : memref<2x10240x128xf32, #tpu.memory_space<hbm>> -> memref<1x128x128xf32, #tpu.memory_space<hbm>>
      %dma_wait3A_150 = tpu.memref_squeeze %dma_wait3A_149 : memref<1x128x128xf32, #tpu.memory_space<hbm>> -> memref<128x128xf32, #tpu.memory_space<hbm>>
      tpu.wait_dma2 semaphore(%run_scoped3A_138 : memref<!tpu.dma_semaphore, #tpu.memory_space<semaphore_mem>>) src(%arg10 : memref<128x128xf32, #tpu.memory_space<vmem>>) dst(%dma_wait3A_150 : memref<128x128xf32, #tpu.memory_space<hbm>>)
      tpu.yield
    }) : () -> ()
    return
  }
}

#map = affine_map<(d0, d1) -> (0, 0)>
#map1 = affine_map<(d0, d1) -> (0, 0, 0)>
module attributes {stable_mosaic.version = 14 : i64} {
  func.func @wrapped(%arg0: i32, %arg1: i32, %arg2: memref<10240x128xf32, #tpu.memory_space<hbm>>, %arg3: memref<2560x128xi32, #tpu.memory_space<hbm>>, %arg4: memref<2560x128xi32, #tpu.memory_space<hbm>>, %arg5: memref<2x10240x128xf32, #tpu.memory_space<hbm>>, %arg6: memref<1x128xi32, #tpu.memory_space<vmem>>, %arg7: memref<1x128xi32, #tpu.memory_space<vmem>>, %arg8: memref<1x128xi32, #tpu.memory_space<vmem>>, %arg9: memref<1x128xi32, #tpu.memory_space<vmem>>, %arg10: memref<128x128xf32, #tpu.memory_space<vmem>>, %arg11: memref<128x128xf32, #tpu.memory_space<vmem>>, %arg12: memref<5x128xi32, #tpu.memory_space<vmem>>, %arg13: memref<10240x128xf32, #tpu.memory_space<vmem_shared>>, %arg14: memref<!tpu.dma_semaphore, #tpu.memory_space<semaphore_mem>>, %arg15: memref<!tpu.dma_semaphore, #tpu.memory_space<semaphore_mem>>, %arg16: memref<!tpu.dma_semaphore, #tpu.memory_space<semaphore_mem>>, %arg17: memref<!tpu.dma_semaphore, #tpu.memory_space<semaphore_mem>>, %arg18: memref<!tpu.dma_semaphore, #tpu.memory_space<semaphore_mem>>, %arg19: memref<!tpu.dma_semaphore, #tpu.memory_space<semaphore_mem>>, %arg20: memref<!tpu.dma_semaphore, #tpu.memory_space<semaphore_mem>>, %arg21: memref<!tpu.dma_semaphore, #tpu.memory_space<semaphore_mem>>) attributes {dimension_semantics = [#tpu.dimension_semantics<core_parallel>, #tpu.dimension_semantics<subcore_parallel>], iteration_bounds = array<i64: 2, 16>, scalar_prefetch = 0 : i64, scratch_operands = 16 : i64, tpu.core_type = #tpu.core_type<sc_vector_subcore>, window_params = [{transform_indices = #map}, {transform_indices = #map}, {transform_indices = #map}, {transform_indices = #map1}]} {
    %mul3A = arith.constant 16 : i32
    %mul3A_0 = arith.muli %arg0, %mul3A : i32
    %add3A = arith.addi %mul3A_0, %arg1 : i32
    %broadcast_in_dim3A = arith.constant 0.000000e+00 : f32
    %broadcast_in_dim3A_1 = vector.broadcast %broadcast_in_dim3A : f32 to vector<16xf32>
    %scan3A = arith.constant 0 : i32
    %scan3A_2 = arith.constant 1024 : i32
    %scan3A_3 = arith.addi %scan3A, %scan3A_2 : i32
    %scan3A_4 = arith.constant 1 : i32
    scf.for %scan3A_138 = %scan3A to %scan3A_3 step %scan3A_4  : i32 {
      %jit3A = arith.constant 8 : i32
      %div3A = arith.divsi %scan3A_138, %jit3A : i32
      %sign3A = arith.constant 0 : i32
      %sign3A_139 = arith.cmpi sgt, %scan3A_138, %sign3A : i32
      %sign3A_140 = arith.extui %sign3A_139 : i1 to i32
      %sign3A_141 = arith.constant 0 : i32
      %sign3A_142 = arith.cmpi slt, %scan3A_138, %sign3A_141 : i32
      %sign3A_143 = arith.extui %sign3A_142 : i1 to i32
      %sign3A_144 = arith.subi %sign3A_140, %sign3A_143 : i32
      %sign3A_145 = arith.constant 0 : i32
      %sign3A_146 = arith.cmpi sgt, %jit3A, %sign3A_145 : i32
      %sign3A_147 = arith.extui %sign3A_146 : i1 to i32
      %sign3A_148 = arith.constant 0 : i32
      %sign3A_149 = arith.cmpi slt, %jit3A, %sign3A_148 : i32
      %sign3A_150 = arith.extui %sign3A_149 : i1 to i32
      %sign3A_151 = arith.subi %sign3A_147, %sign3A_150 : i32
      %ne3A = arith.cmpi ne, %sign3A_144, %sign3A_151 : i32
      %rem3A = arith.remsi %scan3A_138, %jit3A : i32
      %ne3A_152 = arith.constant 0 : i32
      %ne3A_153 = arith.cmpi ne, %rem3A, %ne3A_152 : i32
      %and3A = arith.andi %ne3A, %ne3A_153 : i1
      %sub3A = arith.constant 1 : i32
      %sub3A_154 = arith.subi %div3A, %sub3A : i32
      %select_n3A = arith.select %and3A, %sub3A_154, %div3A : i32
      %jit3A_155 = arith.constant 8 : i32
      %eq3A = arith.constant 0 : i32
      %eq3A_156 = arith.cmpi eq, %jit3A_155, %eq3A : i32
      %jit3A_157 = arith.constant 1 : i32
      %select_n3A_158 = arith.select %eq3A_156, %jit3A_157, %jit3A_155 : i32
      %rem3A_159 = arith.remsi %scan3A_138, %select_n3A_158 : i32
      %ne3A_160 = arith.constant 0 : i32
      %ne3A_161 = arith.cmpi ne, %rem3A_159, %ne3A_160 : i32
      %lt3A = arith.constant 0 : i32
      %lt3A_162 = arith.cmpi slt, %rem3A_159, %lt3A : i32
      %lt3A_163 = arith.constant 0 : i32
      %lt3A_164 = arith.cmpi slt, %select_n3A_158, %lt3A_163 : i32
      %ne3A_165 = arith.xori %lt3A_162, %lt3A_164 : i1
      %and3A_166 = arith.andi %ne3A_165, %ne3A_161 : i1
      %add3A_167 = arith.addi %rem3A_159, %select_n3A_158 : i32
      %select_n3A_168 = arith.select %and3A_166, %add3A_167, %rem3A_159 : i32
      %mul3A_169 = arith.constant 16 : i32
      %mul3A_170 = arith.muli %select_n3A_168, %mul3A_169 : i32
      %swap3A = arith.index_cast %select_n3A : i32 to index
      %swap3A_171 = arith.index_cast %mul3A_170 : i32 to index
      %swap3A_172 = tpu.vector_load %arg10[%swap3A, %swap3A_171] {strides = array<i32>} : memref<128x128xf32, #tpu.memory_space<vmem>>, vector<1x16xf32>,
      %swap3A_173 = vector.shape_cast %swap3A_172 : vector<1x16xf32> to vector<16xf32>
      %swap3A_174 = vector.shape_cast %broadcast_in_dim3A_1 : vector<16xf32> to vector<1x16xf32>
      tpu.vector_store %arg10[%swap3A, %swap3A_171], %swap3A_174 {strides = array<i32>} : memref<128x128xf32, #tpu.memory_space<vmem>>, vector<1x16xf32>,
    }
    %scan3A_5 = arith.constant 1024 : i32
    %iota3A = tpu.iota {dimensions = array<i32: 0>} : vector<16xi32>
    %scan3A_6 = arith.constant 0 : i32
    %scan3A_7 = arith.constant 40 : i32
    %scan3A_8 = arith.addi %scan3A_6, %scan3A_7 : i32
    %scan3A_9 = arith.constant 1 : i32
    scf.for %scan3A_138 = %scan3A_6 to %scan3A_8 step %scan3A_9  : i32 {
      %jit3A = arith.constant 8 : i32
      %div3A = arith.divsi %scan3A_138, %jit3A : i32
      %sign3A = arith.constant 0 : i32
      %sign3A_139 = arith.cmpi sgt, %scan3A_138, %sign3A : i32
      %sign3A_140 = arith.extui %sign3A_139 : i1 to i32
      %sign3A_141 = arith.constant 0 : i32
      %sign3A_142 = arith.cmpi slt, %scan3A_138, %sign3A_141 : i32
      %sign3A_143 = arith.extui %sign3A_142 : i1 to i32
      %sign3A_144 = arith.subi %sign3A_140, %sign3A_143 : i32
      %sign3A_145 = arith.constant 0 : i32
      %sign3A_146 = arith.cmpi sgt, %jit3A, %sign3A_145 : i32
      %sign3A_147 = arith.extui %sign3A_146 : i1 to i32
      %sign3A_148 = arith.constant 0 : i32
      %sign3A_149 = arith.cmpi slt, %jit3A, %sign3A_148 : i32
      %sign3A_150 = arith.extui %sign3A_149 : i1 to i32
      %sign3A_151 = arith.subi %sign3A_147, %sign3A_150 : i32
      %ne3A = arith.cmpi ne, %sign3A_144, %sign3A_151 : i32
      %rem3A = arith.remsi %scan3A_138, %jit3A : i32
      %ne3A_152 = arith.constant 0 : i32
      %ne3A_153 = arith.cmpi ne, %rem3A, %ne3A_152 : i32
      %and3A = arith.andi %ne3A, %ne3A_153 : i1
      %sub3A = arith.constant 1 : i32
      %sub3A_154 = arith.subi %div3A, %sub3A : i32
      %select_n3A = arith.select %and3A, %sub3A_154, %div3A : i32
      %jit3A_155 = arith.constant 8 : i32
      %eq3A = arith.constant 0 : i32
      %eq3A_156 = arith.cmpi eq, %jit3A_155, %eq3A : i32
      %jit3A_157 = arith.constant 1 : i32
      %select_n3A_158 = arith.select %eq3A_156, %jit3A_157, %jit3A_155 : i32
      %rem3A_159 = arith.remsi %scan3A_138, %select_n3A_158 : i32
      %ne3A_160 = arith.constant 0 : i32
      %ne3A_161 = arith.cmpi ne, %rem3A_159, %ne3A_160 : i32
      %lt3A = arith.constant 0 : i32
      %lt3A_162 = arith.cmpi slt, %rem3A_159, %lt3A : i32
      %lt3A_163 = arith.constant 0 : i32
      %lt3A_164 = arith.cmpi slt, %select_n3A_158, %lt3A_163 : i32
      %ne3A_165 = arith.xori %lt3A_162, %lt3A_164 : i1
      %and3A_166 = arith.andi %ne3A_165, %ne3A_161 : i1
      %add3A_167 = arith.addi %rem3A_159, %select_n3A_158 : i32
      %select_n3A_168 = arith.select %and3A_166, %add3A_167, %rem3A_159 : i32
      %mul3A_169 = arith.constant 640 : i32
      %mul3A_170 = arith.muli %arg1, %mul3A_169 : i32
      %mul3A_171 = arith.constant 128 : i32
      %mul3A_172 = arith.muli %select_n3A, %mul3A_171 : i32
      %add3A_173 = arith.addi %mul3A_170, %mul3A_172 : i32
      %mul3A_174 = arith.constant 16 : i32
      %mul3A_175 = arith.muli %select_n3A_168, %mul3A_174 : i32
      %add3A_176 = arith.addi %add3A_173, %mul3A_175 : i32
      %add3A_177 = vector.broadcast %add3A_176 : i32 to vector<16xi32>
      %add3A_178 = arith.addi %add3A_177, %iota3A : vector<16xi32>
      %mul3A_179 = arith.constant 16 : i32
      %mul3A_180 = arith.muli %select_n3A_168, %mul3A_179 : i32
      %swap3A = arith.index_cast %select_n3A : i32 to index
      %swap3A_181 = arith.index_cast %mul3A_180 : i32 to index
      %swap3A_182 = tpu.vector_load %arg12[%swap3A, %swap3A_181] {strides = array<i32>} : memref<5x128xi32, #tpu.memory_space<vmem>>, vector<1x16xi32>,
      %swap3A_183 = vector.shape_cast %swap3A_182 : vector<1x16xi32> to vector<16xi32>
      %swap3A_184 = vector.shape_cast %add3A_178 : vector<16xi32> to vector<1x16xi32>
      tpu.vector_store %arg12[%swap3A, %swap3A_181], %swap3A_184 {strides = array<i32>} : memref<5x128xi32, #tpu.memory_space<vmem>>, vector<1x16xi32>,
    }
    %scan3A_10 = arith.constant 40 : i32
    %run_scoped3A = arith.constant 0 : i32
    "tpu.region"() ({
      %run_scoped3A_138 = tpu.sem_alloc : memref<!tpu.dma_semaphore, #tpu.memory_space<semaphore_mem>>
      %dma_start3A_139 = arith.constant 0 : i32
      %dma_start3A_140 = tpu.memref_slice %arg12[%run_scoped3A, %dma_start3A_139] : memref<5x128xi32, #tpu.memory_space<vmem>> -> memref<1x128xi32, #tpu.memory_space<vmem>>
      %dma_start3A_141 = tpu.memref_squeeze %dma_start3A_140 : memref<1x128xi32, #tpu.memory_space<vmem>> -> memref<128xi32, #tpu.memory_space<vmem>>
      %dma_start3A_142 = arith.constant 0 : i32
      %dma_start3A_143 = arith.constant 0 : i32
      %dma_start3A_144 = tpu.memref_slice %arg13[%dma_start3A_142, %dma_start3A_143] : memref<10240x128xf32, #tpu.memory_space<vmem_shared>> -> memref<10240x128xf32, #tpu.memory_space<vmem_shared>>
      tpu.enqueue_indirect_dma source(%arg10 : memref<128x128xf32, #tpu.memory_space<vmem>>) target(%dma_start3A_144 : memref<10240x128xf32, #tpu.memory_space<vmem_shared>>) offsets(%dma_start3A_141 : memref<128xi32, #tpu.memory_space<vmem>>) semaphore(%run_scoped3A_138 : memref<!tpu.dma_semaphore, #tpu.memory_space<semaphore_mem>>)
      %dma_wait3A_145 = arith.constant 0 : i32
      %dma_wait3A_146 = tpu.memref_slice %arg12[%run_scoped3A, %dma_wait3A_145] : memref<5x128xi32, #tpu.memory_space<vmem>> -> memref<1x128xi32, #tpu.memory_space<vmem>>
      %dma_wait3A_147 = tpu.memref_squeeze %dma_wait3A_146 : memref<1x128xi32, #tpu.memory_space<vmem>> -> memref<128xi32, #tpu.memory_space<vmem>>
      %dma_wait3A_148 = arith.constant 0 : i32
      %dma_wait3A_149 = arith.constant 0 : i32
      %dma_wait3A_150 = tpu.memref_slice %arg13[%dma_wait3A_148, %dma_wait3A_149] : memref<10240x128xf32, #tpu.memory_space<vmem_shared>> -> memref<10240x128xf32, #tpu.memory_space<vmem_shared>>
      tpu.wait_indirect_dma semaphore(%run_scoped3A_138 : memref<!tpu.dma_semaphore, #tpu.memory_space<semaphore_mem>>) src(%arg10 : memref<128x128xf32, #tpu.memory_space<vmem>>) dst(%dma_wait3A_150 : memref<10240x128xf32, #tpu.memory_space<vmem_shared>>)
      tpu.yield
    }) : () -> ()
    %run_scoped3A_11 = arith.constant 1 : i32
    "tpu.region"() ({
      %run_scoped3A_138 = tpu.sem_alloc : memref<!tpu.dma_semaphore, #tpu.memory_space<semaphore_mem>>
      %dma_start3A_139 = arith.constant 0 : i32
      %dma_start3A_140 = tpu.memref_slice %arg12[%run_scoped3A_11, %dma_start3A_139] : memref<5x128xi32, #tpu.memory_space<vmem>> -> memref<1x128xi32, #tpu.memory_space<vmem>>
      %dma_start3A_141 = tpu.memref_squeeze %dma_start3A_140 : memref<1x128xi32, #tpu.memory_space<vmem>> -> memref<128xi32, #tpu.memory_space<vmem>>
      %dma_start3A_142 = arith.constant 0 : i32
      %dma_start3A_143 = arith.constant 0 : i32
      %dma_start3A_144 = tpu.memref_slice %arg13[%dma_start3A_142, %dma_start3A_143] : memref<10240x128xf32, #tpu.memory_space<vmem_shared>> -> memref<10240x128xf32, #tpu.memory_space<vmem_shared>>
      tpu.enqueue_indirect_dma source(%arg10 : memref<128x128xf32, #tpu.memory_space<vmem>>) target(%dma_start3A_144 : memref<10240x128xf32, #tpu.memory_space<vmem_shared>>) offsets(%dma_start3A_141 : memref<128xi32, #tpu.memory_space<vmem>>) semaphore(%run_scoped3A_138 : memref<!tpu.dma_semaphore, #tpu.memory_space<semaphore_mem>>)
      %dma_wait3A_145 = arith.constant 0 : i32
      %dma_wait3A_146 = tpu.memref_slice %arg12[%run_scoped3A_11, %dma_wait3A_145] : memref<5x128xi32, #tpu.memory_space<vmem>> -> memref<1x128xi32, #tpu.memory_space<vmem>>
      %dma_wait3A_147 = tpu.memref_squeeze %dma_wait3A_146 : memref<1x128xi32, #tpu.memory_space<vmem>> -> memref<128xi32, #tpu.memory_space<vmem>>
      %dma_wait3A_148 = arith.constant 0 : i32
      %dma_wait3A_149 = arith.constant 0 : i32
      %dma_wait3A_150 = tpu.memref_slice %arg13[%dma_wait3A_148, %dma_wait3A_149] : memref<10240x128xf32, #tpu.memory_space<vmem_shared>> -> memref<10240x128xf32, #tpu.memory_space<vmem_shared>>
      tpu.wait_indirect_dma semaphore(%run_scoped3A_138 : memref<!tpu.dma_semaphore, #tpu.memory_space<semaphore_mem>>) src(%arg10 : memref<128x128xf32, #tpu.memory_space<vmem>>) dst(%dma_wait3A_150 : memref<10240x128xf32, #tpu.memory_space<vmem_shared>>)
      tpu.yield
    }) : () -> ()
    %run_scoped3A_12 = arith.constant 2 : i32
    "tpu.region"() ({
      %run_scoped3A_138 = tpu.sem_alloc : memref<!tpu.dma_semaphore, #tpu.memory_space<semaphore_mem>>
      %dma_start3A_139 = arith.constant 0 : i32
      %dma_start3A_140 = tpu.memref_slice %arg12[%run_scoped3A_12, %dma_start3A_139] : memref<5x128xi32, #tpu.memory_space<vmem>> -> memref<1x128xi32, #tpu.memory_space<vmem>>
      %dma_start3A_141 = tpu.memref_squeeze %dma_start3A_140 : memref<1x128xi32, #tpu.memory_space<vmem>> -> memref<128xi32, #tpu.memory_space<vmem>>
      %dma_start3A_142 = arith.constant 0 : i32
      %dma_start3A_143 = arith.constant 0 : i32
      %dma_start3A_144 = tpu.memref_slice %arg13[%dma_start3A_142, %dma_start3A_143] : memref<10240x128xf32, #tpu.memory_space<vmem_shared>> -> memref<10240x128xf32, #tpu.memory_space<vmem_shared>>
      tpu.enqueue_indirect_dma source(%arg10 : memref<128x128xf32, #tpu.memory_space<vmem>>) target(%dma_start3A_144 : memref<10240x128xf32, #tpu.memory_space<vmem_shared>>) offsets(%dma_start3A_141 : memref<128xi32, #tpu.memory_space<vmem>>) semaphore(%run_scoped3A_138 : memref<!tpu.dma_semaphore, #tpu.memory_space<semaphore_mem>>)
      %dma_wait3A_145 = arith.constant 0 : i32
      %dma_wait3A_146 = tpu.memref_slice %arg12[%run_scoped3A_12, %dma_wait3A_145] : memref<5x128xi32, #tpu.memory_space<vmem>> -> memref<1x128xi32, #tpu.memory_space<vmem>>
      %dma_wait3A_147 = tpu.memref_squeeze %dma_wait3A_146 : memref<1x128xi32, #tpu.memory_space<vmem>> -> memref<128xi32, #tpu.memory_space<vmem>>
      %dma_wait3A_148 = arith.constant 0 : i32
      %dma_wait3A_149 = arith.constant 0 : i32
      %dma_wait3A_150 = tpu.memref_slice %arg13[%dma_wait3A_148, %dma_wait3A_149] : memref<10240x128xf32, #tpu.memory_space<vmem_shared>> -> memref<10240x128xf32, #tpu.memory_space<vmem_shared>>
      tpu.wait_indirect_dma semaphore(%run_scoped3A_138 : memref<!tpu.dma_semaphore, #tpu.memory_space<semaphore_mem>>) src(%arg10 : memref<128x128xf32, #tpu.memory_space<vmem>>) dst(%dma_wait3A_150 : memref<10240x128xf32, #tpu.memory_space<vmem_shared>>)
      tpu.yield
    }) : () -> ()
    %run_scoped3A_13 = arith.constant 3 : i32
    "tpu.region"() ({
      %run_scoped3A_138 = tpu.sem_alloc : memref<!tpu.dma_semaphore, #tpu.memory_space<semaphore_mem>>
      %dma_start3A_139 = arith.constant 0 : i32
      %dma_start3A_140 = tpu.memref_slice %arg12[%run_scoped3A_13, %dma_start3A_139] : memref<5x128xi32, #tpu.memory_space<vmem>> -> memref<1x128xi32, #tpu.memory_space<vmem>>
      %dma_start3A_141 = tpu.memref_squeeze %dma_start3A_140 : memref<1x128xi32, #tpu.memory_space<vmem>> -> memref<128xi32, #tpu.memory_space<vmem>>
      %dma_start3A_142 = arith.constant 0 : i32
      %dma_start3A_143 = arith.constant 0 : i32
      %dma_start3A_144 = tpu.memref_slice %arg13[%dma_start3A_142, %dma_start3A_143] : memref<10240x128xf32, #tpu.memory_space<vmem_shared>> -> memref<10240x128xf32, #tpu.memory_space<vmem_shared>>
      tpu.enqueue_indirect_dma source(%arg10 : memref<128x128xf32, #tpu.memory_space<vmem>>) target(%dma_start3A_144 : memref<10240x128xf32, #tpu.memory_space<vmem_shared>>) offsets(%dma_start3A_141 : memref<128xi32, #tpu.memory_space<vmem>>) semaphore(%run_scoped3A_138 : memref<!tpu.dma_semaphore, #tpu.memory_space<semaphore_mem>>)
      %dma_wait3A_145 = arith.constant 0 : i32
      %dma_wait3A_146 = tpu.memref_slice %arg12[%run_scoped3A_13, %dma_wait3A_145] : memref<5x128xi32, #tpu.memory_space<vmem>> -> memref<1x128xi32, #tpu.memory_space<vmem>>
      %dma_wait3A_147 = tpu.memref_squeeze %dma_wait3A_146 : memref<1x128xi32, #tpu.memory_space<vmem>> -> memref<128xi32, #tpu.memory_space<vmem>>
      %dma_wait3A_148 = arith.constant 0 : i32
      %dma_wait3A_149 = arith.constant 0 : i32
      %dma_wait3A_150 = tpu.memref_slice %arg13[%dma_wait3A_148, %dma_wait3A_149] : memref<10240x128xf32, #tpu.memory_space<vmem_shared>> -> memref<10240x128xf32, #tpu.memory_space<vmem_shared>>
      tpu.wait_indirect_dma semaphore(%run_scoped3A_138 : memref<!tpu.dma_semaphore, #tpu.memory_space<semaphore_mem>>) src(%arg10 : memref<128x128xf32, #tpu.memory_space<vmem>>) dst(%dma_wait3A_150 : memref<10240x128xf32, #tpu.memory_space<vmem_shared>>)
      tpu.yield
    }) : () -> ()
    %run_scoped3A_14 = arith.constant 4 : i32
    "tpu.region"() ({
      %run_scoped3A_138 = tpu.sem_alloc : memref<!tpu.dma_semaphore, #tpu.memory_space<semaphore_mem>>
      %dma_start3A_139 = arith.constant 0 : i32
      %dma_start3A_140 = tpu.memref_slice %arg12[%run_scoped3A_14, %dma_start3A_139] : memref<5x128xi32, #tpu.memory_space<vmem>> -> memref<1x128xi32, #tpu.memory_space<vmem>>
      %dma_start3A_141 = tpu.memref_squeeze %dma_start3A_140 : memref<1x128xi32, #tpu.memory_space<vmem>> -> memref<128xi32, #tpu.memory_space<vmem>>
      %dma_start3A_142 = arith.constant 0 : i32
      %dma_start3A_143 = arith.constant 0 : i32
      %dma_start3A_144 = tpu.memref_slice %arg13[%dma_start3A_142, %dma_start3A_143] : memref<10240x128xf32, #tpu.memory_space<vmem_shared>> -> memref<10240x128xf32, #tpu.memory_space<vmem_shared>>
      tpu.enqueue_indirect_dma source(%arg10 : memref<128x128xf32, #tpu.memory_space<vmem>>) target(%dma_start3A_144 : memref<10240x128xf32, #tpu.memory_space<vmem_shared>>) offsets(%dma_start3A_141 : memref<128xi32, #tpu.memory_space<vmem>>) semaphore(%run_scoped3A_138 : memref<!tpu.dma_semaphore, #tpu.memory_space<semaphore_mem>>)
      %dma_wait3A_145 = arith.constant 0 : i32
      %dma_wait3A_146 = tpu.memref_slice %arg12[%run_scoped3A_14, %dma_wait3A_145] : memref<5x128xi32, #tpu.memory_space<vmem>> -> memref<1x128xi32, #tpu.memory_space<vmem>>
      %dma_wait3A_147 = tpu.memref_squeeze %dma_wait3A_146 : memref<1x128xi32, #tpu.memory_space<vmem>> -> memref<128xi32, #tpu.memory_space<vmem>>
      %dma_wait3A_148 = arith.constant 0 : i32
      %dma_wait3A_149 = arith.constant 0 : i32
      %dma_wait3A_150 = tpu.memref_slice %arg13[%dma_wait3A_148, %dma_wait3A_149] : memref<10240x128xf32, #tpu.memory_space<vmem_shared>> -> memref<10240x128xf32, #tpu.memory_space<vmem_shared>>
      tpu.wait_indirect_dma semaphore(%run_scoped3A_138 : memref<!tpu.dma_semaphore, #tpu.memory_space<semaphore_mem>>) src(%arg10 : memref<128x128xf32, #tpu.memory_space<vmem>>) dst(%dma_wait3A_150 : memref<10240x128xf32, #tpu.memory_space<vmem_shared>>)
      tpu.yield
    }) : () -> ()
    %barrier3A = arith.constant 0 : index
    tpu.barrier barrier_id(%barrier3A)
    %mul3A_15 = arith.constant 80 : i32
    %mul3A_16 = arith.muli %add3A, %mul3A_15 : i32
    "tpu.region"() ({
      %run_scoped3A_138 = tpu.sem_alloc : memref<!tpu.dma_semaphore, #tpu.memory_space<semaphore_mem>>
      %dma_start3A_139 = arith.constant 0 : i32
      %dma_start3A_140 = tpu.memref_slice %arg3[%mul3A_16, %dma_start3A_139] : memref<2560x128xi32, #tpu.memory_space<hbm>> -> memref<1x128xi32, #tpu.memory_space<hbm>>
      %dma_start3A_141 = arith.constant 0 : i32
      %dma_start3A_142 = tpu.memref_slice %arg3[%mul3A_16, %dma_start3A_141] : memref<2560x128xi32, #tpu.memory_space<hbm>> -> memref<1x128xi32, #tpu.memory_space<hbm>>
      tpu.enqueue_dma source(%dma_start3A_142 : memref<1x128xi32, #tpu.memory_space<hbm>>) target(%arg6 : memref<1x128xi32, #tpu.memory_space<vmem>>) target_semaphore(%run_scoped3A_138 : memref<!tpu.dma_semaphore, #tpu.memory_space<semaphore_mem>>)
      %dma_wait3A_143 = arith.constant 0 : i32
      %dma_wait3A_144 = tpu.memref_slice %arg3[%mul3A_16, %dma_wait3A_143] : memref<2560x128xi32, #tpu.memory_space<hbm>> -> memref<1x128xi32, #tpu.memory_space<hbm>>
      %dma_wait3A_145 = arith.constant 0 : i32
      %dma_wait3A_146 = tpu.memref_slice %arg3[%mul3A_16, %dma_wait3A_145] : memref<2560x128xi32, #tpu.memory_space<hbm>> -> memref<1x128xi32, #tpu.memory_space<hbm>>
      tpu.wait_dma2 semaphore(%run_scoped3A_138 : memref<!tpu.dma_semaphore, #tpu.memory_space<semaphore_mem>>) src(%dma_wait3A_146 : memref<1x128xi32, #tpu.memory_space<hbm>>) dst(%arg6 : memref<1x128xi32, #tpu.memory_space<vmem>>)
      tpu.yield
    }) : () -> ()
    %mul3A_17 = arith.constant 80 : i32
    %mul3A_18 = arith.muli %add3A, %mul3A_17 : i32
    %add3A_19 = arith.constant 1 : i32
    %add3A_20 = arith.addi %mul3A_18, %add3A_19 : i32
    "tpu.region"() ({
      %run_scoped3A_138 = tpu.sem_alloc : memref<!tpu.dma_semaphore, #tpu.memory_space<semaphore_mem>>
      %dma_start3A_139 = arith.constant 0 : i32
      %dma_start3A_140 = tpu.memref_slice %arg3[%add3A_20, %dma_start3A_139] : memref<2560x128xi32, #tpu.memory_space<hbm>> -> memref<1x128xi32, #tpu.memory_space<hbm>>
      %dma_start3A_141 = arith.constant 0 : i32
      %dma_start3A_142 = tpu.memref_slice %arg3[%add3A_20, %dma_start3A_141] : memref<2560x128xi32, #tpu.memory_space<hbm>> -> memref<1x128xi32, #tpu.memory_space<hbm>>
      tpu.enqueue_dma source(%dma_start3A_142 : memref<1x128xi32, #tpu.memory_space<hbm>>) target(%arg7 : memref<1x128xi32, #tpu.memory_space<vmem>>) target_semaphore(%run_scoped3A_138 : memref<!tpu.dma_semaphore, #tpu.memory_space<semaphore_mem>>)
      %dma_wait3A_143 = arith.constant 0 : i32
      %dma_wait3A_144 = tpu.memref_slice %arg3[%add3A_20, %dma_wait3A_143] : memref<2560x128xi32, #tpu.memory_space<hbm>> -> memref<1x128xi32, #tpu.memory_space<hbm>>
      %dma_wait3A_145 = arith.constant 0 : i32
      %dma_wait3A_146 = tpu.memref_slice %arg3[%add3A_20, %dma_wait3A_145] : memref<2560x128xi32, #tpu.memory_space<hbm>> -> memref<1x128xi32, #tpu.memory_space<hbm>>
      tpu.wait_dma2 semaphore(%run_scoped3A_138 : memref<!tpu.dma_semaphore, #tpu.memory_space<semaphore_mem>>) src(%dma_wait3A_146 : memref<1x128xi32, #tpu.memory_space<hbm>>) dst(%arg7 : memref<1x128xi32, #tpu.memory_space<vmem>>)
      tpu.yield
    }) : () -> ()
    %mul3A_21 = arith.constant 80 : i32
    %mul3A_22 = arith.muli %add3A, %mul3A_21 : i32
    %add3A_23 = arith.constant 0 : i32
    %add3A_24 = arith.addi %mul3A_22, %add3A_23 : i32
    %dma_start3A = arith.constant 0 : i32
    %dma_start3A_25 = tpu.memref_slice %arg4[%add3A_24, %dma_start3A] : memref<2560x128xi32, #tpu.memory_space<hbm>> -> memref<1x128xi32, #tpu.memory_space<hbm>>
    %dma_start3A_26 = arith.constant 0 : i32
    %dma_start3A_27 = tpu.memref_slice %arg4[%add3A_24, %dma_start3A_26] : memref<2560x128xi32, #tpu.memory_space<hbm>> -> memref<1x128xi32, #tpu.memory_space<hbm>>
    tpu.enqueue_dma source(%dma_start3A_27 : memref<1x128xi32, #tpu.memory_space<hbm>>) target(%arg8 : memref<1x128xi32, #tpu.memory_space<vmem>>) target_semaphore(%arg18 : memref<!tpu.dma_semaphore, #tpu.memory_space<semaphore_mem>>)
    %mul3A_28 = arith.constant 80 : i32
    %mul3A_29 = arith.muli %add3A, %mul3A_28 : i32
    %add3A_30 = arith.constant 1 : i32
    %add3A_31 = arith.addi %mul3A_29, %add3A_30 : i32
    %dma_start3A_32 = arith.constant 0 : i32
    %dma_start3A_33 = tpu.memref_slice %arg4[%add3A_31, %dma_start3A_32] : memref<2560x128xi32, #tpu.memory_space<hbm>> -> memref<1x128xi32, #tpu.memory_space<hbm>>
    %dma_start3A_34 = arith.constant 0 : i32
    %dma_start3A_35 = tpu.memref_slice %arg4[%add3A_31, %dma_start3A_34] : memref<2560x128xi32, #tpu.memory_space<hbm>> -> memref<1x128xi32, #tpu.memory_space<hbm>>
    tpu.enqueue_dma source(%dma_start3A_35 : memref<1x128xi32, #tpu.memory_space<hbm>>) target(%arg9 : memref<1x128xi32, #tpu.memory_space<vmem>>) target_semaphore(%arg19 : memref<!tpu.dma_semaphore, #tpu.memory_space<semaphore_mem>>)
    %dma_start3A_36 = arith.constant 0 : i32
    %dma_start3A_37 = arith.constant 0 : i32
    %dma_start3A_38 = tpu.memref_slice %arg6[%dma_start3A_36, %dma_start3A_37] : memref<1x128xi32, #tpu.memory_space<vmem>> -> memref<1x128xi32, #tpu.memory_space<vmem>>
    %dma_start3A_39 = tpu.memref_squeeze %dma_start3A_38 : memref<1x128xi32, #tpu.memory_space<vmem>> -> memref<128xi32, #tpu.memory_space<vmem>>
    %dma_start3A_40 = arith.constant 0 : i32
    %dma_start3A_41 = arith.constant 0 : i32
    %dma_start3A_42 = tpu.memref_slice %arg2[%dma_start3A_40, %dma_start3A_41] : memref<10240x128xf32, #tpu.memory_space<hbm>> -> memref<10240x128xf32, #tpu.memory_space<hbm>>
    tpu.enqueue_indirect_dma source(%dma_start3A_42 : memref<10240x128xf32, #tpu.memory_space<hbm>>) target(%arg10 : memref<128x128xf32, #tpu.memory_space<vmem>>) offsets(%dma_start3A_39 : memref<128xi32, #tpu.memory_space<vmem>>) semaphore(%arg14 : memref<!tpu.dma_semaphore, #tpu.memory_space<semaphore_mem>>)
    %scan3A_43 = arith.constant 0 : i32
    %scan3A_44 = arith.constant 40 : i32
    %scan3A_45 = arith.addi %scan3A_43, %scan3A_44 : i32
    %scan3A_46 = arith.constant 1 : i32
    scf.for %scan3A_138 = %scan3A_43 to %scan3A_45 step %scan3A_46  : i32 {
      %mul3A_139 = arith.constant 2 : i32
      %mul3A_140 = arith.muli %mul3A_139, %scan3A_138 : i32
      %dma_wait3A_141 = arith.constant 0 : i32
      %dma_wait3A_142 = arith.constant 0 : i32
      %dma_wait3A_143 = tpu.memref_slice %arg6[%dma_wait3A_141, %dma_wait3A_142] : memref<1x128xi32, #tpu.memory_space<vmem>> -> memref<1x128xi32, #tpu.memory_space<vmem>>
      %dma_wait3A_144 = tpu.memref_squeeze %dma_wait3A_143 : memref<1x128xi32, #tpu.memory_space<vmem>> -> memref<128xi32, #tpu.memory_space<vmem>>
      %dma_wait3A_145 = arith.constant 0 : i32
      %dma_wait3A_146 = arith.constant 0 : i32
      %dma_wait3A_147 = tpu.memref_slice %arg2[%dma_wait3A_145, %dma_wait3A_146] : memref<10240x128xf32, #tpu.memory_space<hbm>> -> memref<10240x128xf32, #tpu.memory_space<hbm>>
      tpu.wait_indirect_dma semaphore(%arg14 : memref<!tpu.dma_semaphore, #tpu.memory_space<semaphore_mem>>) src(%dma_wait3A_147 : memref<10240x128xf32, #tpu.memory_space<hbm>>) dst(%arg10 : memref<128x128xf32, #tpu.memory_space<vmem>>)
      %dma_start3A_148 = arith.constant 0 : i32
      %dma_start3A_149 = arith.constant 0 : i32
      %dma_start3A_150 = tpu.memref_slice %arg7[%dma_start3A_148, %dma_start3A_149] : memref<1x128xi32, #tpu.memory_space<vmem>> -> memref<1x128xi32, #tpu.memory_space<vmem>>
      %dma_start3A_151 = tpu.memref_squeeze %dma_start3A_150 : memref<1x128xi32, #tpu.memory_space<vmem>> -> memref<128xi32, #tpu.memory_space<vmem>>
      %dma_start3A_152 = arith.constant 0 : i32
      %dma_start3A_153 = arith.constant 0 : i32
      %dma_start3A_154 = tpu.memref_slice %arg2[%dma_start3A_152, %dma_start3A_153] : memref<10240x128xf32, #tpu.memory_space<hbm>> -> memref<10240x128xf32, #tpu.memory_space<hbm>>
      tpu.enqueue_indirect_dma source(%dma_start3A_154 : memref<10240x128xf32, #tpu.memory_space<hbm>>) target(%arg11 : memref<128x128xf32, #tpu.memory_space<vmem>>) offsets(%dma_start3A_151 : memref<128xi32, #tpu.memory_space<vmem>>) semaphore(%arg15 : memref<!tpu.dma_semaphore, #tpu.memory_space<semaphore_mem>>)
      %dma_wait3A_155 = arith.constant 0 : i32
      %dma_wait3A_156 = arith.constant 0 : i32
      %dma_wait3A_157 = tpu.memref_slice %arg4[%dma_wait3A_155, %dma_wait3A_156] : memref<2560x128xi32, #tpu.memory_space<hbm>> -> memref<1x128xi32, #tpu.memory_space<hbm>>
      %dma_wait3A_158 = arith.constant 0 : i32
      %dma_wait3A_159 = arith.constant 0 : i32
      %dma_wait3A_160 = tpu.memref_slice %arg4[%dma_wait3A_158, %dma_wait3A_159] : memref<2560x128xi32, #tpu.memory_space<hbm>> -> memref<1x128xi32, #tpu.memory_space<hbm>>
      tpu.wait_dma2 semaphore(%arg18 : memref<!tpu.dma_semaphore, #tpu.memory_space<semaphore_mem>>) src(%dma_wait3A_160 : memref<1x128xi32, #tpu.memory_space<hbm>>) dst(%arg8 : memref<1x128xi32, #tpu.memory_space<vmem>>)
      %run_scoped3A_161 = arith.constant 0 : i32
      "tpu.region"() ({
        %run_scoped3A_194 = tpu.sem_alloc : memref<!tpu.dma_semaphore, #tpu.memory_space<semaphore_mem>>
        %dma_start3A_195 = arith.constant 0 : i32
        %dma_start3A_196 = tpu.memref_slice %arg8[%run_scoped3A_161, %dma_start3A_195] : memref<1x128xi32, #tpu.memory_space<vmem>> -> memref<1x128xi32, #tpu.memory_space<vmem>>
        %dma_start3A_197 = tpu.memref_squeeze %dma_start3A_196 : memref<1x128xi32, #tpu.memory_space<vmem>> -> memref<128xi32, #tpu.memory_space<vmem>>
        %dma_start3A_198 = arith.constant 0 : i32
        %dma_start3A_199 = arith.constant 0 : i32
        %dma_start3A_200 = tpu.memref_slice %arg13[%dma_start3A_198, %dma_start3A_199] : memref<10240x128xf32, #tpu.memory_space<vmem_shared>> -> memref<10240x128xf32, #tpu.memory_space<vmem_shared>>
        tpu.enqueue_indirect_dma source(%arg10 : memref<128x128xf32, #tpu.memory_space<vmem>>) target(%dma_start3A_200 : memref<10240x128xf32, #tpu.memory_space<vmem_shared>>) offsets(%dma_start3A_197 : memref<128xi32, #tpu.memory_space<vmem>>) semaphore(%run_scoped3A_194 : memref<!tpu.dma_semaphore, #tpu.memory_space<semaphore_mem>>) {add = true}
        %dma_wait3A_201 = arith.constant 0 : i32
        %dma_wait3A_202 = tpu.memref_slice %arg8[%run_scoped3A_161, %dma_wait3A_201] : memref<1x128xi32, #tpu.memory_space<vmem>> -> memref<1x128xi32, #tpu.memory_space<vmem>>
        %dma_wait3A_203 = tpu.memref_squeeze %dma_wait3A_202 : memref<1x128xi32, #tpu.memory_space<vmem>> -> memref<128xi32, #tpu.memory_space<vmem>>
        %dma_wait3A_204 = arith.constant 0 : i32
        %dma_wait3A_205 = arith.constant 0 : i32
        %dma_wait3A_206 = tpu.memref_slice %arg13[%dma_wait3A_204, %dma_wait3A_205] : memref<10240x128xf32, #tpu.memory_space<vmem_shared>> -> memref<10240x128xf32, #tpu.memory_space<vmem_shared>>
        tpu.wait_indirect_dma semaphore(%run_scoped3A_194 : memref<!tpu.dma_semaphore, #tpu.memory_space<semaphore_mem>>) src(%arg10 : memref<128x128xf32, #tpu.memory_space<vmem>>) dst(%dma_wait3A_206 : memref<10240x128xf32, #tpu.memory_space<vmem_shared>>)
        tpu.yield
      }) : () -> ()
      %add3A_162 = arith.constant 2 : i32
      %add3A_163 = arith.addi %mul3A_140, %add3A_162 : i32
      %lt3A = arith.constant 80 : i32
      %lt3A_164 = arith.cmpi slt, %add3A_163, %lt3A : i32
      %convert_element_type3A = arith.extui %lt3A_164 : i1 to i32
      %cond3A = arith.constant 0 : i32
      %cond3A_165 = arith.cmpi ne, %convert_element_type3A, %cond3A : i32
      scf.if %cond3A_165 {
        %add3A_194 = arith.constant 2 : i32
        %add3A_195 = arith.addi %mul3A_140, %add3A_194 : i32
        %mul3A_196 = arith.constant 80 : i32
        %mul3A_197 = arith.muli %add3A, %mul3A_196 : i32
        %add3A_198 = arith.addi %mul3A_197, %add3A_195 : i32
        %dma_start3A_199 = arith.constant 0 : i32
        %dma_start3A_200 = tpu.memref_slice %arg3[%add3A_198, %dma_start3A_199] : memref<2560x128xi32, #tpu.memory_space<hbm>> -> memref<1x128xi32, #tpu.memory_space<hbm>>
        %dma_start3A_201 = arith.constant 0 : i32
        %dma_start3A_202 = tpu.memref_slice %arg3[%add3A_198, %dma_start3A_201] : memref<2560x128xi32, #tpu.memory_space<hbm>> -> memref<1x128xi32, #tpu.memory_space<hbm>>
        tpu.enqueue_dma source(%dma_start3A_202 : memref<1x128xi32, #tpu.memory_space<hbm>>) target(%arg6 : memref<1x128xi32, #tpu.memory_space<vmem>>) target_semaphore(%arg20 : memref<!tpu.dma_semaphore, #tpu.memory_space<semaphore_mem>>)
        %add3A_203 = arith.constant 2 : i32
        %add3A_204 = arith.addi %mul3A_140, %add3A_203 : i32
        %mul3A_205 = arith.constant 80 : i32
        %mul3A_206 = arith.muli %add3A, %mul3A_205 : i32
        %add3A_207 = arith.addi %mul3A_206, %add3A_204 : i32
        %dma_start3A_208 = arith.constant 0 : i32
        %dma_start3A_209 = tpu.memref_slice %arg4[%add3A_207, %dma_start3A_208] : memref<2560x128xi32, #tpu.memory_space<hbm>> -> memref<1x128xi32, #tpu.memory_space<hbm>>
        %dma_start3A_210 = arith.constant 0 : i32
        %dma_start3A_211 = tpu.memref_slice %arg4[%add3A_207, %dma_start3A_210] : memref<2560x128xi32, #tpu.memory_space<hbm>> -> memref<1x128xi32, #tpu.memory_space<hbm>>
        tpu.enqueue_dma source(%dma_start3A_211 : memref<1x128xi32, #tpu.memory_space<hbm>>) target(%arg8 : memref<1x128xi32, #tpu.memory_space<vmem>>) target_semaphore(%arg18 : memref<!tpu.dma_semaphore, #tpu.memory_space<semaphore_mem>>)
      } else {
      }
      %dma_wait3A_166 = arith.constant 0 : i32
      %dma_wait3A_167 = arith.constant 0 : i32
      %dma_wait3A_168 = tpu.memref_slice %arg7[%dma_wait3A_166, %dma_wait3A_167] : memref<1x128xi32, #tpu.memory_space<vmem>> -> memref<1x128xi32, #tpu.memory_space<vmem>>
      %dma_wait3A_169 = tpu.memref_squeeze %dma_wait3A_168 : memref<1x128xi32, #tpu.memory_space<vmem>> -> memref<128xi32, #tpu.memory_space<vmem>>
      %dma_wait3A_170 = arith.constant 0 : i32
      %dma_wait3A_171 = arith.constant 0 : i32
      %dma_wait3A_172 = tpu.memref_slice %arg2[%dma_wait3A_170, %dma_wait3A_171] : memref<10240x128xf32, #tpu.memory_space<hbm>> -> memref<10240x128xf32, #tpu.memory_space<hbm>>
      tpu.wait_indirect_dma semaphore(%arg15 : memref<!tpu.dma_semaphore, #tpu.memory_space<semaphore_mem>>) src(%dma_wait3A_172 : memref<10240x128xf32, #tpu.memory_space<hbm>>) dst(%arg11 : memref<128x128xf32, #tpu.memory_space<vmem>>)
      %add3A_173 = arith.constant 2 : i32
      %add3A_174 = arith.addi %mul3A_140, %add3A_173 : i32
      %lt3A_175 = arith.constant 80 : i32
      %lt3A_176 = arith.cmpi slt, %add3A_174, %lt3A_175 : i32
      %convert_element_type3A_177 = arith.extui %lt3A_176 : i1 to i32
      %cond3A_178 = arith.constant 0 : i32
      %cond3A_179 = arith.cmpi ne, %convert_element_type3A_177, %cond3A_178 : i32
      scf.if %cond3A_179 {
        %dma_wait3A_194 = arith.constant 0 : i32
        %dma_wait3A_195 = arith.constant 0 : i32
        %dma_wait3A_196 = tpu.memref_slice %arg3[%dma_wait3A_194, %dma_wait3A_195] : memref<2560x128xi32, #tpu.memory_space<hbm>> -> memref<1x128xi32, #tpu.memory_space<hbm>>
        %dma_wait3A_197 = arith.constant 0 : i32
        %dma_wait3A_198 = arith.constant 0 : i32
        %dma_wait3A_199 = tpu.memref_slice %arg3[%dma_wait3A_197, %dma_wait3A_198] : memref<2560x128xi32, #tpu.memory_space<hbm>> -> memref<1x128xi32, #tpu.memory_space<hbm>>
        tpu.wait_dma2 semaphore(%arg20 : memref<!tpu.dma_semaphore, #tpu.memory_space<semaphore_mem>>) src(%dma_wait3A_199 : memref<1x128xi32, #tpu.memory_space<hbm>>) dst(%arg6 : memref<1x128xi32, #tpu.memory_space<vmem>>)
        %dma_start3A_200 = arith.constant 0 : i32
        %dma_start3A_201 = arith.constant 0 : i32
        %dma_start3A_202 = tpu.memref_slice %arg6[%dma_start3A_200, %dma_start3A_201] : memref<1x128xi32, #tpu.memory_space<vmem>> -> memref<1x128xi32, #tpu.memory_space<vmem>>
        %dma_start3A_203 = tpu.memref_squeeze %dma_start3A_202 : memref<1x128xi32, #tpu.memory_space<vmem>> -> memref<128xi32, #tpu.memory_space<vmem>>
        %dma_start3A_204 = arith.constant 0 : i32
        %dma_start3A_205 = arith.constant 0 : i32
        %dma_start3A_206 = tpu.memref_slice %arg2[%dma_start3A_204, %dma_start3A_205] : memref<10240x128xf32, #tpu.memory_space<hbm>> -> memref<10240x128xf32, #tpu.memory_space<hbm>>
        tpu.enqueue_indirect_dma source(%dma_start3A_206 : memref<10240x128xf32, #tpu.memory_space<hbm>>) target(%arg10 : memref<128x128xf32, #tpu.memory_space<vmem>>) offsets(%dma_start3A_203 : memref<128xi32, #tpu.memory_space<vmem>>) semaphore(%arg14 : memref<!tpu.dma_semaphore, #tpu.memory_space<semaphore_mem>>)
      } else {
      }
      %dma_wait3A_180 = arith.constant 0 : i32
      %dma_wait3A_181 = arith.constant 0 : i32
      %dma_wait3A_182 = tpu.memref_slice %arg4[%dma_wait3A_180, %dma_wait3A_181] : memref<2560x128xi32, #tpu.memory_space<hbm>> -> memref<1x128xi32, #tpu.memory_space<hbm>>
      %dma_wait3A_183 = arith.constant 0 : i32
      %dma_wait3A_184 = arith.constant 0 : i32
      %dma_wait3A_185 = tpu.memref_slice %arg4[%dma_wait3A_183, %dma_wait3A_184] : memref<2560x128xi32, #tpu.memory_space<hbm>> -> memref<1x128xi32, #tpu.memory_space<hbm>>
      tpu.wait_dma2 semaphore(%arg19 : memref<!tpu.dma_semaphore, #tpu.memory_space<semaphore_mem>>) src(%dma_wait3A_185 : memref<1x128xi32, #tpu.memory_space<hbm>>) dst(%arg9 : memref<1x128xi32, #tpu.memory_space<vmem>>)
      %run_scoped3A_186 = arith.constant 0 : i32
      "tpu.region"() ({
        %run_scoped3A_194 = tpu.sem_alloc : memref<!tpu.dma_semaphore, #tpu.memory_space<semaphore_mem>>
        %dma_start3A_195 = arith.constant 0 : i32
        %dma_start3A_196 = tpu.memref_slice %arg9[%run_scoped3A_186, %dma_start3A_195] : memref<1x128xi32, #tpu.memory_space<vmem>> -> memref<1x128xi32, #tpu.memory_space<vmem>>
        %dma_start3A_197 = tpu.memref_squeeze %dma_start3A_196 : memref<1x128xi32, #tpu.memory_space<vmem>> -> memref<128xi32, #tpu.memory_space<vmem>>
        %dma_start3A_198 = arith.constant 0 : i32
        %dma_start3A_199 = arith.constant 0 : i32
        %dma_start3A_200 = tpu.memref_slice %arg13[%dma_start3A_198, %dma_start3A_199] : memref<10240x128xf32, #tpu.memory_space<vmem_shared>> -> memref<10240x128xf32, #tpu.memory_space<vmem_shared>>
        tpu.enqueue_indirect_dma source(%arg11 : memref<128x128xf32, #tpu.memory_space<vmem>>) target(%dma_start3A_200 : memref<10240x128xf32, #tpu.memory_space<vmem_shared>>) offsets(%dma_start3A_197 : memref<128xi32, #tpu.memory_space<vmem>>) semaphore(%run_scoped3A_194 : memref<!tpu.dma_semaphore, #tpu.memory_space<semaphore_mem>>) {add = true}
        %dma_wait3A_201 = arith.constant 0 : i32
        %dma_wait3A_202 = tpu.memref_slice %arg9[%run_scoped3A_186, %dma_wait3A_201] : memref<1x128xi32, #tpu.memory_space<vmem>> -> memref<1x128xi32, #tpu.memory_space<vmem>>
        %dma_wait3A_203 = tpu.memref_squeeze %dma_wait3A_202 : memref<1x128xi32, #tpu.memory_space<vmem>> -> memref<128xi32, #tpu.memory_space<vmem>>
        %dma_wait3A_204 = arith.constant 0 : i32
        %dma_wait3A_205 = arith.constant 0 : i32
        %dma_wait3A_206 = tpu.memref_slice %arg13[%dma_wait3A_204, %dma_wait3A_205] : memref<10240x128xf32, #tpu.memory_space<vmem_shared>> -> memref<10240x128xf32, #tpu.memory_space<vmem_shared>>
        tpu.wait_indirect_dma semaphore(%run_scoped3A_194 : memref<!tpu.dma_semaphore, #tpu.memory_space<semaphore_mem>>) src(%arg11 : memref<128x128xf32, #tpu.memory_space<vmem>>) dst(%dma_wait3A_206 : memref<10240x128xf32, #tpu.memory_space<vmem_shared>>)
        tpu.yield
      }) : () -> ()
      %add3A_187 = arith.constant 3 : i32
      %add3A_188 = arith.addi %mul3A_140, %add3A_187 : i32
      %lt3A_189 = arith.constant 80 : i32
      %lt3A_190 = arith.cmpi slt, %add3A_188, %lt3A_189 : i32
      %convert_element_type3A_191 = arith.extui %lt3A_190 : i1 to i32
      %cond3A_192 = arith.constant 0 : i32
      %cond3A_193 = arith.cmpi ne, %convert_element_type3A_191, %cond3A_192 : i32
      scf.if %cond3A_193 {
        %add3A_194 = arith.constant 3 : i32
        %add3A_195 = arith.addi %mul3A_140, %add3A_194 : i32
        %mul3A_196 = arith.constant 80 : i32
        %mul3A_197 = arith.muli %add3A, %mul3A_196 : i32
        %add3A_198 = arith.addi %mul3A_197, %add3A_195 : i32
        %dma_start3A_199 = arith.constant 0 : i32
        %dma_start3A_200 = tpu.memref_slice %arg3[%add3A_198, %dma_start3A_199] : memref<2560x128xi32, #tpu.memory_space<hbm>> -> memref<1x128xi32, #tpu.memory_space<hbm>>
        %dma_start3A_201 = arith.constant 0 : i32
        %dma_start3A_202 = tpu.memref_slice %arg3[%add3A_198, %dma_start3A_201] : memref<2560x128xi32, #tpu.memory_space<hbm>> -> memref<1x128xi32, #tpu.memory_space<hbm>>
        tpu.enqueue_dma source(%dma_start3A_202 : memref<1x128xi32, #tpu.memory_space<hbm>>) target(%arg7 : memref<1x128xi32, #tpu.memory_space<vmem>>) target_semaphore(%arg21 : memref<!tpu.dma_semaphore, #tpu.memory_space<semaphore_mem>>)
        %add3A_203 = arith.constant 3 : i32
        %add3A_204 = arith.addi %mul3A_140, %add3A_203 : i32
        %mul3A_205 = arith.constant 80 : i32
        %mul3A_206 = arith.muli %add3A, %mul3A_205 : i32
        %add3A_207 = arith.addi %mul3A_206, %add3A_204 : i32
        %dma_start3A_208 = arith.constant 0 : i32
        %dma_start3A_209 = tpu.memref_slice %arg4[%add3A_207, %dma_start3A_208] : memref<2560x128xi32, #tpu.memory_space<hbm>> -> memref<1x128xi32, #tpu.memory_space<hbm>>
        %dma_start3A_210 = arith.constant 0 : i32
        %dma_start3A_211 = tpu.memref_slice %arg4[%add3A_207, %dma_start3A_210] : memref<2560x128xi32, #tpu.memory_space<hbm>> -> memref<1x128xi32, #tpu.memory_space<hbm>>
        tpu.enqueue_dma source(%dma_start3A_211 : memref<1x128xi32, #tpu.memory_space<hbm>>) target(%arg9 : memref<1x128xi32, #tpu.memory_space<vmem>>) target_semaphore(%arg19 : memref<!tpu.dma_semaphore, #tpu.memory_space<semaphore_mem>>)
        %dma_wait3A_212 = arith.constant 0 : i32
        %dma_wait3A_213 = arith.constant 0 : i32
        %dma_wait3A_214 = tpu.memref_slice %arg3[%dma_wait3A_212, %dma_wait3A_213] : memref<2560x128xi32, #tpu.memory_space<hbm>> -> memref<1x128xi32, #tpu.memory_space<hbm>>
        %dma_wait3A_215 = arith.constant 0 : i32
        %dma_wait3A_216 = arith.constant 0 : i32
        %dma_wait3A_217 = tpu.memref_slice %arg3[%dma_wait3A_215, %dma_wait3A_216] : memref<2560x128xi32, #tpu.memory_space<hbm>> -> memref<1x128xi32, #tpu.memory_space<hbm>>
        tpu.wait_dma2 semaphore(%arg21 : memref<!tpu.dma_semaphore, #tpu.memory_space<semaphore_mem>>) src(%dma_wait3A_217 : memref<1x128xi32, #tpu.memory_space<hbm>>) dst(%arg7 : memref<1x128xi32, #tpu.memory_space<vmem>>)
      } else {
      }
    }
    %scan3A_47 = arith.constant 40 : i32
    %barrier3A_48 = arith.constant 0 : index
    tpu.barrier barrier_id(%barrier3A_48)
    %dma_start3A_49 = arith.constant 0 : i32
    %dma_start3A_50 = arith.constant 0 : i32
    %dma_start3A_51 = tpu.memref_slice %arg12[%dma_start3A_49, %dma_start3A_50] : memref<5x128xi32, #tpu.memory_space<vmem>> -> memref<1x128xi32, #tpu.memory_space<vmem>>
    %dma_start3A_52 = tpu.memref_squeeze %dma_start3A_51 : memref<1x128xi32, #tpu.memory_space<vmem>> -> memref<128xi32, #tpu.memory_space<vmem>>
    %dma_start3A_53 = arith.constant 0 : i32
    %dma_start3A_54 = arith.constant 0 : i32
    %dma_start3A_55 = tpu.memref_slice %arg13[%dma_start3A_53, %dma_start3A_54] : memref<10240x128xf32, #tpu.memory_space<vmem_shared>> -> memref<10240x128xf32, #tpu.memory_space<vmem_shared>>
    tpu.enqueue_indirect_dma source(%dma_start3A_55 : memref<10240x128xf32, #tpu.memory_space<vmem_shared>>) target(%arg10 : memref<128x128xf32, #tpu.memory_space<vmem>>) offsets(%dma_start3A_52 : memref<128xi32, #tpu.memory_space<vmem>>) semaphore(%arg14 : memref<!tpu.dma_semaphore, #tpu.memory_space<semaphore_mem>>)
    %dma_wait3A = arith.constant 0 : i32
    %dma_wait3A_56 = arith.constant 0 : i32
    %dma_wait3A_57 = tpu.memref_slice %arg12[%dma_wait3A, %dma_wait3A_56] : memref<5x128xi32, #tpu.memory_space<vmem>> -> memref<1x128xi32, #tpu.memory_space<vmem>>
    %dma_wait3A_58 = tpu.memref_squeeze %dma_wait3A_57 : memref<1x128xi32, #tpu.memory_space<vmem>> -> memref<128xi32, #tpu.memory_space<vmem>>
    %dma_wait3A_59 = arith.constant 0 : i32
    %dma_wait3A_60 = arith.constant 0 : i32
    %dma_wait3A_61 = tpu.memref_slice %arg13[%dma_wait3A_59, %dma_wait3A_60] : memref<10240x128xf32, #tpu.memory_space<vmem_shared>> -> memref<10240x128xf32, #tpu.memory_space<vmem_shared>>
    tpu.wait_indirect_dma semaphore(%arg14 : memref<!tpu.dma_semaphore, #tpu.memory_space<semaphore_mem>>) src(%dma_wait3A_61 : memref<10240x128xf32, #tpu.memory_space<vmem_shared>>) dst(%arg10 : memref<128x128xf32, #tpu.memory_space<vmem>>)
    %mul3A_62 = arith.constant 640 : i32
    %mul3A_63 = arith.muli %arg1, %mul3A_62 : i32
    %add3A_64 = arith.constant 0 : i32
    %add3A_65 = arith.addi %mul3A_63, %add3A_64 : i32
    "tpu.region"() ({
      %run_scoped3A_138 = tpu.sem_alloc : memref<!tpu.dma_semaphore, #tpu.memory_space<semaphore_mem>>
      %dma_start3A_139 = arith.constant 0 : i32
      %dma_start3A_140 = tpu.memref_slice %arg5[%arg0, %add3A_65, %dma_start3A_139] : memref<2x10240x128xf32, #tpu.memory_space<hbm>> -> memref<1x128x128xf32, #tpu.memory_space<hbm>>
      %dma_start3A_141 = tpu.memref_squeeze %dma_start3A_140 : memref<1x128x128xf32, #tpu.memory_space<hbm>> -> memref<128x128xf32, #tpu.memory_space<hbm>>
      %dma_start3A_142 = arith.constant 0 : i32
      %dma_start3A_143 = tpu.memref_slice %arg5[%arg0, %add3A_65, %dma_start3A_142] : memref<2x10240x128xf32, #tpu.memory_space<hbm>> -> memref<1x128x128xf32, #tpu.memory_space<hbm>>
      %dma_start3A_144 = tpu.memref_squeeze %dma_start3A_143 : memref<1x128x128xf32, #tpu.memory_space<hbm>> -> memref<128x128xf32, #tpu.memory_space<hbm>>
      tpu.enqueue_dma source(%arg10 : memref<128x128xf32, #tpu.memory_space<vmem>>) target(%dma_start3A_144 : memref<128x128xf32, #tpu.memory_space<hbm>>) target_semaphore(%run_scoped3A_138 : memref<!tpu.dma_semaphore, #tpu.memory_space<semaphore_mem>>)
      %dma_wait3A_145 = arith.constant 0 : i32
      %dma_wait3A_146 = tpu.memref_slice %arg5[%arg0, %add3A_65, %dma_wait3A_145] : memref<2x10240x128xf32, #tpu.memory_space<hbm>> -> memref<1x128x128xf32, #tpu.memory_space<hbm>>
      %dma_wait3A_147 = tpu.memref_squeeze %dma_wait3A_146 : memref<1x128x128xf32, #tpu.memory_space<hbm>> -> memref<128x128xf32, #tpu.memory_space<hbm>>
      %dma_wait3A_148 = arith.constant 0 : i32
      %dma_wait3A_149 = tpu.memref_slice %arg5[%arg0, %add3A_65, %dma_wait3A_148] : memref<2x10240x128xf32, #tpu.memory_space<hbm>> -> memref<1x128x128xf32, #tpu.memory_space<hbm>>
      %dma_wait3A_150 = tpu.memref_squeeze %dma_wait3A_149 : memref<1x128x128xf32, #tpu.memory_space<hbm>> -> memref<128x128xf32, #tpu.memory_space<hbm>>
      tpu.wait_dma2 semaphore(%run_scoped3A_138 : memref<!tpu.dma_semaphore, #tpu.memory_space<semaphore_mem>>) src(%arg10 : memref<128x128xf32, #tpu.memory_space<vmem>>) dst(%dma_wait3A_150 : memref<128x128xf32, #tpu.memory_space<hbm>>)
      tpu.yield
    }) : () -> ()
    %dma_start3A_66 = arith.constant 1 : i32
    %dma_start3A_67 = arith.constant 0 : i32
    %dma_start3A_68 = tpu.memref_slice %arg12[%dma_start3A_66, %dma_start3A_67] : memref<5x128xi32, #tpu.memory_space<vmem>> -> memref<1x128xi32, #tpu.memory_space<vmem>>
    %dma_start3A_69 = tpu.memref_squeeze %dma_start3A_68 : memref<1x128xi32, #tpu.memory_space<vmem>> -> memref<128xi32, #tpu.memory_space<vmem>>
    %dma_start3A_70 = arith.constant 0 : i32
    %dma_start3A_71 = arith.constant 0 : i32
    %dma_start3A_72 = tpu.memref_slice %arg13[%dma_start3A_70, %dma_start3A_71] : memref<10240x128xf32, #tpu.memory_space<vmem_shared>> -> memref<10240x128xf32, #tpu.memory_space<vmem_shared>>
    tpu.enqueue_indirect_dma source(%dma_start3A_72 : memref<10240x128xf32, #tpu.memory_space<vmem_shared>>) target(%arg10 : memref<128x128xf32, #tpu.memory_space<vmem>>) offsets(%dma_start3A_69 : memref<128xi32, #tpu.memory_space<vmem>>) semaphore(%arg14 : memref<!tpu.dma_semaphore, #tpu.memory_space<semaphore_mem>>)
    %dma_wait3A_73 = arith.constant 1 : i32
    %dma_wait3A_74 = arith.constant 0 : i32
    %dma_wait3A_75 = tpu.memref_slice %arg12[%dma_wait3A_73, %dma_wait3A_74] : memref<5x128xi32, #tpu.memory_space<vmem>> -> memref<1x128xi32, #tpu.memory_space<vmem>>
    %dma_wait3A_76 = tpu.memref_squeeze %dma_wait3A_75 : memref<1x128xi32, #tpu.memory_space<vmem>> -> memref<128xi32, #tpu.memory_space<vmem>>
    %dma_wait3A_77 = arith.constant 0 : i32
    %dma_wait3A_78 = arith.constant 0 : i32
    %dma_wait3A_79 = tpu.memref_slice %arg13[%dma_wait3A_77, %dma_wait3A_78] : memref<10240x128xf32, #tpu.memory_space<vmem_shared>> -> memref<10240x128xf32, #tpu.memory_space<vmem_shared>>
    tpu.wait_indirect_dma semaphore(%arg14 : memref<!tpu.dma_semaphore, #tpu.memory_space<semaphore_mem>>) src(%dma_wait3A_79 : memref<10240x128xf32, #tpu.memory_space<vmem_shared>>) dst(%arg10 : memref<128x128xf32, #tpu.memory_space<vmem>>)
    %mul3A_80 = arith.constant 640 : i32
    %mul3A_81 = arith.muli %arg1, %mul3A_80 : i32
    %add3A_82 = arith.constant 128 : i32
    %add3A_83 = arith.addi %mul3A_81, %add3A_82 : i32
    "tpu.region"() ({
      %run_scoped3A_138 = tpu.sem_alloc : memref<!tpu.dma_semaphore, #tpu.memory_space<semaphore_mem>>
      %dma_start3A_139 = arith.constant 0 : i32
      %dma_start3A_140 = tpu.memref_slice %arg5[%arg0, %add3A_83, %dma_start3A_139] : memref<2x10240x128xf32, #tpu.memory_space<hbm>> -> memref<1x128x128xf32, #tpu.memory_space<hbm>>
      %dma_start3A_141 = tpu.memref_squeeze %dma_start3A_140 : memref<1x128x128xf32, #tpu.memory_space<hbm>> -> memref<128x128xf32, #tpu.memory_space<hbm>>
      %dma_start3A_142 = arith.constant 0 : i32
      %dma_start3A_143 = tpu.memref_slice %arg5[%arg0, %add3A_83, %dma_start3A_142] : memref<2x10240x128xf32, #tpu.memory_space<hbm>> -> memref<1x128x128xf32, #tpu.memory_space<hbm>>
      %dma_start3A_144 = tpu.memref_squeeze %dma_start3A_143 : memref<1x128x128xf32, #tpu.memory_space<hbm>> -> memref<128x128xf32, #tpu.memory_space<hbm>>
      tpu.enqueue_dma source(%arg10 : memref<128x128xf32, #tpu.memory_space<vmem>>) target(%dma_start3A_144 : memref<128x128xf32, #tpu.memory_space<hbm>>) target_semaphore(%run_scoped3A_138 : memref<!tpu.dma_semaphore, #tpu.memory_space<semaphore_mem>>)
      %dma_wait3A_145 = arith.constant 0 : i32
      %dma_wait3A_146 = tpu.memref_slice %arg5[%arg0, %add3A_83, %dma_wait3A_145] : memref<2x10240x128xf32, #tpu.memory_space<hbm>> -> memref<1x128x128xf32, #tpu.memory_space<hbm>>
      %dma_wait3A_147 = tpu.memref_squeeze %dma_wait3A_146 : memref<1x128x128xf32, #tpu.memory_space<hbm>> -> memref<128x128xf32, #tpu.memory_space<hbm>>
      %dma_wait3A_148 = arith.constant 0 : i32
      %dma_wait3A_149 = tpu.memref_slice %arg5[%arg0, %add3A_83, %dma_wait3A_148] : memref<2x10240x128xf32, #tpu.memory_space<hbm>> -> memref<1x128x128xf32, #tpu.memory_space<hbm>>
      %dma_wait3A_150 = tpu.memref_squeeze %dma_wait3A_149 : memref<1x128x128xf32, #tpu.memory_space<hbm>> -> memref<128x128xf32, #tpu.memory_space<hbm>>
      tpu.wait_dma2 semaphore(%run_scoped3A_138 : memref<!tpu.dma_semaphore, #tpu.memory_space<semaphore_mem>>) src(%arg10 : memref<128x128xf32, #tpu.memory_space<vmem>>) dst(%dma_wait3A_150 : memref<128x128xf32, #tpu.memory_space<hbm>>)
      tpu.yield
    }) : () -> ()
    %dma_start3A_84 = arith.constant 2 : i32
    %dma_start3A_85 = arith.constant 0 : i32
    %dma_start3A_86 = tpu.memref_slice %arg12[%dma_start3A_84, %dma_start3A_85] : memref<5x128xi32, #tpu.memory_space<vmem>> -> memref<1x128xi32, #tpu.memory_space<vmem>>
    %dma_start3A_87 = tpu.memref_squeeze %dma_start3A_86 : memref<1x128xi32, #tpu.memory_space<vmem>> -> memref<128xi32, #tpu.memory_space<vmem>>
    %dma_start3A_88 = arith.constant 0 : i32
    %dma_start3A_89 = arith.constant 0 : i32
    %dma_start3A_90 = tpu.memref_slice %arg13[%dma_start3A_88, %dma_start3A_89] : memref<10240x128xf32, #tpu.memory_space<vmem_shared>> -> memref<10240x128xf32, #tpu.memory_space<vmem_shared>>
    tpu.enqueue_indirect_dma source(%dma_start3A_90 : memref<10240x128xf32, #tpu.memory_space<vmem_shared>>) target(%arg10 : memref<128x128xf32, #tpu.memory_space<vmem>>) offsets(%dma_start3A_87 : memref<128xi32, #tpu.memory_space<vmem>>) semaphore(%arg14 : memref<!tpu.dma_semaphore, #tpu.memory_space<semaphore_mem>>)
    %dma_wait3A_91 = arith.constant 2 : i32
    %dma_wait3A_92 = arith.constant 0 : i32
    %dma_wait3A_93 = tpu.memref_slice %arg12[%dma_wait3A_91, %dma_wait3A_92] : memref<5x128xi32, #tpu.memory_space<vmem>> -> memref<1x128xi32, #tpu.memory_space<vmem>>
    %dma_wait3A_94 = tpu.memref_squeeze %dma_wait3A_93 : memref<1x128xi32, #tpu.memory_space<vmem>> -> memref<128xi32, #tpu.memory_space<vmem>>
    %dma_wait3A_95 = arith.constant 0 : i32
    %dma_wait3A_96 = arith.constant 0 : i32
    %dma_wait3A_97 = tpu.memref_slice %arg13[%dma_wait3A_95, %dma_wait3A_96] : memref<10240x128xf32, #tpu.memory_space<vmem_shared>> -> memref<10240x128xf32, #tpu.memory_space<vmem_shared>>
    tpu.wait_indirect_dma semaphore(%arg14 : memref<!tpu.dma_semaphore, #tpu.memory_space<semaphore_mem>>) src(%dma_wait3A_97 : memref<10240x128xf32, #tpu.memory_space<vmem_shared>>) dst(%arg10 : memref<128x128xf32, #tpu.memory_space<vmem>>)
    %mul3A_98 = arith.constant 640 : i32
    %mul3A_99 = arith.muli %arg1, %mul3A_98 : i32
    %add3A_100 = arith.constant 256 : i32
    %add3A_101 = arith.addi %mul3A_99, %add3A_100 : i32
    "tpu.region"() ({
      %run_scoped3A_138 = tpu.sem_alloc : memref<!tpu.dma_semaphore, #tpu.memory_space<semaphore_mem>>
      %dma_start3A_139 = arith.constant 0 : i32
      %dma_start3A_140 = tpu.memref_slice %arg5[%arg0, %add3A_101, %dma_start3A_139] : memref<2x10240x128xf32, #tpu.memory_space<hbm>> -> memref<1x128x128xf32, #tpu.memory_space<hbm>>
      %dma_start3A_141 = tpu.memref_squeeze %dma_start3A_140 : memref<1x128x128xf32, #tpu.memory_space<hbm>> -> memref<128x128xf32, #tpu.memory_space<hbm>>
      %dma_start3A_142 = arith.constant 0 : i32
      %dma_start3A_143 = tpu.memref_slice %arg5[%arg0, %add3A_101, %dma_start3A_142] : memref<2x10240x128xf32, #tpu.memory_space<hbm>> -> memref<1x128x128xf32, #tpu.memory_space<hbm>>
      %dma_start3A_144 = tpu.memref_squeeze %dma_start3A_143 : memref<1x128x128xf32, #tpu.memory_space<hbm>> -> memref<128x128xf32, #tpu.memory_space<hbm>>
      tpu.enqueue_dma source(%arg10 : memref<128x128xf32, #tpu.memory_space<vmem>>) target(%dma_start3A_144 : memref<128x128xf32, #tpu.memory_space<hbm>>) target_semaphore(%run_scoped3A_138 : memref<!tpu.dma_semaphore, #tpu.memory_space<semaphore_mem>>)
      %dma_wait3A_145 = arith.constant 0 : i32
      %dma_wait3A_146 = tpu.memref_slice %arg5[%arg0, %add3A_101, %dma_wait3A_145] : memref<2x10240x128xf32, #tpu.memory_space<hbm>> -> memref<1x128x128xf32, #tpu.memory_space<hbm>>
      %dma_wait3A_147 = tpu.memref_squeeze %dma_wait3A_146 : memref<1x128x128xf32, #tpu.memory_space<hbm>> -> memref<128x128xf32, #tpu.memory_space<hbm>>
      %dma_wait3A_148 = arith.constant 0 : i32
      %dma_wait3A_149 = tpu.memref_slice %arg5[%arg0, %add3A_101, %dma_wait3A_148] : memref<2x10240x128xf32, #tpu.memory_space<hbm>> -> memref<1x128x128xf32, #tpu.memory_space<hbm>>
      %dma_wait3A_150 = tpu.memref_squeeze %dma_wait3A_149 : memref<1x128x128xf32, #tpu.memory_space<hbm>> -> memref<128x128xf32, #tpu.memory_space<hbm>>
      tpu.wait_dma2 semaphore(%run_scoped3A_138 : memref<!tpu.dma_semaphore, #tpu.memory_space<semaphore_mem>>) src(%arg10 : memref<128x128xf32, #tpu.memory_space<vmem>>) dst(%dma_wait3A_150 : memref<128x128xf32, #tpu.memory_space<hbm>>)
      tpu.yield
    }) : () -> ()
    %dma_start3A_102 = arith.constant 3 : i32
    %dma_start3A_103 = arith.constant 0 : i32
    %dma_start3A_104 = tpu.memref_slice %arg12[%dma_start3A_102, %dma_start3A_103] : memref<5x128xi32, #tpu.memory_space<vmem>> -> memref<1x128xi32, #tpu.memory_space<vmem>>
    %dma_start3A_105 = tpu.memref_squeeze %dma_start3A_104 : memref<1x128xi32, #tpu.memory_space<vmem>> -> memref<128xi32, #tpu.memory_space<vmem>>
    %dma_start3A_106 = arith.constant 0 : i32
    %dma_start3A_107 = arith.constant 0 : i32
    %dma_start3A_108 = tpu.memref_slice %arg13[%dma_start3A_106, %dma_start3A_107] : memref<10240x128xf32, #tpu.memory_space<vmem_shared>> -> memref<10240x128xf32, #tpu.memory_space<vmem_shared>>
    tpu.enqueue_indirect_dma source(%dma_start3A_108 : memref<10240x128xf32, #tpu.memory_space<vmem_shared>>) target(%arg10 : memref<128x128xf32, #tpu.memory_space<vmem>>) offsets(%dma_start3A_105 : memref<128xi32, #tpu.memory_space<vmem>>) semaphore(%arg14 : memref<!tpu.dma_semaphore, #tpu.memory_space<semaphore_mem>>)
    %dma_wait3A_109 = arith.constant 3 : i32
    %dma_wait3A_110 = arith.constant 0 : i32
    %dma_wait3A_111 = tpu.memref_slice %arg12[%dma_wait3A_109, %dma_wait3A_110] : memref<5x128xi32, #tpu.memory_space<vmem>> -> memref<1x128xi32, #tpu.memory_space<vmem>>
    %dma_wait3A_112 = tpu.memref_squeeze %dma_wait3A_111 : memref<1x128xi32, #tpu.memory_space<vmem>> -> memref<128xi32, #tpu.memory_space<vmem>>
    %dma_wait3A_113 = arith.constant 0 : i32
    %dma_wait3A_114 = arith.constant 0 : i32
    %dma_wait3A_115 = tpu.memref_slice %arg13[%dma_wait3A_113, %dma_wait3A_114] : memref<10240x128xf32, #tpu.memory_space<vmem_shared>> -> memref<10240x128xf32, #tpu.memory_space<vmem_shared>>
    tpu.wait_indirect_dma semaphore(%arg14 : memref<!tpu.dma_semaphore, #tpu.memory_space<semaphore_mem>>) src(%dma_wait3A_115 : memref<10240x128xf32, #tpu.memory_space<vmem_shared>>) dst(%arg10 : memref<128x128xf32, #tpu.memory_space<vmem>>)
    %mul3A_116 = arith.constant 640 : i32
    %mul3A_117 = arith.muli %arg1, %mul3A_116 : i32
    %add3A_118 = arith.constant 384 : i32
    %add3A_119 = arith.addi %mul3A_117, %add3A_118 : i32
    "tpu.region"() ({
      %run_scoped3A_138 = tpu.sem_alloc : memref<!tpu.dma_semaphore, #tpu.memory_space<semaphore_mem>>
      %dma_start3A_139 = arith.constant 0 : i32
      %dma_start3A_140 = tpu.memref_slice %arg5[%arg0, %add3A_119, %dma_start3A_139] : memref<2x10240x128xf32, #tpu.memory_space<hbm>> -> memref<1x128x128xf32, #tpu.memory_space<hbm>>
      %dma_start3A_141 = tpu.memref_squeeze %dma_start3A_140 : memref<1x128x128xf32, #tpu.memory_space<hbm>> -> memref<128x128xf32, #tpu.memory_space<hbm>>
      %dma_start3A_142 = arith.constant 0 : i32
      %dma_start3A_143 = tpu.memref_slice %arg5[%arg0, %add3A_119, %dma_start3A_142] : memref<2x10240x128xf32, #tpu.memory_space<hbm>> -> memref<1x128x128xf32, #tpu.memory_space<hbm>>
      %dma_start3A_144 = tpu.memref_squeeze %dma_start3A_143 : memref<1x128x128xf32, #tpu.memory_space<hbm>> -> memref<128x128xf32, #tpu.memory_space<hbm>>
      tpu.enqueue_dma source(%arg10 : memref<128x128xf32, #tpu.memory_space<vmem>>) target(%dma_start3A_144 : memref<128x128xf32, #tpu.memory_space<hbm>>) target_semaphore(%run_scoped3A_138 : memref<!tpu.dma_semaphore, #tpu.memory_space<semaphore_mem>>)
      %dma_wait3A_145 = arith.constant 0 : i32
      %dma_wait3A_146 = tpu.memref_slice %arg5[%arg0, %add3A_119, %dma_wait3A_145] : memref<2x10240x128xf32, #tpu.memory_space<hbm>> -> memref<1x128x128xf32, #tpu.memory_space<hbm>>
      %dma_wait3A_147 = tpu.memref_squeeze %dma_wait3A_146 : memref<1x128x128xf32, #tpu.memory_space<hbm>> -> memref<128x128xf32, #tpu.memory_space<hbm>>
      %dma_wait3A_148 = arith.constant 0 : i32
      %dma_wait3A_149 = tpu.memref_slice %arg5[%arg0, %add3A_119, %dma_wait3A_148] : memref<2x10240x128xf32, #tpu.memory_space<hbm>> -> memref<1x128x128xf32, #tpu.memory_space<hbm>>
      %dma_wait3A_150 = tpu.memref_squeeze %dma_wait3A_149 : memref<1x128x128xf32, #tpu.memory_space<hbm>> -> memref<128x128xf32, #tpu.memory_space<hbm>>
      tpu.wait_dma2 semaphore(%run_scoped3A_138 : memref<!tpu.dma_semaphore, #tpu.memory_space<semaphore_mem>>) src(%arg10 : memref<128x128xf32, #tpu.memory_space<vmem>>) dst(%dma_wait3A_150 : memref<128x128xf32, #tpu.memory_space<hbm>>)
      tpu.yield
    }) : () -> ()
    %dma_start3A_120 = arith.constant 4 : i32
    %dma_start3A_121 = arith.constant 0 : i32
    %dma_start3A_122 = tpu.memref_slice %arg12[%dma_start3A_120, %dma_start3A_121] : memref<5x128xi32, #tpu.memory_space<vmem>> -> memref<1x128xi32, #tpu.memory_space<vmem>>
    %dma_start3A_123 = tpu.memref_squeeze %dma_start3A_122 : memref<1x128xi32, #tpu.memory_space<vmem>> -> memref<128xi32, #tpu.memory_space<vmem>>
    %dma_start3A_124 = arith.constant 0 : i32
    %dma_start3A_125 = arith.constant 0 : i32
    %dma_start3A_126 = tpu.memref_slice %arg13[%dma_start3A_124, %dma_start3A_125] : memref<10240x128xf32, #tpu.memory_space<vmem_shared>> -> memref<10240x128xf32, #tpu.memory_space<vmem_shared>>
    tpu.enqueue_indirect_dma source(%dma_start3A_126 : memref<10240x128xf32, #tpu.memory_space<vmem_shared>>) target(%arg10 : memref<128x128xf32, #tpu.memory_space<vmem>>) offsets(%dma_start3A_123 : memref<128xi32, #tpu.memory_space<vmem>>) semaphore(%arg14 : memref<!tpu.dma_semaphore, #tpu.memory_space<semaphore_mem>>)
    %dma_wait3A_127 = arith.constant 4 : i32
    %dma_wait3A_128 = arith.constant 0 : i32
    %dma_wait3A_129 = tpu.memref_slice %arg12[%dma_wait3A_127, %dma_wait3A_128] : memref<5x128xi32, #tpu.memory_space<vmem>> -> memref<1x128xi32, #tpu.memory_space<vmem>>
    %dma_wait3A_130 = tpu.memref_squeeze %dma_wait3A_129 : memref<1x128xi32, #tpu.memory_space<vmem>> -> memref<128xi32, #tpu.memory_space<vmem>>
    %dma_wait3A_131 = arith.constant 0 : i32
    %dma_wait3A_132 = arith.constant 0 : i32
    %dma_wait3A_133 = tpu.memref_slice %arg13[%dma_wait3A_131, %dma_wait3A_132] : memref<10240x128xf32, #tpu.memory_space<vmem_shared>> -> memref<10240x128xf32, #tpu.memory_space<vmem_shared>>
    tpu.wait_indirect_dma semaphore(%arg14 : memref<!tpu.dma_semaphore, #tpu.memory_space<semaphore_mem>>) src(%dma_wait3A_133 : memref<10240x128xf32, #tpu.memory_space<vmem_shared>>) dst(%arg10 : memref<128x128xf32, #tpu.memory_space<vmem>>)
    %mul3A_134 = arith.constant 640 : i32
    %mul3A_135 = arith.muli %arg1, %mul3A_134 : i32
    %add3A_136 = arith.constant 512 : i32
    %add3A_137 = arith.addi %mul3A_135, %add3A_136 : i32
    "tpu.region"() ({
      %run_scoped3A_138 = tpu.sem_alloc : memref<!tpu.dma_semaphore, #tpu.memory_space<semaphore_mem>>
      %dma_start3A_139 = arith.constant 0 : i32
      %dma_start3A_140 = tpu.memref_slice %arg5[%arg0, %add3A_137, %dma_start3A_139] : memref<2x10240x128xf32, #tpu.memory_space<hbm>> -> memref<1x128x128xf32, #tpu.memory_space<hbm>>
      %dma_start3A_141 = tpu.memref_squeeze %dma_start3A_140 : memref<1x128x128xf32, #tpu.memory_space<hbm>> -> memref<128x128xf32, #tpu.memory_space<hbm>>
      %dma_start3A_142 = arith.constant 0 : i32
      %dma_start3A_143 = tpu.memref_slice %arg5[%arg0, %add3A_137, %dma_start3A_142] : memref<2x10240x128xf32, #tpu.memory_space<hbm>> -> memref<1x128x128xf32, #tpu.memory_space<hbm>>
      %dma_start3A_144 = tpu.memref_squeeze %dma_start3A_143 : memref<1x128x128xf32, #tpu.memory_space<hbm>> -> memref<128x128xf32, #tpu.memory_space<hbm>>
      tpu.enqueue_dma source(%arg10 : memref<128x128xf32, #tpu.memory_space<vmem>>) target(%dma_start3A_144 : memref<128x128xf32, #tpu.memory_space<hbm>>) target_semaphore(%run_scoped3A_138 : memref<!tpu.dma_semaphore, #tpu.memory_space<semaphore_mem>>)
      %dma_wait3A_145 = arith.constant 0 : i32
      %dma_wait3A_146 = tpu.memref_slice %arg5[%arg0, %add3A_137, %dma_wait3A_145] : memref<2x10240x128xf32, #tpu.memory_space<hbm>> -> memref<1x128x128xf32, #tpu.memory_space<hbm>>
      %dma_wait3A_147 = tpu.memref_squeeze %dma_wait3A_146 : memref<1x128x128xf32, #tpu.memory_space<hbm>> -> memref<128x128xf32, #tpu.memory_space<hbm>>
      %dma_wait3A_148 = arith.constant 0 : i32
      %dma_wait3A_149 = tpu.memref_slice %arg5[%arg0, %add3A_137, %dma_wait3A_148] : memref<2x10240x128xf32, #tpu.memory_space<hbm>> -> memref<1x128x128xf32, #tpu.memory_space<hbm>>
      %dma_wait3A_150 = tpu.memref_squeeze %dma_wait3A_149 : memref<1x128x128xf32, #tpu.memory_space<hbm>> -> memref<128x128xf32, #tpu.memory_space<hbm>>
      tpu.wait_dma2 semaphore(%run_scoped3A_138 : memref<!tpu.dma_semaphore, #tpu.memory_space<semaphore_mem>>) src(%arg10 : memref<128x128xf32, #tpu.memory_space<vmem>>) dst(%dma_wait3A_150 : memref<128x128xf32, #tpu.memory_space<hbm>>)
      tpu.yield
    }) : () -> ()
    return
  }
}

module attributes {stable_mosaic.version = 14 : i64} {
  func.func @_y1_body(%arg0: i32, %arg1: memref<1280x128xf32, #tpu.memory_space<vmem>>, %arg2: memref<128x128xf32, #tpu.memory_space<vmem>>, %arg3: memref<2x1280x16xf32, #tpu.memory_space<vmem>>, %arg4: memref<1280x128xf32, #tpu.memory_space<vmem>>) attributes {dimension_semantics = [#tpu.dimension_semantics<arbitrary>], iteration_bounds = array<i64: 8>, scalar_prefetch = 0 : i64, scratch_operands = 0 : i64, tpu.core_type = #tpu.core_type<tc>, window_params = [{transform_indices = @transform_0, window_bounds = array<i64: 1280, 128>}, {pipeline_mode = #tpu.pipeline_mode<synchronous>, transform_indices = @transform_1, window_bounds = array<i64: 128, 128>}, {transform_indices = @transform_2, window_bounds = array<i64: 2, 1280, 16>}, {transform_indices = @transform_3, window_bounds = array<i64: 1280, 128>}]} {
    %get3A = arith.constant 0 : index
    %get3A_0 = arith.constant 0 : index
    %get3A_1 = arith.constant 0 : index
    %get3A_2 = vector.load %arg3[%get3A, %get3A_0, %get3A_1] : memref<2x1280x16xf32, #tpu.memory_space<vmem>>, vector<1x1280x16xf32>
    %get3A_3 = vector.shape_cast %get3A_2 : vector<1x1280x16xf32> to vector<1280x16xf32>
    %get3A_4 = arith.constant 1 : index
    %get3A_5 = arith.constant 0 : index
    %get3A_6 = arith.constant 0 : index
    %get3A_7 = vector.load %arg3[%get3A_4, %get3A_5, %get3A_6] : memref<2x1280x16xf32, #tpu.memory_space<vmem>>, vector<1x1280x16xf32>
    %get3A_8 = vector.shape_cast %get3A_7 : vector<1x1280x16xf32> to vector<1280x16xf32>
    %add3A = arith.addf %get3A_3, %get3A_8 : vector<1280x16xf32>
    %reduce_sum3A = arith.constant dense<0.000000e+00> : vector<1280xf32>
    %reduce_sum3A_9 = vector.multi_reduction <add>, %add3A, %reduce_sum3A [1] : vector<1280x16xf32> to vector<1280xf32>
    %add3A_10 = arith.constant 1.000000e+00 : f32
    %add3A_11 = vector.broadcast %add3A_10 : f32 to vector<1280xf32>
    %add3A_12 = arith.addf %reduce_sum3A_9, %add3A_11 : vector<1280xf32>
    %rsqrt3A = math.rsqrt %add3A_12 : vector<1280xf32>
    %get3A_13 = arith.constant 0 : index
    %get3A_14 = arith.constant 0 : index
    %get3A_15 = vector.load %arg1[%get3A_13, %get3A_14] : memref<1280x128xf32, #tpu.memory_space<vmem>>, vector<1280x128xf32>
    %get3A_16 = arith.constant 0 : index
    %get3A_17 = arith.constant 0 : index
    %get3A_18 = vector.load %arg2[%get3A_16, %get3A_17] : memref<128x128xf32, #tpu.memory_space<vmem>>, vector<128x128xf32>
    %dot_general3A = arith.constant dense<0.000000e+00> : vector<1280x128xf32>
    %dot_general3A_19 = tpu.matmul %get3A_15, %get3A_18, %dot_general3A {dimension_numbers = #tpu.dot_dimension_numbers<[1], [0], [0], [1], [0, 0, 1, 1], [], []>, transpose_lhs_hint = false} : vector<1280x128xf32>, vector<128x128xf32>, vector<1280x128xf32> -> vector<1280x128xf32>
    %broadcast_in_dim3A = vector.shape_cast %rsqrt3A : vector<1280xf32> to vector<1280x1xf32>
    %mul3A = vector.broadcast %broadcast_in_dim3A : vector<1280x1xf32> to vector<1280x128xf32>
    %mul3A_20 = arith.mulf %dot_general3A_19, %mul3A : vector<1280x128xf32>
    %swap3A = arith.constant 0 : index
    %swap3A_21 = arith.constant 0 : index
    %swap3A_22 = vector.load %arg4[%swap3A, %swap3A_21] : memref<1280x128xf32, #tpu.memory_space<vmem>>, vector<1280x128xf32>
    tpu.vector_store %arg4[%swap3A, %swap3A_21], %mul3A_20 {strides = array<i32>} : memref<1280x128xf32, #tpu.memory_space<vmem>>, vector<1280x128xf32>,
    return
  }
  func.func @transform_0(%arg0: i32) -> (i32, i32) {
    %c0_i32 = arith.constant 0 : i32
    %c0_i32_0 = arith.constant 0 : i32
    return %arg0, %c0_i32 : i32, i32
  }
  func.func @transform_1(%arg0: i32) -> (i32, i32) {
    %c0_i32 = arith.constant 0 : i32
    %c0_i32_0 = arith.constant 0 : i32
    %c0_i32_1 = arith.constant 0 : i32
    return %c0_i32, %c0_i32_0 : i32, i32
  }
  func.func @transform_2(%arg0: i32) -> (i32, i32, i32) {
    %c0_i32 = arith.constant 0 : i32
    %c0_i32_0 = arith.constant 0 : i32
    %c0_i32_1 = arith.constant 0 : i32
    return %c0_i32, %arg0, %c0_i32_0 : i32, i32, i32
  }
  func.func @transform_3(%arg0: i32) -> (i32, i32) {
    %c0_i32 = arith.constant 0 : i32
    %c0_i32_0 = arith.constant 0 : i32
    return %arg0, %c0_i32 : i32, i32
  }
}

module attributes {stable_mosaic.version = 14 : i64} {
  func.func @_mid_body(%arg0: i32, %arg1: memref<2x1280x128xf32, #tpu.memory_space<vmem>>, %arg2: memref<1280x128xf32, #tpu.memory_space<vmem>>, %arg3: memref<2x1280x16xf32, #tpu.memory_space<vmem>>, %arg4: memref<128x128xf32, #tpu.memory_space<vmem>>, %arg5: memref<1x128xf32, #tpu.memory_space<vmem>>, %arg6: memref<1280x128xf32, #tpu.memory_space<vmem>>) attributes {dimension_semantics = [#tpu.dimension_semantics<arbitrary>], iteration_bounds = array<i64: 8>, scalar_prefetch = 0 : i64, scratch_operands = 0 : i64, tpu.core_type = #tpu.core_type<tc>, window_params = [{transform_indices = @transform_0, window_bounds = array<i64: 2, 1280, 128>}, {transform_indices = @transform_1, window_bounds = array<i64: 1280, 128>}, {transform_indices = @transform_2, window_bounds = array<i64: 2, 1280, 16>}, {pipeline_mode = #tpu.pipeline_mode<synchronous>, transform_indices = @transform_3, window_bounds = array<i64: 128, 128>}, {pipeline_mode = #tpu.pipeline_mode<synchronous>, transform_indices = @transform_4, window_bounds = array<i64: 1, 128>}, {transform_indices = @transform_5, window_bounds = array<i64: 1280, 128>}]} {
    %get3A = arith.constant 0 : index
    %get3A_0 = arith.constant 0 : index
    %get3A_1 = arith.constant 0 : index
    %get3A_2 = vector.load %arg3[%get3A, %get3A_0, %get3A_1] : memref<2x1280x16xf32, #tpu.memory_space<vmem>>, vector<1x1280x16xf32>
    %get3A_3 = vector.shape_cast %get3A_2 : vector<1x1280x16xf32> to vector<1280x16xf32>
    %get3A_4 = arith.constant 1 : index
    %get3A_5 = arith.constant 0 : index
    %get3A_6 = arith.constant 0 : index
    %get3A_7 = vector.load %arg3[%get3A_4, %get3A_5, %get3A_6] : memref<2x1280x16xf32, #tpu.memory_space<vmem>>, vector<1x1280x16xf32>
    %get3A_8 = vector.shape_cast %get3A_7 : vector<1x1280x16xf32> to vector<1280x16xf32>
    %add3A = arith.addf %get3A_3, %get3A_8 : vector<1280x16xf32>
    %reduce_sum3A = arith.constant dense<0.000000e+00> : vector<1280xf32>
    %reduce_sum3A_9 = vector.multi_reduction <add>, %add3A, %reduce_sum3A [1] : vector<1280x16xf32> to vector<1280xf32>
    %add3A_10 = arith.constant 1.000000e+00 : f32
    %add3A_11 = vector.broadcast %add3A_10 : f32 to vector<1280xf32>
    %add3A_12 = arith.addf %reduce_sum3A_9, %add3A_11 : vector<1280xf32>
    %rsqrt3A = math.rsqrt %add3A_12 : vector<1280xf32>
    %get3A_13 = arith.constant 0 : index
    %get3A_14 = arith.constant 0 : index
    %get3A_15 = arith.constant 0 : index
    %get3A_16 = vector.load %arg1[%get3A_13, %get3A_14, %get3A_15] : memref<2x1280x128xf32, #tpu.memory_space<vmem>>, vector<1x1280x128xf32>
    %get3A_17 = vector.shape_cast %get3A_16 : vector<1x1280x128xf32> to vector<1280x128xf32>
    %get3A_18 = arith.constant 1 : index
    %get3A_19 = arith.constant 0 : index
    %get3A_20 = arith.constant 0 : index
    %get3A_21 = vector.load %arg1[%get3A_18, %get3A_19, %get3A_20] : memref<2x1280x128xf32, #tpu.memory_space<vmem>>, vector<1x1280x128xf32>
    %get3A_22 = vector.shape_cast %get3A_21 : vector<1x1280x128xf32> to vector<1280x128xf32>
    %add3A_23 = arith.addf %get3A_17, %get3A_22 : vector<1280x128xf32>
    %get3A_24 = arith.constant 0 : index
    %get3A_25 = arith.constant 0 : index
    %get3A_26 = vector.load %arg2[%get3A_24, %get3A_25] : memref<1280x128xf32, #tpu.memory_space<vmem>>, vector<1280x128xf32>
    %add3A_27 = arith.addf %add3A_23, %get3A_26 : vector<1280x128xf32>
    %broadcast_in_dim3A = vector.shape_cast %rsqrt3A : vector<1280xf32> to vector<1280x1xf32>
    %mul3A = vector.broadcast %broadcast_in_dim3A : vector<1280x1xf32> to vector<1280x128xf32>
    %mul3A_28 = arith.mulf %add3A_27, %mul3A : vector<1280x128xf32>
    %get3A_29 = arith.constant 0 : index
    %get3A_30 = arith.constant 0 : index
    %get3A_31 = vector.load %arg5[%get3A_29, %get3A_30] : memref<1x128xf32, #tpu.memory_space<vmem>>, vector<1x128xf32>
    %add3A_32 = vector.broadcast %get3A_31 : vector<1x128xf32> to vector<1280x128xf32>
    %add3A_33 = arith.addf %mul3A_28, %add3A_32 : vector<1280x128xf32>
    %max3A = arith.constant 0.000000e+00 : f32
    %max3A_34 = vector.broadcast %max3A : f32 to vector<1280x128xf32>
    %max3A_35 = arith.maximumf %add3A_33, %max3A_34 : vector<1280x128xf32>
    %get3A_36 = arith.constant 0 : index
    %get3A_37 = arith.constant 0 : index
    %get3A_38 = vector.load %arg4[%get3A_36, %get3A_37] : memref<128x128xf32, #tpu.memory_space<vmem>>, vector<128x128xf32>
    %dot_general3A = arith.constant dense<0.000000e+00> : vector<1280x128xf32>
    %dot_general3A_39 = tpu.matmul %max3A_35, %get3A_38, %dot_general3A {dimension_numbers = #tpu.dot_dimension_numbers<[1], [0], [0], [1], [0, 0, 1, 1], [], []>, transpose_lhs_hint = false} : vector<1280x128xf32>, vector<128x128xf32>, vector<1280x128xf32> -> vector<1280x128xf32>
    %broadcast_in_dim3A_40 = vector.shape_cast %rsqrt3A : vector<1280xf32> to vector<1280x1xf32>
    %mul3A_41 = vector.broadcast %broadcast_in_dim3A_40 : vector<1280x1xf32> to vector<1280x128xf32>
    %mul3A_42 = arith.mulf %dot_general3A_39, %mul3A_41 : vector<1280x128xf32>
    %swap3A = arith.constant 0 : index
    %swap3A_43 = arith.constant 0 : index
    %swap3A_44 = vector.load %arg6[%swap3A, %swap3A_43] : memref<1280x128xf32, #tpu.memory_space<vmem>>, vector<1280x128xf32>
    tpu.vector_store %arg6[%swap3A, %swap3A_43], %mul3A_42 {strides = array<i32>} : memref<1280x128xf32, #tpu.memory_space<vmem>>, vector<1280x128xf32>,
    return
  }
  func.func @transform_0(%arg0: i32) -> (i32, i32, i32) {
    %c0_i32 = arith.constant 0 : i32
    %c0_i32_0 = arith.constant 0 : i32
    %c0_i32_1 = arith.constant 0 : i32
    return %c0_i32, %arg0, %c0_i32_0 : i32, i32, i32
  }
  func.func @transform_1(%arg0: i32) -> (i32, i32) {
    %c0_i32 = arith.constant 0 : i32
    %c0_i32_0 = arith.constant 0 : i32
    return %arg0, %c0_i32 : i32, i32
  }
  func.func @transform_2(%arg0: i32) -> (i32, i32, i32) {
    %c0_i32 = arith.constant 0 : i32
    %c0_i32_0 = arith.constant 0 : i32
    %c0_i32_1 = arith.constant 0 : i32
    return %c0_i32, %arg0, %c0_i32_0 : i32, i32, i32
  }
  func.func @transform_3(%arg0: i32) -> (i32, i32) {
    %c0_i32 = arith.constant 0 : i32
    %c0_i32_0 = arith.constant 0 : i32
    %c0_i32_1 = arith.constant 0 : i32
    return %c0_i32, %c0_i32_0 : i32, i32
  }
  func.func @transform_4(%arg0: i32) -> (i32, i32) {
    %c0_i32 = arith.constant 0 : i32
    %c0_i32_0 = arith.constant 0 : i32
    %c0_i32_1 = arith.constant 0 : i32
    return %c0_i32, %c0_i32_0 : i32, i32
  }
  func.func @transform_5(%arg0: i32) -> (i32, i32) {
    %c0_i32 = arith.constant 0 : i32
    %c0_i32_0 = arith.constant 0 : i32
    return %arg0, %c0_i32 : i32, i32
  }
}

module attributes {stable_mosaic.version = 14 : i64} {
  func.func @_fin_body(%arg0: i32, %arg1: memref<2x1280x128xf32, #tpu.memory_space<vmem>>, %arg2: memref<1280x128xf32, #tpu.memory_space<vmem>>, %arg3: memref<2x1280x16xf32, #tpu.memory_space<vmem>>, %arg4: memref<1x128xf32, #tpu.memory_space<vmem>>, %arg5: memref<1280x128xf32, #tpu.memory_space<vmem>>) attributes {dimension_semantics = [#tpu.dimension_semantics<arbitrary>], iteration_bounds = array<i64: 8>, scalar_prefetch = 0 : i64, scratch_operands = 0 : i64, tpu.core_type = #tpu.core_type<tc>, window_params = [{transform_indices = @transform_0, window_bounds = array<i64: 2, 1280, 128>}, {transform_indices = @transform_1, window_bounds = array<i64: 1280, 128>}, {transform_indices = @transform_2, window_bounds = array<i64: 2, 1280, 16>}, {pipeline_mode = #tpu.pipeline_mode<synchronous>, transform_indices = @transform_3, window_bounds = array<i64: 1, 128>}, {transform_indices = @transform_4, window_bounds = array<i64: 1280, 128>}]} {
    %get3A = arith.constant 0 : index
    %get3A_0 = arith.constant 0 : index
    %get3A_1 = arith.constant 0 : index
    %get3A_2 = vector.load %arg3[%get3A, %get3A_0, %get3A_1] : memref<2x1280x16xf32, #tpu.memory_space<vmem>>, vector<1x1280x16xf32>
    %get3A_3 = vector.shape_cast %get3A_2 : vector<1x1280x16xf32> to vector<1280x16xf32>
    %get3A_4 = arith.constant 1 : index
    %get3A_5 = arith.constant 0 : index
    %get3A_6 = arith.constant 0 : index
    %get3A_7 = vector.load %arg3[%get3A_4, %get3A_5, %get3A_6] : memref<2x1280x16xf32, #tpu.memory_space<vmem>>, vector<1x1280x16xf32>
    %get3A_8 = vector.shape_cast %get3A_7 : vector<1x1280x16xf32> to vector<1280x16xf32>
    %add3A = arith.addf %get3A_3, %get3A_8 : vector<1280x16xf32>
    %reduce_sum3A = arith.constant dense<0.000000e+00> : vector<1280xf32>
    %reduce_sum3A_9 = vector.multi_reduction <add>, %add3A, %reduce_sum3A [1] : vector<1280x16xf32> to vector<1280xf32>
    %add3A_10 = arith.constant 1.000000e+00 : f32
    %add3A_11 = vector.broadcast %add3A_10 : f32 to vector<1280xf32>
    %add3A_12 = arith.addf %reduce_sum3A_9, %add3A_11 : vector<1280xf32>
    %rsqrt3A = math.rsqrt %add3A_12 : vector<1280xf32>
    %get3A_13 = arith.constant 0 : index
    %get3A_14 = arith.constant 0 : index
    %get3A_15 = arith.constant 0 : index
    %get3A_16 = vector.load %arg1[%get3A_13, %get3A_14, %get3A_15] : memref<2x1280x128xf32, #tpu.memory_space<vmem>>, vector<1x1280x128xf32>
    %get3A_17 = vector.shape_cast %get3A_16 : vector<1x1280x128xf32> to vector<1280x128xf32>
    %get3A_18 = arith.constant 1 : index
    %get3A_19 = arith.constant 0 : index
    %get3A_20 = arith.constant 0 : index
    %get3A_21 = vector.load %arg1[%get3A_18, %get3A_19, %get3A_20] : memref<2x1280x128xf32, #tpu.memory_space<vmem>>, vector<1x1280x128xf32>
    %get3A_22 = vector.shape_cast %get3A_21 : vector<1x1280x128xf32> to vector<1280x128xf32>
    %add3A_23 = arith.addf %get3A_17, %get3A_22 : vector<1280x128xf32>
    %get3A_24 = arith.constant 0 : index
    %get3A_25 = arith.constant 0 : index
    %get3A_26 = vector.load %arg2[%get3A_24, %get3A_25] : memref<1280x128xf32, #tpu.memory_space<vmem>>, vector<1280x128xf32>
    %add3A_27 = arith.addf %add3A_23, %get3A_26 : vector<1280x128xf32>
    %broadcast_in_dim3A = vector.shape_cast %rsqrt3A : vector<1280xf32> to vector<1280x1xf32>
    %mul3A = vector.broadcast %broadcast_in_dim3A : vector<1280x1xf32> to vector<1280x128xf32>
    %mul3A_28 = arith.mulf %add3A_27, %mul3A : vector<1280x128xf32>
    %get3A_29 = arith.constant 0 : index
    %get3A_30 = arith.constant 0 : index
    %get3A_31 = vector.load %arg4[%get3A_29, %get3A_30] : memref<1x128xf32, #tpu.memory_space<vmem>>, vector<1x128xf32>
    %add3A_32 = vector.broadcast %get3A_31 : vector<1x128xf32> to vector<1280x128xf32>
    %add3A_33 = arith.addf %mul3A_28, %add3A_32 : vector<1280x128xf32>
    %swap3A = arith.constant 0 : index
    %swap3A_34 = arith.constant 0 : index
    %swap3A_35 = vector.load %arg5[%swap3A, %swap3A_34] : memref<1280x128xf32, #tpu.memory_space<vmem>>, vector<1280x128xf32>
    tpu.vector_store %arg5[%swap3A, %swap3A_34], %add3A_33 {strides = array<i32>} : memref<1280x128xf32, #tpu.memory_space<vmem>>, vector<1280x128xf32>,
    return
  }
  func.func @transform_0(%arg0: i32) -> (i32, i32, i32) {
    %c0_i32 = arith.constant 0 : i32
    %c0_i32_0 = arith.constant 0 : i32
    %c0_i32_1 = arith.constant 0 : i32
    return %c0_i32, %arg0, %c0_i32_0 : i32, i32, i32
  }
  func.func @transform_1(%arg0: i32) -> (i32, i32) {
    %c0_i32 = arith.constant 0 : i32
    %c0_i32_0 = arith.constant 0 : i32
    return %arg0, %c0_i32 : i32, i32
  }
  func.func @transform_2(%arg0: i32) -> (i32, i32, i32) {
    %c0_i32 = arith.constant 0 : i32
    %c0_i32_0 = arith.constant 0 : i32
    %c0_i32_1 = arith.constant 0 : i32
    return %c0_i32, %arg0, %c0_i32_0 : i32, i32, i32
  }
  func.func @transform_3(%arg0: i32) -> (i32, i32) {
    %c0_i32 = arith.constant 0 : i32
    %c0_i32_0 = arith.constant 0 : i32
    %c0_i32_1 = arith.constant 0 : i32
    return %c0_i32, %c0_i32_0 : i32, i32
  }
  func.func @transform_4(%arg0: i32) -> (i32, i32) {
    %c0_i32 = arith.constant 0 : i32
    %c0_i32_0 = arith.constant 0 : i32
    return %arg0, %c0_i32 : i32, i32
  }
}

</mosaic_0001>

<sc_bundles>
// kernel: kernel.11.cloned.1.call-start
scs
__scs_entry_jumppad:
0x0: {  	(pc) =	sbr.rel $0x88, $3  }
0x1: {  	(tag) =	ssettag $0x0;
	lr =	simm.s32 $0x1  }
0x2: {  	[smem:$0x3F9B] =	sst lr;
	_ =	strace $0xD0000000  }
0x3: {  	_ = 	snop  }
0x4: {  	_ = 	snop  }
0x5: {  	_ = 	snop  }
0x6: {  	_ = 	snop  }
0x7: {  	_ = 	snop  }
__scs_overlays_trampoline_lowered:
0x8: {  	[smem:$0x3FAA] =	sst s0  }
0x9: {  	[smem:$0x3FAB] =	sst s1  }
0xa: {  	[smem:$0x3FAC] =	sst s2  }
0xb: {  	[smem:$0x3FAD] =	sst s3  }
0xc: {  	[smem:$0x3FAE] =	sst s4  }
0xd: {  	[smem:$0x3FAF] =	sst s5  }
0xe: {  	[smem:$0x3FB0] =	sst s6  }
0xf: {  	[smem:$0x3FB1] =	sst s7  }
0x10: {  	[smem:$0x3FB2] =	sst s8  }
0x11: {  	[smem:$0x3FB3] =	sst s9;
	s0 =	simm.s32 @!p0 $0x0  }
0x12: {  	s1 =	sld [smem:$0x3F99];
	s0 =	simm.s32 @p0 $0x1  }
0x13: {  	[smem:$0x3FB4] =	sst s0;
	s0 =	simm.s32 @!p1 $0x0  }
0x14: {  	s2 =	sld [smem:$0x3F98];
	s0 =	simm.s32 @p1 $0x1  }
0x15: {  	[smem:$0x3FB5] =	sst s0;
	s0 =	simm.s32 @!p2 $0x0  }
0x16: {  	s3 =	sld [smem:$0x3FDB];
	s0 =	simm.s32 @p2 $0x1  }
0x17: {  	s4 =	simm.s32 $0x1BF5;
	[smem:$0x3FB7] =	sst s0  }
0x18: {  	s0 =	sld [smem:$0x3F9A];
	_ =	swait.ge [sflag:s4], $0x0  }
0x19: {  	s7 =	sld [smem:$0x3F9B]  }
0x1a: {  	s8 =	sadd.s32 $0xFFFFE003, lr  }
0x1b: {  	s9 =	sadd.s32 $0xFFFFFEF7, lr;
	s5 =	simm.s32 $0xFFFFFFFF;
	p2 =	slt.u32 s8, $0xFFFFF086  }
0x1c: {  	p1 =	slt.u32 s9, $0xF7A;
	s5 =	simm.s32 @!p2 $0x0  }
0x1d: {  	s5 =	simm.s32 @p1 $0x1;
	p0 =	seq.s32 s7, s2  }
0x1e: {  	s7 =	smul.u32 @!p0 $0xF7A, s2;
	p2 =	seq.s32 @!p0 s5, $0x0  }
0x1f: {  	s9 =	smul.u32 $0xF7A, s1;
	s8 =	simm.s32 @!p0 $0x1BF5;
	p2 =	por !p2, p0  }
0x20: {  	[sflag:s8] =	ssyncset.s32 @!p0 $0xFFFFF086;
	s6 =	sadd.s32 @!p0 s3, s7;
	s7 =	simm.s32 @!p0 $0x108  }
0x21: {  	s3 =	sadd.s32 s3, s9;
	s6 =	sadd.s32 @!p0 $0x88, s6;
	s7 =	simm.s32 @p2 $0x1082  }
0x22: {  	[simem:s7], [sflag:s8] =	dma.local @!p0 [hbm:s6], $0xF7A  }
0x23: {  	s9 =	sor.u32 $0xD0000000, s2;
	s6 =	simm.s32 $0x108;
	_ =	swait.ge @!p0 [sflag:s8], $0x0  }
0x24: {  	s3 =	sadd.s32 $0x88, s3;
	s6 =	simm.s32 @!p1 $0x1082;
	[sflag:s4] =	ssyncset.s32 $0xFFFFF086  }
0x25: {  	[simem:s6], [sflag:s4] =	dma.local [hbm:s3], $0xF7A  }
0x26: {  	[smem:$0x3F9B] =	sst s1;
	(tag) =	ssettag s2;
	_ =	strace s9  }
0x27: {  	s1 =	sld [smem:$0x3FAB]  }
0x28: {  	s2 =	sld [smem:$0x3FAC]  }
0x29: {  	s4 =	sld [smem:$0x3FAE]  }
0x2a: {  	p0 =	seq.s32 s5, $0x0;
	s5 =	sld [smem:$0x3FAF]  }
0x2b: {  	s6 =	sld [smem:$0x3FB0]  }
0x2c: {  	s7 =	sld [smem:$0x3FB1]  }
0x2d: {  	s3 =	simm.s32 $0x108;
	s8 =	sld [smem:$0x3FB2]  }
0x2e: {  	s3 =	simm.s32 @!p0 $0x1082;
	s9 =	sld [smem:$0x3FB3]  }
0x2f: {  	lr =	sadd.s32 s0, s3;
	s0 =	sld [smem:$0x3FAA]  }
0x30: {  	s3 =	sld [smem:$0x3FAD]  }
0x31: {  	[smem:$0x3FB6] =	sst s10  }
0x32: {  	s10 =	sld [smem:$0x3FB4];
	_ =	sdelay $0x3  }
0x33: {  	p0 =	seq.s32 s10, $0x1;
	s10 =	sld [smem:$0x3FB6];
	_ =	sdelay $0x3  }
0x34: {  	[smem:$0x3FB6] =	sst s10  }
0x35: {  	s10 =	sld [smem:$0x3FB5];
	_ =	sdelay $0x3  }
0x36: {  	p1 =	seq.s32 s10, $0x1;
	s10 =	sld [smem:$0x3FB6];
	_ =	sdelay $0x3  }
0x37: {  	[smem:$0x3FB6] =	sst s10  }
0x38: {  	s10 =	sld [smem:$0x3FB7]  }
0x39: {  	_ = 	snop;
	(pc) =	sbr.ind lr, $3  }
0x3a: {  	_ = 	snop  }
0x3b: {  	_ = 	snop  }
0x3c: {  	p2 =	seq.s32 s10, $0x1;
	s10 =	sld [smem:$0x3FB6]  }
0x3d: {  	_ =	shalt  }
0x3e: {  	_ =	shalt  }
0x3f: {  	_ =	shalt  }
0x40: {  	_ =	shalt  }
0x41: {  	_ =	shalt  }
0x42: {  	_ =	shalt  }
0x43: {  	_ =	shalt  }
0x44: {  	_ =	shalt  }
0x45: {  	_ =	shalt  }
0x46: {  	_ =	shalt  }
0x47: {  	_ =	shalt  }
0x48: {  	_ =	shalt  }
0x49: {  	_ =	shalt  }
0x4a: {  	_ =	shalt  }
0x4b: {  	_ =	shalt  }
0x4c: {  	_ =	shalt  }
0x4d: {  	_ =	shalt  }
0x4e: {  	_ =	shalt  }
0x4f: {  	_ =	shalt  }
0x50: {  	_ =	shalt  }
0x51: {  	_ =	shalt  }
0x52: {  	_ =	shalt  }
0x53: {  	_ =	shalt  }
0x54: {  	_ =	shalt  }
0x55: {  	_ =	shalt  }
0x56: {  	_ =	shalt  }
0x57: {  	_ =	shalt  }
0x58: {  	_ =	shalt  }
0x59: {  	_ =	shalt  }
0x5a: {  	_ =	shalt  }
0x5b: {  	_ =	shalt  }
0x5c: {  	_ =	shalt  }
0x5d: {  	_ =	shalt  }
0x5e: {  	_ =	shalt  }
0x5f: {  	_ =	shalt  }
0x60: {  	_ =	shalt  }
0x61: {  	_ =	shalt  }
0x62: {  	_ =	shalt  }
0x63: {  	_ =	shalt  }
0x64: {  	_ =	shalt  }
0x65: {  	_ =	shalt  }
0x66: {  	_ =	shalt  }
0x67: {  	_ =	shalt  }
0x68: {  	_ =	shalt  }
0x69: {  	_ =	shalt  }
0x6a: {  	_ =	shalt  }
0x6b: {  	_ =	shalt  }
0x6c: {  	_ =	shalt  }
0x6d: {  	_ =	shalt  }
0x6e: {  	_ =	shalt  }
0x6f: {  	_ =	shalt  }
0x70: {  	_ =	shalt  }
0x71: {  	_ =	shalt  }
0x72: {  	_ =	shalt  }
0x73: {  	_ =	shalt  }
0x74: {  	_ =	shalt  }
0x75: {  	_ =	shalt  }
0x76: {  	_ =	shalt  }
0x77: {  	_ =	shalt  }
0x78: {  	_ =	shalt  }
0x79: {  	_ =	shalt  }
0x7a: {  	_ =	shalt  }
0x7b: {  	_ =	shalt  }
0x7c: {  	_ =	shalt  }
0x7d: {  	_ =	shalt  }
0x7e: {  	_ =	shalt  }
0x7f: {  	_ =	shalt  }
0x80: {  	_ =	shalt  }
0x81: {  	_ =	shalt  }
0x82: {  	_ =	shalt  }
0x83: {  	_ =	shalt  }
0x84: {  	_ =	shalt  }
0x85: {  	_ =	shalt  }
0x86: {  	_ =	shalt  }
0x87: {  	_ =	shalt  }
.Lfunc_end0:
.L_simem_size_0:
called_computation.1_lowered:
.L_overlay_start_0:
0x88: {  	s2 =	sld [smem:$0x3FD9]  }
0x89: {  	s3 =	sld [smem:$0x3FFE];
	_ =	sdelay $0x1  }
0x8a: {  	s1 =	srdreg.scid  }
0x8b: {  	s0 =	sand.u32 $0x1, s1  }
0x8c: {  	s17 =	sshll.u32 s0, $0xA;
	s2 =	sadd.s32 s3, s2  }
0x8d: {  	s2 =	sadd.s32 s2, s17  }
0x8e: {  	[smem:$0x3FC2] =	sst s2  }
0x8f: {  	_ = 	snop  }
0x90: {  	s2 =	sld [smem:$0x3FD0];
	(tm) =	ssettm $0x1  }
0x91: {  	s18 =	sld [smem:$0x3FFB];
	_ =	sdelay $0x3  }
0x92: {  	_ =	strace s18  }
0x93: {  	s3 =	sld [smem:$0x3FFC];
	_ =	sdelay $0x3  }
0x94: {  	_ =	strace s3  }
0x95: {  	s3 =	sld [smem:$0x3FFD];
	_ =	sdelay $0x3  }
0x96: {  	_ =	strace s3  }
0x97: {  	_ =	strace $0x8FFFFFFF  }
0x98: {  	s19 =	sld [smem:$0x3FDB];
	_ =	sdelay $0x1  }
0x99: {  	s4 =	simm.s32 $_scs_section_size  }
0x9a: {  	s5 =	simm.s32 $_size__tile_overlayer_lowered;
	s6 =	simm.s32 $_tile_overlayer_lowered  }
0x9b: {  	s22 =	simm.s32 $0x1BFF;
	s21 =	sshll.u32 s6, $0x1;
	s3 =	sadd.s32 s4, s19  }
0x9c: {  	s7 =	simm.s32 $0x0;
	s20 =	sshll.u32 s5, $0x1;
	s5 =	sadd.s32 s21, s3  }
0x9d: {  	[timem:s7], [sflag:s22] =	dma.local [hbm:s5], s20  }
0x9e: {  	_ =	swait.ge [sflag:s22], s20  }
0x9f: {  	s4 =	ssub.s32 $0x0, s20;
	[sflag:s22] =	ssyncset.done $0x0  }
0xa0: {  	[sflag:s22] =	ssyncadd.s32 s4;
	_ =	sdelay $0x1  }
0xa1: {  	s23 =	simm.s32 $0x1B8B  }
0xa2: {  	_ =	swait.ge [sflag:s23], $0x1  }
0xa3: {  	[sflag:s23] =	ssyncset.done $0x0  }
0xa4: {  	s25 =	simm.s32 $0x1B8E;
	s24 =	sld [smem:$0x3FFE];
	[sflag:s23] =	ssyncadd.s32 $0xFFFFFFFF  }
0xa5: {  	s26 =	simm.s32 $execute0_lowered;
	[smem:$0x3FD2] =	sst s25  }
0xa6: {  	s5 =	sshll.u32 s26, $0x1;
	_ =	strace $0x80000049;
	[dreg:$0x1] =	wrdreg $0xFFFFFFFF  }
0xa7: {  	s28 =	simm.s32 $_size_execute0_lowered;
	s3 =	sadd.s32 s3, s5;
	[dreg:$0x0] =	wrdreg $0x0  }
0xa8: {  	s5 =	sshll.u32 s28, $0x1;
	[dreg:$0x2] =	wrdreg s3  }
0xa9: {  	[dreg:$0x3] =	wrdreg s5  }
0xaa: {  	[dreg:$0x4] =	wrdreg $0xC0  }
0xab: {  	_ =	task [dreg:s7], $0x5FFFF  }
0xac: {  	[dreg:$0x1] =	wrdreg $0xFFFFFFFF  }
0xad: {  	[dreg:$0x0] =	wrdreg $0x60  }
0xae: {  	[dreg:$0x2] =	wrdreg s24  }
0xaf: {  	[dreg:$0x3] =	wrdreg s2  }
0xb0: {  	[dreg:$0x4] =	wrdreg $0x86000  }
0xb1: {  	[dreg:$0x5] =	wrdreg $0x9  }
0xb2: {  	_ =	task.clear_ibuf [dreg:s7], $0x6FFFF;
	_ =	strace $0x90000049  }
0xb3: {  	s29 =	simm.s32 $0x9;
	_ =	strace $0x8000004B  }
0xb4: {  	_ =	swait.ge [sflag:s29], $0x1  }
0xb5: {  	[sflag:s29] =	ssyncadd.s32 $0xFFFFFFFF  }
0xb6: {  	_ =	strace $0x9000004B  }
0xb7: {  	_ =	sfence  }
0xb8: {  	s30 =	sld [smem:$0x0];
	_ =	sdelay $0x2  }
0xb9: {  	s31 =	sshll.u32 s1, $0xD;
	s1 =	sshrl.u32 s1, $0x2  }
0xba: {  	s3 =	sand.u32 $0x4000, s31;
	s1 =	sadd.s32 s1, s30  }
0xbb: {  	s0 =	sor.u32 s3, s0;
	s1 =	sshll.u32 s1, $0x11  }
0xbc: {  	s0 =	sor.u32 s1, s0  }
0xbd: {  	s0 =	sadd.s32 $0x8F2B, s0  }
0xbe: {  	[sflag:s0] =	ssyncadd.remote.s32 $0x1  }
0xbf: {  	_ =	sfence.sel $0xFFFF  }
0xc0: {  	[dreg:$0x0] =	wrdreg $0xFFFFFFFF;
	(pc) =	sbr.abs _section_cstart, $3  }
0xc1: {  	[dreg:$0x1] =	wrdreg $0xFFFFFFFF  }
0xc2: {  	_ =	task.clear_ibuf [dreg:s7], $0x2FFFF;
	_ =	strace $0x9FFFFFFF  }
0xc3: {  	(tm) =	ssettm $0x7FFFFFFF  }
tec
execute0_lowered:
.L_overlay_start_1:
0x0: {  	(tag) =	ssettag $0x1  }
0x1: {  	s0 =	rddreg [dreg:$0x0]  }
0x2: {  	s1 =	rddreg [dreg:$0x1]  }
0x3: {  	s2 =	rddreg [dreg:$0x2];
	s4 =	simm.s32 $0x0  }
0x4: {  	s3 =	srdreg.scid;
	s11 =	stileid.u32;
	s18 =	simm.s32 $0x80  }
0x5: {  	s28 =	simm.s32 $0x180;
	s29 =	simm.s32 $0x1;
	s30 =	simm.s32 $0x4200  }
0x6: {  	s31 =	simm.s32 $0x3;
	[smem:$0x7FF] =	sst s4;
	s8 =	smul.u32 $0x14000, s11  }
0x7: {  	s3 =	sand.u32 $0x1, s3;
	s5 =	sadd.s32 $0x5CA00, s0;
	s22 =	smul.u32 $0x500, s11  }
0x8: {  	s6 =	sadd.s32 $0x2A00, s0;
	s7 =	smul.u32 $0x140000, s3;
	_ =	strace $0x8000004A  }
0x9: {  	s9 =	sshll.u32 s3, $0x4;
	s19 =	ssub.s32 $0x2, s3;
	s3 =	smul.u32 $0x5000, s3  }
0xa: {  	s9 =	sor.u32 s11, s9;
	s10 =	sshrl.u32 s19, $0x1;
	s7 =	sadd.s32 s8, s7  }
0xb: {  	s9 =	smul.u32 $0x500, s9;
	s8 =	ssub.s32 s19, s10;
	s3 =	sadd.s32 s22, s3  }
0xc: {  	s19 =	simm.s32 $0x8200;
	s22 =	simm.s32 $0x8280;
	s7 =	sshrl.u32 s7, $0x3  }
0xd: {  	s17 =	smax.u32 s8, $0x1;
	[dreg:$0x4] =	wrdreg s3;
	s3 =	simm.s32 $0x5  }
0xe: {  	s8 =	simm.s32 $0x4;
	s0 =	sadd.s32 s7, s0;
	s20 =	sadd.s32 s1, s9  }
0xf: {  	s21 =	sor.u32 $0x10, s9;
	s9 =	sadd.s32 s6, s9;
	[dreg:$0x5] =	wrdreg s20  }
0x10: {  	s7 =	smul.u32 $0x280, s11;
	s12 =	sadd.s32 s1, s21;
	[dreg:$0x7] =	wrdreg s9  }
0x11: {  	s10 =	sadd.s32 s6, s21;
	s23 =	sadd.s32 $0x84A00, s0;
	[dreg:$0x6] =	wrdreg s12  }
0x12: {  	s24 =	sadd.s32 $0x85200, s0;
	s25 =	sadd.s32 $0x85A00, s0;
	[dreg:$0x8] =	wrdreg s10  }
0x13: {  	s26 =	sadd.s32 $0x86200, s0;
	s16 =	sadd.s32 $0x86A00, s0;
	[dreg:$0x9] =	wrdreg s23  }
0x14: {  	s20 =	simm.s32 $0x200;
	s21 =	simm.s32 $0x7;
	[dreg:$0xa] =	wrdreg s24  }
0x15: {  	s0 =	simm.s32 $0x2;
	s9 =	simm.s32 $0x6;
	[dreg:$0xb] =	wrdreg s25  }
0x16: {  	[dreg:$0xc] =	wrdreg s26;
	s23 =	simm.s32 $0x8300;
	s24 =	simm.s32 $0x8380  }
0x17: {  	v0 =	vimm.f32 $0.0e+00;
	v1 =	vlaneseq.u32;
	s25 =	simm.s32 $0x8400;
	s26 =	simm.s32 $0x100;
	s10 =	simm.s32 $0x0  }
.LBB2_1:
0x18: {  	s11 =	simm.s32 $0x0;
	s12 =	simm.s32 $0x0  }
.LBB2_2:
0x19: {  	p0 =	sne.s32 s12, $0xFFC0  }
.Ltmp0:
0x1a: {  	_ = 	snop;
	(pc) =	sbr.rel @p0 .LBB2_2-.Ltmp0, $4  }
0x1b: {  	s13 =	sand.u32 $0xFE00, s12  }
0x1c: {  	s14 =	sand.u32 $0x70, s11;
	s13 =	sshrl.u32 s13, $0x2  }
0x1d: {  	s13 =	sor.u32 s14, s13  }
0x1e: {  	s11 =	sadd.s32 $0x10, s11;
	s12 =	sadd.s32 $0x40, s12;
	[tilespmem:s13+$0x200] =	vst v0  }
0x1f: {  	s11 =	simm.s32 $0x0  }
0x20: {  	s12 =	sand.u32 $0x380, s11  }
0x21: {  	s14 =	sand.u32 $0x70, s11;
	s13 =	sadd.s32 s7, s12  }
0x22: {  	s13 =	sor.u32 s14, s13  }
0x23: {  	s11 =	simm.s32 $0x10;
	s12 =	sor.u32 s14, s12;
	v2 =	vor.u32 s13, v1  }
.LBB2_4:
0x24: {  	p0 =	sne.s32 s11, $0x270;
	[tilespmem:s12+$0x8200] =	vst v2;
	s12 =	smov.u32 s11;
	s11 =	sadd.s32 $0x10, s11  }
.Ltmp1:
0x25: {  	(pc) =	sbr.rel @p0 .LBB2_4-.Ltmp1, $4  }
0x26: {  	s13 =	sand.u32 $0x380, s12  }
0x27: {  	s12 =	sand.u32 $0x70, s12;
	s14 =	sadd.s32 s7, s13  }
0x28: {  	s14 =	sor.u32 s12, s14  }
0x29: {  	s12 =	sor.u32 s12, s13;
	v2 =	vor.u32 s14, v1  }
0x2a: {  	[tilespmem:s12+$0x8200] =	vst v2  }
0x2b: {  	[spmem:s2] =	stream.indirect.scatter [tilespmem:s20], [sflag:$0x7], $0x80, s19, s18, $0xb8;
	[tilespmem:$0x1C600] =	vst v63  }
0x2c: {  	_ =	swait.ge [sflag:s21], $0x4000  }
0x2d: {  	[sflag:s21] =	ssyncset.done $0x0  }
0x2e: {  	[sflag:s21] =	ssyncadd.s32 $0xFFFFC000  }
0x2f: {  	[spmem:s2] =	stream.indirect.scatter [tilespmem:s20], [sflag:$0x7], $0x80, s22, s18, $0xb8;
	[tilespmem:$0x1C600] =	vst v63  }
0x30: {  	_ =	swait.ge [sflag:s21], $0x4000  }
0x31: {  	[sflag:s21] =	ssyncset.done $0x0  }
0x32: {  	[sflag:s21] =	ssyncadd.s32 $0xFFFFC000  }
0x33: {  	[spmem:s2] =	stream.indirect.scatter [tilespmem:s20], [sflag:$0x7], $0x80, s23, s18, $0xb8;
	[tilespmem:$0x1C600] =	vst v63  }
0x34: {  	_ =	swait.ge [sflag:s21], $0x4000  }
0x35: {  	[sflag:s21] =	ssyncset.done $0x0  }
0x36: {  	[sflag:s21] =	ssyncadd.s32 $0xFFFFC000  }
0x37: {  	[spmem:s2] =	stream.indirect.scatter [tilespmem:s20], [sflag:$0x7], $0x80, s24, s18, $0xb8;
	[tilespmem:$0x1C600] =	vst v63  }
0x38: {  	_ =	swait.ge [sflag:s21], $0x4000  }
0x39: {  	[sflag:s21] =	ssyncset.done $0x0  }
0x3a: {  	[sflag:s21] =	ssyncadd.s32 $0xFFFFC000  }
0x3b: {  	[spmem:s2] =	stream.indirect.scatter [tilespmem:s20], [sflag:$0x7], $0x80, s25, s18, $0xb8;
	[tilespmem:$0x1C600] =	vst v63  }
0x3c: {  	_ =	swait.ge [sflag:s21], $0x4000  }
0x3d: {  	[sflag:s21] =	ssyncset.done $0x0  }
0x3e: {  	[sflag:s21] =	ssyncadd.s32 $0xFFFFC000  }
0x3f: {  	[bflag:$0x0] =	sbarrier.arrive $0xFFFF  }
0x40: {  	s11 =	rddreg [dreg:$0x5]  }
0x41: {  	[tilespmem:s4], [sflag:$0x7] =	stream.linear.gather [hbm4b:s11+s4], $0x80, $0x38;
	[tilespmem:$0x1C600] =	vst v63  }
0x42: {  	_ =	swait.ge [sflag:s21], $0x80  }
0x43: {  	[sflag:s21] =	ssyncset.done $0x0  }
0x44: {  	s14 =	rddreg [dreg:$0x6];
	[sflag:s21] =	ssyncadd.s32 $0xFFFFFF80  }
0x45: {  	[tilespmem:s18], [sflag:$0x7] =	stream.linear.gather [hbm4b:s14+s4], $0x80, $0x38;
	[tilespmem:$0x1C600] =	vst v63  }
0x46: {  	_ =	swait.ge [sflag:s21], $0x80  }
0x47: {  	[sflag:s21] =	ssyncset.done $0x0  }
0x48: {  	s15 =	rddreg [dreg:$0x7];
	[sflag:s21] =	ssyncadd.s32 $0xFFFFFF80  }
0x49: {  	[tilespmem:s26], [sflag:$0x3] =	stream.linear.gather [hbm4b:s15+s4], $0x80, $0x38;
	[tilespmem:$0x1C600] =	vst v63  }
0x4a: {  	s12 =	rddreg [dreg:$0x8]  }
0x4b: {  	[tilespmem:s28], [sflag:$0x4] =	stream.linear.gather [hbm4b:s12+s4], $0x80, $0x38;
	[tilespmem:$0x1C600] =	vst v63  }
0x4c: {  	_ = 	snop  }
0x4d: {  	[tilespmem:s20], [sflag:$0x1] =	stream.indirect.gather [hbm4b:s5+s18], $0x80, s4, s18, $0xb8;
	[tilespmem:$0x1C600] =	vst v63  }
0x4e: {  	_ =	swait.ge [sflag:s29], $0x4000  }
0x4f: {  	[sflag:s29] =	ssyncset.done $0x0  }
0x50: {  	[sflag:s29] =	ssyncadd.s32 $0xFFFFC000  }
0x51: {  	[tilespmem:s30], [sflag:$0x2] =	stream.indirect.gather [hbm4b:s5+s18], $0x80, s18, s18, $0xb8;
	[tilespmem:$0x1C600] =	vst v63  }
0x52: {  	_ =	swait.ge [sflag:s31], $0x80  }
0x53: {  	[sflag:s31] =	ssyncset.done $0x0  }
0x54: {  	[sflag:s31] =	ssyncadd.s32 $0xFFFFFF80  }
0x55: {  	[spmem:s2] =	stream.indirect.scatter.add.f32 [tilespmem:s20], [sflag:$0x7], $0x80, s26, s18, $0xb8;
	[tilespmem:$0x1C600] =	vst v63  }
0x56: {  	_ =	swait.ge [sflag:s21], $0x4000  }
0x57: {  	s13 =	rddreg [dreg:$0x4]  }
0x58: {  	s11 =	sadd.s32 $0x30, s13  }
0x59: {  	s13 =	simm.s32 $0x20;
	s14 =	sadd.s32 $0xFFFFFFF0, s11  }
0x5a: {  	s13 =	sand.u32 $0x60, s13;
	s12 =	sand.u32 $0xFFFFF80, s14  }
0x5b: {  	[sflag:s21] =	ssyncset.done $0x0;
	s12 =	sor.u32 s13, s12  }
0x5c: {  	[sflag:s21] =	ssyncadd.s32 $0xFFFFC000;
	s13 =	sadd.s32 s1, s12  }
0x5d: {  	[tilespmem:s4], [sflag:$0x5] =	stream.linear.gather [hbm4b:s13+s4], $0x80, $0x38;
	[tilespmem:$0x1C600] =	vst v63  }
0x5e: {  	s12 =	sadd.s32 s6, s12  }
0x5f: {  	[tilespmem:s26], [sflag:$0x3] =	stream.linear.gather [hbm4b:s12+s4], $0x80, $0x38;
	[tilespmem:$0x1C600] =	vst v63  }
0x60: {  	_ =	swait.ge [sflag:s0], $0x4000  }
0x61: {  	[sflag:s0] =	ssyncset.done $0x0  }
0x62: {  	[sflag:s0] =	ssyncadd.s32 $0xFFFFC000  }
0x63: {  	_ =	swait.ge [sflag:s3], $0x80  }
0x64: {  	[sflag:s3] =	ssyncset.done $0x0  }
0x65: {  	[sflag:s3] =	ssyncadd.s32 $0xFFFFFF80  }
0x66: {  	[tilespmem:s20], [sflag:$0x1] =	stream.indirect.gather [hbm4b:s5+s18], $0x80, s4, s18, $0xb8;
	[tilespmem:$0x1C600] =	vst v63  }
0x67: {  	_ =	swait.ge [sflag:s8], $0x80  }
0x68: {  	[sflag:s8] =	ssyncset.done $0x0  }
0x69: {  	s15 =	simm.s32 $0x30;
	[sflag:s8] =	ssyncadd.s32 $0xFFFFFF80  }
0x6a: {  	[spmem:s2] =	stream.indirect.scatter.add.f32 [tilespmem:s30], [sflag:$0x7], $0x80, s28, s18, $0xb8;
	[tilespmem:$0x1C600] =	vst v63  }
0x6b: {  	s11 =	sand.u32 $0xFFFFF80, s11;
	s12 =	sand.u32 $0x70, s15;
	_ =	swait.ge [sflag:s21], $0x4000  }
0x6c: {  	s11 =	sor.u32 s12, s11;
	[sflag:s21] =	ssyncset.done $0x0  }
0x6d: {  	s12 =	sadd.s32 s1, s11;
	[sflag:s21] =	ssyncadd.s32 $0xFFFFC000  }
0x6e: {  	[tilespmem:s18], [sflag:$0x6] =	stream.linear.gather [hbm4b:s12+s4], $0x80, $0x38;
	[tilespmem:$0x1C600] =	vst v63  }
0x6f: {  	s11 =	sadd.s32 s6, s11  }
0x70: {  	[tilespmem:s28], [sflag:$0x4] =	stream.linear.gather [hbm4b:s11+s4], $0x80, $0x38;
	[tilespmem:$0x1C600] =	vst v63  }
0x71: {  	_ =	swait.ge [sflag:s9], $0x80  }
0x72: {  	s11 =	simm.s32 $0x50;
	[sflag:s9] =	ssyncset.done $0x0  }
.LBB2_6:
0x73: {  	[sflag:s9] =	ssyncadd.s32 $0xFFFFFF80  }
0x74: {  	_ =	swait.ge [sflag:s29], $0x4000  }
0x75: {  	[sflag:s29] =	ssyncset.done $0x0  }
0x76: {  	[sflag:s29] =	ssyncadd.s32 $0xFFFFC000  }
0x77: {  	[tilespmem:s30], [sflag:$0x2] =	stream.indirect.gather [hbm4b:s5+s18], $0x80, s18, s18, $0xb8;
	[tilespmem:$0x1C600] =	vst v63  }
0x78: {  	_ =	swait.ge [sflag:s31], $0x80  }
0x79: {  	[sflag:s31] =	ssyncset.done $0x0  }
0x7a: {  	[sflag:s31] =	ssyncadd.s32 $0xFFFFFF80  }
0x7b: {  	[spmem:s2] =	stream.indirect.scatter.add.f32 [tilespmem:s20], [sflag:$0x7], $0x80, s26, s18, $0xb8;
	[tilespmem:$0x1C600] =	vst v63  }
0x7c: {  	_ =	swait.ge [sflag:s21], $0x4000  }
0x7d: {  	s12 =	smov.u32 s11;
	s13 =	rddreg [dreg:$0x4]  }
0x7e: {  	s13 =	sadd.s32 s12, s13  }
0x7f: {  	s14 =	sand.u32 $0x70, s12;
	s12 =	sadd.s32 $0xFFFFFFF0, s12;
	s15 =	sadd.s32 $0xFFFFFFF0, s13  }
0x80: {  	s12 =	sand.u32 $0x60, s12;
	s15 =	sand.u32 $0xFFFFF80, s15  }
0x81: {  	[sflag:s21] =	ssyncset.done $0x0;
	s12 =	sor.u32 s12, s15  }
0x82: {  	[sflag:s21] =	ssyncadd.s32 $0xFFFFC000;
	s15 =	sadd.s32 s1, s12  }
0x83: {  	[tilespmem:s4], [sflag:$0x5] =	stream.linear.gather [hbm4b:s15+s4], $0x80, $0x38;
	[tilespmem:$0x1C600] =	vst v63  }
0x84: {  	s12 =	sadd.s32 s6, s12  }
0x85: {  	[tilespmem:s26], [sflag:$0x3] =	stream.linear.gather [hbm4b:s12+s4], $0x80, $0x38;
	[tilespmem:$0x1C600] =	vst v63  }
0x86: {  	_ =	swait.ge [sflag:s0], $0x4000  }
0x87: {  	[sflag:s0] =	ssyncset.done $0x0  }
0x88: {  	[sflag:s0] =	ssyncadd.s32 $0xFFFFC000  }
0x89: {  	_ =	swait.ge [sflag:s3], $0x80  }
0x8a: {  	[sflag:s3] =	ssyncset.done $0x0  }
0x8b: {  	[sflag:s3] =	ssyncadd.s32 $0xFFFFFF80  }
0x8c: {  	[tilespmem:s20], [sflag:$0x1] =	stream.indirect.gather [hbm4b:s5+s18], $0x80, s4, s18, $0xb8;
	[tilespmem:$0x1C600] =	vst v63  }
0x8d: {  	_ =	swait.ge [sflag:s8], $0x80  }
0x8e: {  	[sflag:s8] =	ssyncset.done $0x0  }
0x8f: {  	[sflag:s8] =	ssyncadd.s32 $0xFFFFFF80  }
0x90: {  	[spmem:s2] =	stream.indirect.scatter.add.f32 [tilespmem:s30], [sflag:$0x7], $0x80, s28, s18, $0xb8;
	[tilespmem:$0x1C600] =	vst v63  }
0x91: {  	s13 =	sand.u32 $0xFFFFF80, s13;
	_ =	swait.ge [sflag:s21], $0x4000  }
0x92: {  	s13 =	sor.u32 s14, s13;
	[sflag:s21] =	ssyncset.done $0x0  }
0x93: {  	p0 =	sne.s32 s11, $0x4F0;
	s14 =	sadd.s32 s1, s13;
	[sflag:s21] =	ssyncadd.s32 $0xFFFFC000  }
0x94: {  	[tilespmem:s18], [sflag:$0x6] =	stream.linear.gather [hbm4b:s14+s4], $0x80, $0x38;
	[tilespmem:$0x1C600] =	vst v63  }
.Ltmp2:
0x95: {  	_ = 	snop;
	(pc) =	sbr.rel @p0 .LBB2_6-.Ltmp2, $4  }
0x96: {  	s15 =	sadd.s32 s6, s13  }
0x97: {  	[tilespmem:s28], [sflag:$0x4] =	stream.linear.gather [hbm4b:s15+s4], $0x80, $0x38;
	[tilespmem:$0x1C600] =	vst v63  }
0x98: {  	_ =	swait.ge [sflag:s9], $0x80  }
0x99: {  	s11 =	sadd.s32 $0x20, s11;
	[sflag:s9] =	ssyncset.done $0x0  }
0x9a: {  	[sflag:s9] =	ssyncadd.s32 $0xFFFFFF80  }
0x9b: {  	_ =	swait.ge [sflag:s29], $0x4000  }
0x9c: {  	[sflag:s29] =	ssyncset.done $0x0  }
0x9d: {  	[sflag:s29] =	ssyncadd.s32 $0xFFFFC000  }
0x9e: {  	[tilespmem:s30], [sflag:$0x2] =	stream.indirect.gather [hbm4b:s5+s18], $0x80, s18, s18, $0xb8;
	[tilespmem:$0x1C600] =	vst v63  }
0x9f: {  	_ =	swait.ge [sflag:s31], $0x80  }
0xa0: {  	[sflag:s31] =	ssyncset.done $0x0  }
0xa1: {  	[sflag:s31] =	ssyncadd.s32 $0xFFFFFF80  }
0xa2: {  	[spmem:s2] =	stream.indirect.scatter.add.f32 [tilespmem:s20], [sflag:$0x7], $0x80, s26, s18, $0xb8;
	[tilespmem:$0x1C600] =	vst v63  }
0xa3: {  	_ =	swait.ge [sflag:s21], $0x4000  }
0xa4: {  	[sflag:s21] =	ssyncset.done $0x0  }
0xa5: {  	[sflag:s21] =	ssyncadd.s32 $0xFFFFC000  }
0xa6: {  	_ =	swait.ge [sflag:s0], $0x4000  }
0xa7: {  	[sflag:s0] =	ssyncset.done $0x0  }
0xa8: {  	[sflag:s0] =	ssyncadd.s32 $0xFFFFC000  }
0xa9: {  	_ =	swait.ge [sflag:s8], $0x80  }
0xaa: {  	[sflag:s8] =	ssyncset.done $0x0  }
0xab: {  	[sflag:s8] =	ssyncadd.s32 $0xFFFFFF80  }
0xac: {  	[spmem:s2] =	stream.indirect.scatter.add.f32 [tilespmem:s30], [sflag:$0x7], $0x80, s28, s18, $0xb8;
	[tilespmem:$0x1C600] =	vst v63  }
0xad: {  	_ =	swait.ge [sflag:s21], $0x4000  }
0xae: {  	[sflag:s21] =	ssyncset.done $0x0  }
0xaf: {  	[sflag:s21] =	ssyncadd.s32 $0xFFFFC000  }
0xb0: {  	[bflag:$0x0] =	sbarrier.arrive $0xFFFF  }
0xb1: {  	[tilespmem:s20], [sflag:$0x1] =	stream.indirect.gather [spmem:s2], $0x80, s19, s18, $0xb8;
	[tilespmem:$0x1C600] =	vst v63  }
0xb2: {  	_ =	swait.ge [sflag:s29], $0x4000  }
0xb3: {  	[sflag:s29] =	ssyncset.done $0x0  }
0xb4: {  	s11 =	rddreg [dreg:$0x9];
	[sflag:s29] =	ssyncadd.s32 $0xFFFFC000  }
0xb5: {  	[hbm4b:s11+s4] =	stream.linear.scatter [tilespmem:s20], [sflag:$0x7], $0x4000, $0x38;
	[tilespmem:$0x1C600] =	vst v63  }
0xb6: {  	_ =	swait.ge [sflag:s21], $0x4000  }
0xb7: {  	[sflag:s21] =	ssyncset.done $0x0  }
0xb8: {  	[sflag:s21] =	ssyncadd.s32 $0xFFFFC000  }
0xb9: {  	[tilespmem:s20], [sflag:$0x1] =	stream.indirect.gather [spmem:s2], $0x80, s22, s18, $0xb8;
	[tilespmem:$0x1C600] =	vst v63  }
0xba: {  	_ =	swait.ge [sflag:s29], $0x4000  }
0xbb: {  	[sflag:s29] =	ssyncset.done $0x0  }
0xbc: {  	s13 =	rddreg [dreg:$0xa];
	[sflag:s29] =	ssyncadd.s32 $0xFFFFC000  }
0xbd: {  	[hbm4b:s13+s4] =	stream.linear.scatter [tilespmem:s20], [sflag:$0x7], $0x4000, $0x38;
	[tilespmem:$0x1C600] =	vst v63  }
0xbe: {  	_ =	swait.ge [sflag:s21], $0x4000  }
0xbf: {  	[sflag:s21] =	ssyncset.done $0x0  }
0xc0: {  	[sflag:s21] =	ssyncadd.s32 $0xFFFFC000  }
0xc1: {  	[tilespmem:s20], [sflag:$0x1] =	stream.indirect.gather [spmem:s2], $0x80, s23, s18, $0xb8;
	[tilespmem:$0x1C600] =	vst v63  }
0xc2: {  	_ =	swait.ge [sflag:s29], $0x4000  }
0xc3: {  	[sflag:s29] =	ssyncset.done $0x0  }
0xc4: {  	s14 =	rddreg [dreg:$0xb];
	[sflag:s29] =	ssyncadd.s32 $0xFFFFC000  }
0xc5: {  	[hbm4b:s14+s4] =	stream.linear.scatter [tilespmem:s20], [sflag:$0x7], $0x4000, $0x38;
	[tilespmem:$0x1C600] =	vst v63  }
0xc6: {  	_ =	swait.ge [sflag:s21], $0x4000  }
0xc7: {  	[sflag:s21] =	ssyncset.done $0x0  }
0xc8: {  	[sflag:s21] =	ssyncadd.s32 $0xFFFFC000  }
0xc9: {  	[tilespmem:s20], [sflag:$0x1] =	stream.indirect.gather [spmem:s2], $0x80, s24, s18, $0xb8;
	[tilespmem:$0x1C600] =	vst v63  }
0xca: {  	_ =	swait.ge [sflag:s29], $0x4000  }
0xcb: {  	[sflag:s29] =	ssyncset.done $0x0  }
0xcc: {  	s15 =	rddreg [dreg:$0xc];
	[sflag:s29] =	ssyncadd.s32 $0xFFFFC000  }
0xcd: {  	[hbm4b:s15+s4] =	stream.linear.scatter [tilespmem:s20], [sflag:$0x7], $0x4000, $0x38;
	[tilespmem:$0x1C600] =	vst v63  }
0xce: {  	_ =	swait.ge [sflag:s21], $0x4000  }
0xcf: {  	[sflag:s21] =	ssyncset.done $0x0  }
0xd0: {  	[sflag:s21] =	ssyncadd.s32 $0xFFFFC000  }
0xd1: {  	[tilespmem:s20], [sflag:$0x1] =	stream.indirect.gather [spmem:s2], $0x80, s25, s18, $0xb8;
	[tilespmem:$0x1C600] =	vst v63  }
0xd2: {  	s10 =	sadd.s32 $0x1, s10;
	_ =	swait.ge [sflag:s29], $0x4000  }
0xd3: {  	p0 =	sne.s32 s10, s17;
	[sflag:s29] =	ssyncset.done $0x0  }
.Ltmp3:
0xd4: {  	[sflag:s29] =	ssyncadd.s32 $0xFFFFC000;
	(pc) =	sbr.rel @p0 .LBB2_1-.Ltmp3, $4  }
0xd5: {  	[hbm4b:s16+s4] =	stream.linear.scatter [tilespmem:s20], [sflag:$0x7], $0x4000, $0x38;
	[tilespmem:$0x1C600] =	vst v63  }
0xd6: {  	_ =	swait.ge [sflag:s21], $0x4000  }
0xd7: {  	[sflag:s21] =	ssyncset.done $0x0  }
0xd8: {  	[sflag:s21] =	ssyncadd.s32 $0xFFFFC000  }
0xd9: {  	_ =	sfence.sel $0x180000  }
0xda: {  	[bflag:$0x0] =	sbarrier.arrive $0xFFFF  }
0xdb: {  	_ =	strace $0x9000004A  }
0xdc: {  	s0 =	stileid.u32;
	[bflag:$0x2] =	sbarrier.arrive $0xFFFF  }
0xdd: {  	p0 =	sne.s32 s0, $0x0;
	s0 =	rddreg [dreg:$0x3]  }
0xde: {  	s0 =	sadd.s32 @!p0 $0x100000, s0  }
0xdf: {  	[sflag:s0] =	ssyncadd.tile.s32 @!p0 $0x1;
	_ =	shalt  }
.Lfunc_end2:
_tile_overlayer_lowered:
.L_overlay_start_2:
0xe0: {  	(tag) =	ssettag $0x2  }
0xe1: {  	s0 =	rddreg [dreg:$0x0];
	s2 =	stileid.u32  }
0xe2: {  	s1 =	rddreg [dreg:$0x1];
	p0 =	sne.s32 s2, $0x0  }
0xe3: {  	s3 =	rddreg [dreg:$0x2];
	[bflag:$0x3] =	sbarrier.arrive $0xFFFF;
	s2 =	simm.s32 @!p0 $0x1C07  }
0xe4: {  	[timem:s3], [sflag:s2] =	dma.local @!p0 [hbm:s0], s1  }
0xe5: {  	s0 =	simm.s32 @!p0 $0x7  }
0xe6: {  	_ =	swait.ge @!p0 [sflag:s0], s1  }
0xe7: {  	s1 =	ssub.s32 @!p0 $0x0, s1;
	[sflag:s0] =	ssyncset.done @!p0 $0x0  }
0xe8: {  	[sflag:s0] =	ssyncadd.s32 @!p0 s1  }
0xe9: {  	[bflag:$0x3] =	sbarrier.arrive $0xFFFF  }
0xea: {  	_ =	shalt  }

// kernel: kernel.14.cloned.1.call-start
scs
__scs_entry_jumppad:
0x0: {  	(pc) =	sbr.rel $0x88, $3  }
0x1: {  	(tag) =	ssettag $0x0;
	lr =	simm.s32 $0x1  }
0x2: {  	[smem:$0x3F9B] =	sst lr;
	_ =	strace $0xD0000000  }
0x3: {  	_ = 	snop  }
0x4: {  	_ = 	snop  }
0x5: {  	_ = 	snop  }
0x6: {  	_ = 	snop  }
0x7: {  	_ = 	snop  }
__scs_overlays_trampoline_lowered:
0x8: {  	[smem:$0x3FAA] =	sst s0  }
0x9: {  	[smem:$0x3FAB] =	sst s1  }
0xa: {  	[smem:$0x3FAC] =	sst s2  }
0xb: {  	[smem:$0x3FAD] =	sst s3  }
0xc: {  	[smem:$0x3FAE] =	sst s4  }
0xd: {  	[smem:$0x3FAF] =	sst s5  }
0xe: {  	[smem:$0x3FB0] =	sst s6  }
0xf: {  	[smem:$0x3FB1] =	sst s7  }
0x10: {  	[smem:$0x3FB2] =	sst s8  }
0x11: {  	[smem:$0x3FB3] =	sst s9;
	s0 =	simm.s32 @!p0 $0x0  }
0x12: {  	s1 =	sld [smem:$0x3F99];
	s0 =	simm.s32 @p0 $0x1  }
0x13: {  	[smem:$0x3FB4] =	sst s0;
	s0 =	simm.s32 @!p1 $0x0  }
0x14: {  	s2 =	sld [smem:$0x3F98];
	s0 =	simm.s32 @p1 $0x1  }
0x15: {  	[smem:$0x3FB5] =	sst s0;
	s0 =	simm.s32 @!p2 $0x0  }
0x16: {  	s3 =	sld [smem:$0x3FDB];
	s0 =	simm.s32 @p2 $0x1  }
0x17: {  	s4 =	simm.s32 $0x1BF5;
	[smem:$0x3FB7] =	sst s0  }
0x18: {  	s0 =	sld [smem:$0x3F9A];
	_ =	swait.ge [sflag:s4], $0x0  }
0x19: {  	s7 =	sld [smem:$0x3F9B]  }
0x1a: {  	s8 =	sadd.s32 $0xFFFFE003, lr  }
0x1b: {  	s9 =	sadd.s32 $0xFFFFFEF7, lr;
	s5 =	simm.s32 $0xFFFFFFFF;
	p2 =	slt.u32 s8, $0xFFFFF086  }
0x1c: {  	p1 =	slt.u32 s9, $0xF7A;
	s5 =	simm.s32 @!p2 $0x0  }
0x1d: {  	s5 =	simm.s32 @p1 $0x1;
	p0 =	seq.s32 s7, s2  }
0x1e: {  	s7 =	smul.u32 @!p0 $0xF7A, s2;
	p2 =	seq.s32 @!p0 s5, $0x0  }
0x1f: {  	s9 =	smul.u32 $0xF7A, s1;
	s8 =	simm.s32 @!p0 $0x1BF5;
	p2 =	por !p2, p0  }
0x20: {  	[sflag:s8] =	ssyncset.s32 @!p0 $0xFFFFF086;
	s6 =	sadd.s32 @!p0 s3, s7;
	s7 =	simm.s32 @!p0 $0x108  }
0x21: {  	s3 =	sadd.s32 s3, s9;
	s6 =	sadd.s32 @!p0 $0x88, s6;
	s7 =	simm.s32 @p2 $0x1082  }
0x22: {  	[simem:s7], [sflag:s8] =	dma.local @!p0 [hbm:s6], $0xF7A  }
0x23: {  	s9 =	sor.u32 $0xD0000000, s2;
	s6 =	simm.s32 $0x108;
	_ =	swait.ge @!p0 [sflag:s8], $0x0  }
0x24: {  	s3 =	sadd.s32 $0x88, s3;
	s6 =	simm.s32 @!p1 $0x1082;
	[sflag:s4] =	ssyncset.s32 $0xFFFFF086  }
0x25: {  	[simem:s6], [sflag:s4] =	dma.local [hbm:s3], $0xF7A  }
0x26: {  	[smem:$0x3F9B] =	sst s1;
	(tag) =	ssettag s2;
	_ =	strace s9  }
0x27: {  	s1 =	sld [smem:$0x3FAB]  }
0x28: {  	s2 =	sld [smem:$0x3FAC]  }
0x29: {  	s4 =	sld [smem:$0x3FAE]  }
0x2a: {  	p0 =	seq.s32 s5, $0x0;
	s5 =	sld [smem:$0x3FAF]  }
0x2b: {  	s6 =	sld [smem:$0x3FB0]  }
0x2c: {  	s7 =	sld [smem:$0x3FB1]  }
0x2d: {  	s3 =	simm.s32 $0x108;
	s8 =	sld [smem:$0x3FB2]  }
0x2e: {  	s3 =	simm.s32 @!p0 $0x1082;
	s9 =	sld [smem:$0x3FB3]  }
0x2f: {  	lr =	sadd.s32 s0, s3;
	s0 =	sld [smem:$0x3FAA]  }
0x30: {  	s3 =	sld [smem:$0x3FAD]  }
0x31: {  	[smem:$0x3FB6] =	sst s10  }
0x32: {  	s10 =	sld [smem:$0x3FB4];
	_ =	sdelay $0x3  }
0x33: {  	p0 =	seq.s32 s10, $0x1;
	s10 =	sld [smem:$0x3FB6];
	_ =	sdelay $0x3  }
0x34: {  	[smem:$0x3FB6] =	sst s10  }
0x35: {  	s10 =	sld [smem:$0x3FB5];
	_ =	sdelay $0x3  }
0x36: {  	p1 =	seq.s32 s10, $0x1;
	s10 =	sld [smem:$0x3FB6];
	_ =	sdelay $0x3  }
0x37: {  	[smem:$0x3FB6] =	sst s10  }
0x38: {  	s10 =	sld [smem:$0x3FB7]  }
0x39: {  	_ = 	snop;
	(pc) =	sbr.ind lr, $3  }
0x3a: {  	_ = 	snop  }
0x3b: {  	_ = 	snop  }
0x3c: {  	p2 =	seq.s32 s10, $0x1;
	s10 =	sld [smem:$0x3FB6]  }
0x3d: {  	_ =	shalt  }
0x3e: {  	_ =	shalt  }
0x3f: {  	_ =	shalt  }
0x40: {  	_ =	shalt  }
0x41: {  	_ =	shalt  }
0x42: {  	_ =	shalt  }
0x43: {  	_ =	shalt  }
0x44: {  	_ =	shalt  }
0x45: {  	_ =	shalt  }
0x46: {  	_ =	shalt  }
0x47: {  	_ =	shalt  }
0x48: {  	_ =	shalt  }
0x49: {  	_ =	shalt  }
0x4a: {  	_ =	shalt  }
0x4b: {  	_ =	shalt  }
0x4c: {  	_ =	shalt  }
0x4d: {  	_ =	shalt  }
0x4e: {  	_ =	shalt  }
0x4f: {  	_ =	shalt  }
0x50: {  	_ =	shalt  }
0x51: {  	_ =	shalt  }
0x52: {  	_ =	shalt  }
0x53: {  	_ =	shalt  }
0x54: {  	_ =	shalt  }
0x55: {  	_ =	shalt  }
0x56: {  	_ =	shalt  }
0x57: {  	_ =	shalt  }
0x58: {  	_ =	shalt  }
0x59: {  	_ =	shalt  }
0x5a: {  	_ =	shalt  }
0x5b: {  	_ =	shalt  }
0x5c: {  	_ =	shalt  }
0x5d: {  	_ =	shalt  }
0x5e: {  	_ =	shalt  }
0x5f: {  	_ =	shalt  }
0x60: {  	_ =	shalt  }
0x61: {  	_ =	shalt  }
0x62: {  	_ =	shalt  }
0x63: {  	_ =	shalt  }
0x64: {  	_ =	shalt  }
0x65: {  	_ =	shalt  }
0x66: {  	_ =	shalt  }
0x67: {  	_ =	shalt  }
0x68: {  	_ =	shalt  }
0x69: {  	_ =	shalt  }
0x6a: {  	_ =	shalt  }
0x6b: {  	_ =	shalt  }
0x6c: {  	_ =	shalt  }
0x6d: {  	_ =	shalt  }
0x6e: {  	_ =	shalt  }
0x6f: {  	_ =	shalt  }
0x70: {  	_ =	shalt  }
0x71: {  	_ =	shalt  }
0x72: {  	_ =	shalt  }
0x73: {  	_ =	shalt  }
0x74: {  	_ =	shalt  }
0x75: {  	_ =	shalt  }
0x76: {  	_ =	shalt  }
0x77: {  	_ =	shalt  }
0x78: {  	_ =	shalt  }
0x79: {  	_ =	shalt  }
0x7a: {  	_ =	shalt  }
0x7b: {  	_ =	shalt  }
0x7c: {  	_ =	shalt  }
0x7d: {  	_ =	shalt  }
0x7e: {  	_ =	shalt  }
0x7f: {  	_ =	shalt  }
0x80: {  	_ =	shalt  }
0x81: {  	_ =	shalt  }
0x82: {  	_ =	shalt  }
0x83: {  	_ =	shalt  }
0x84: {  	_ =	shalt  }
0x85: {  	_ =	shalt  }
0x86: {  	_ =	shalt  }
0x87: {  	_ =	shalt  }
.Lfunc_end0:
.L_simem_size_0:
called_computation.2_lowered:
.L_overlay_start_0:
0x88: {  	s2 =	sld [smem:$0x3FD9]  }
0x89: {  	s3 =	sld [smem:$0x3FFE];
	_ =	sdelay $0x1  }
0x8a: {  	s1 =	srdreg.scid  }
0x8b: {  	s0 =	sand.u32 $0x1, s1  }
0x8c: {  	s17 =	sshll.u32 s0, $0xA;
	s2 =	sadd.s32 s3, s2  }
0x8d: {  	s2 =	sadd.s32 s2, s17  }
0x8e: {  	[smem:$0x3FC2] =	sst s2  }
0x8f: {  	_ = 	snop  }
0x90: {  	s2 =	sld [smem:$0x3FD0];
	(tm) =	ssettm $0x1  }
0x91: {  	s18 =	sld [smem:$0x3FFB];
	_ =	sdelay $0x3  }
0x92: {  	_ =	strace s18  }
0x93: {  	s3 =	sld [smem:$0x3FFC];
	_ =	sdelay $0x3  }
0x94: {  	_ =	strace s3  }
0x95: {  	s3 =	sld [smem:$0x3FFD];
	_ =	sdelay $0x3  }
0x96: {  	_ =	strace s3  }
0x97: {  	_ =	strace $0x8FFFFFFF  }
0x98: {  	s19 =	sld [smem:$0x3FDB];
	_ =	sdelay $0x1  }
0x99: {  	s4 =	simm.s32 $_scs_section_size  }
0x9a: {  	s5 =	simm.s32 $_size__tile_overlayer_lowered;
	s6 =	simm.s32 $_tile_overlayer_lowered  }
0x9b: {  	s22 =	simm.s32 $0x1BFF;
	s21 =	sshll.u32 s6, $0x1;
	s3 =	sadd.s32 s4, s19  }
0x9c: {  	s7 =	simm.s32 $0x0;
	s20 =	sshll.u32 s5, $0x1;
	s5 =	sadd.s32 s21, s3  }
0x9d: {  	[timem:s7], [sflag:s22] =	dma.local [hbm:s5], s20  }
0x9e: {  	_ =	swait.ge [sflag:s22], s20  }
0x9f: {  	s4 =	ssub.s32 $0x0, s20;
	[sflag:s22] =	ssyncset.done $0x0  }
0xa0: {  	[sflag:s22] =	ssyncadd.s32 s4;
	_ =	sdelay $0x1  }
0xa1: {  	s23 =	simm.s32 $0x1B8B  }
0xa2: {  	_ =	swait.ge [sflag:s23], $0x1  }
0xa3: {  	[sflag:s23] =	ssyncset.done $0x0  }
0xa4: {  	s25 =	simm.s32 $0x1B8E;
	s24 =	sld [smem:$0x3FFE];
	[sflag:s23] =	ssyncadd.s32 $0xFFFFFFFF  }
0xa5: {  	s26 =	simm.s32 $execute0_lowered;
	[smem:$0x3FD2] =	sst s25  }
0xa6: {  	s5 =	sshll.u32 s26, $0x1;
	_ =	strace $0x8000004C;
	[dreg:$0x1] =	wrdreg $0xFFFFFFFF  }
0xa7: {  	s28 =	simm.s32 $_size_execute0_lowered;
	s3 =	sadd.s32 s3, s5;
	[dreg:$0x0] =	wrdreg $0x0  }
0xa8: {  	s5 =	sshll.u32 s28, $0x1;
	[dreg:$0x2] =	wrdreg s3  }
0xa9: {  	[dreg:$0x3] =	wrdreg s5  }
0xaa: {  	[dreg:$0x4] =	wrdreg $0xC0  }
0xab: {  	_ =	task [dreg:s7], $0x5FFFF  }
0xac: {  	[dreg:$0x1] =	wrdreg $0xFFFFFFFF  }
0xad: {  	[dreg:$0x0] =	wrdreg $0x60  }
0xae: {  	[dreg:$0x2] =	wrdreg s24  }
0xaf: {  	[dreg:$0x3] =	wrdreg s2  }
0xb0: {  	[dreg:$0x4] =	wrdreg $0x86000  }
0xb1: {  	[dreg:$0x5] =	wrdreg $0x9  }
0xb2: {  	_ =	task.clear_ibuf [dreg:s7], $0x6FFFF;
	_ =	strace $0x9000004C  }
0xb3: {  	s29 =	simm.s32 $0x9;
	_ =	strace $0x8000004E  }
0xb4: {  	_ =	swait.ge [sflag:s29], $0x1  }
0xb5: {  	[sflag:s29] =	ssyncadd.s32 $0xFFFFFFFF  }
0xb6: {  	_ =	strace $0x9000004E  }
0xb7: {  	_ =	sfence  }
0xb8: {  	s30 =	sld [smem:$0x0];
	_ =	sdelay $0x2  }
0xb9: {  	s31 =	sshll.u32 s1, $0xD;
	s1 =	sshrl.u32 s1, $0x2  }
0xba: {  	s3 =	sand.u32 $0x4000, s31;
	s1 =	sadd.s32 s1, s30  }
0xbb: {  	s0 =	sor.u32 s3, s0;
	s1 =	sshll.u32 s1, $0x11  }
0xbc: {  	s0 =	sor.u32 s1, s0  }
0xbd: {  	s0 =	sadd.s32 $0x8F2B, s0  }
0xbe: {  	[sflag:s0] =	ssyncadd.remote.s32 $0x1  }
0xbf: {  	_ =	sfence.sel $0xFFFF  }
0xc0: {  	[dreg:$0x0] =	wrdreg $0xFFFFFFFF;
	(pc) =	sbr.abs _section_cstart, $3  }
0xc1: {  	[dreg:$0x1] =	wrdreg $0xFFFFFFFF  }
0xc2: {  	_ =	task.clear_ibuf [dreg:s7], $0x2FFFF;
	_ =	strace $0x9FFFFFFF  }
0xc3: {  	(tm) =	ssettm $0x7FFFFFFF  }
tec
execute0_lowered:
.L_overlay_start_1:
0x0: {  	(tag) =	ssettag $0x1  }
0x1: {  	s0 =	rddreg [dreg:$0x0]  }
0x2: {  	s1 =	rddreg [dreg:$0x1]  }
0x3: {  	s2 =	rddreg [dreg:$0x2];
	s4 =	simm.s32 $0x0  }
0x4: {  	s3 =	srdreg.scid;
	s11 =	stileid.u32;
	s18 =	simm.s32 $0x80  }
0x5: {  	s28 =	simm.s32 $0x180;
	s29 =	simm.s32 $0x1;
	s30 =	simm.s32 $0x4200  }
0x6: {  	s31 =	simm.s32 $0x3;
	[smem:$0x7FF] =	sst s4;
	s8 =	smul.u32 $0x14000, s11  }
0x7: {  	s3 =	sand.u32 $0x1, s3;
	s5 =	sadd.s32 $0x5CA00, s0;
	s22 =	smul.u32 $0x500, s11  }
0x8: {  	s6 =	sadd.s32 $0x2A00, s0;
	s7 =	smul.u32 $0x140000, s3;
	_ =	strace $0x8000004D  }
0x9: {  	s9 =	sshll.u32 s3, $0x4;
	s19 =	ssub.s32 $0x2, s3;
	s3 =	smul.u32 $0x5000, s3  }
0xa: {  	s9 =	sor.u32 s11, s9;
	s10 =	sshrl.u32 s19, $0x1;
	s7 =	sadd.s32 s8, s7  }
0xb: {  	s9 =	smul.u32 $0x500, s9;
	s8 =	ssub.s32 s19, s10;
	s3 =	sadd.s32 s22, s3  }
0xc: {  	s19 =	simm.s32 $0x8200;
	s22 =	simm.s32 $0x8280;
	s7 =	sshrl.u32 s7, $0x3  }
0xd: {  	s17 =	smax.u32 s8, $0x1;
	[dreg:$0x4] =	wrdreg s3;
	s3 =	simm.s32 $0x5  }
0xe: {  	s8 =	simm.s32 $0x4;
	s0 =	sadd.s32 s7, s0;
	s20 =	sadd.s32 s1, s9  }
0xf: {  	s21 =	sor.u32 $0x10, s9;
	s9 =	sadd.s32 s6, s9;
	[dreg:$0x5] =	wrdreg s20  }
0x10: {  	s7 =	smul.u32 $0x280, s11;
	s12 =	sadd.s32 s1, s21;
	[dreg:$0x7] =	wrdreg s9  }
0x11: {  	s10 =	sadd.s32 s6, s21;
	s23 =	sadd.s32 $0x84A00, s0;
	[dreg:$0x6] =	wrdreg s12  }
0x12: {  	s24 =	sadd.s32 $0x85200, s0;
	s25 =	sadd.s32 $0x85A00, s0;
	[dreg:$0x8] =	wrdreg s10  }
0x13: {  	s26 =	sadd.s32 $0x86200, s0;
	s16 =	sadd.s32 $0x86A00, s0;
	[dreg:$0x9] =	wrdreg s23  }
0x14: {  	s20 =	simm.s32 $0x200;
	s21 =	simm.s32 $0x7;
	[dreg:$0xa] =	wrdreg s24  }
0x15: {  	s0 =	simm.s32 $0x2;
	s9 =	simm.s32 $0x6;
	[dreg:$0xb] =	wrdreg s25  }
0x16: {  	[dreg:$0xc] =	wrdreg s26;
	s23 =	simm.s32 $0x8300;
	s24 =	simm.s32 $0x8380  }
0x17: {  	v0 =	vimm.f32 $0.0e+00;
	v1 =	vlaneseq.u32;
	s25 =	simm.s32 $0x8400;
	s26 =	simm.s32 $0x100;
	s10 =	simm.s32 $0x0  }
.LBB2_1:
0x18: {  	s11 =	simm.s32 $0x0;
	s12 =	simm.s32 $0x0  }
.LBB2_2:
0x19: {  	p0 =	sne.s32 s12, $0xFFC0  }
.Ltmp0:
0x1a: {  	_ = 	snop;
	(pc) =	sbr.rel @p0 .LBB2_2-.Ltmp0, $4  }
0x1b: {  	s13 =	sand.u32 $0xFE00, s12  }
0x1c: {  	s14 =	sand.u32 $0x70, s11;
	s13 =	sshrl.u32 s13, $0x2  }
0x1d: {  	s13 =	sor.u32 s14, s13  }
0x1e: {  	s11 =	sadd.s32 $0x10, s11;
	s12 =	sadd.s32 $0x40, s12;
	[tilespmem:s13+$0x200] =	vst v0  }
0x1f: {  	s11 =	simm.s32 $0x0  }
0x20: {  	s12 =	sand.u32 $0x380, s11  }
0x21: {  	s14 =	sand.u32 $0x70, s11;
	s13 =	sadd.s32 s7, s12  }
0x22: {  	s13 =	sor.u32 s14, s13  }
0x23: {  	s11 =	simm.s32 $0x10;
	s12 =	sor.u32 s14, s12;
	v2 =	vor.u32 s13, v1  }
.LBB2_4:
0x24: {  	p0 =	sne.s32 s11, $0x270;
	[tilespmem:s12+$0x8200] =	vst v2;
	s12 =	smov.u32 s11;
	s11 =	sadd.s32 $0x10, s11  }
.Ltmp1:
0x25: {  	(pc) =	sbr.rel @p0 .LBB2_4-.Ltmp1, $4  }
0x26: {  	s13 =	sand.u32 $0x380, s12  }
0x27: {  	s12 =	sand.u32 $0x70, s12;
	s14 =	sadd.s32 s7, s13  }
0x28: {  	s14 =	sor.u32 s12, s14  }
0x29: {  	s12 =	sor.u32 s12, s13;
	v2 =	vor.u32 s14, v1  }
0x2a: {  	[tilespmem:s12+$0x8200] =	vst v2  }
0x2b: {  	[spmem:s2] =	stream.indirect.scatter [tilespmem:s20], [sflag:$0x7], $0x80, s19, s18, $0xb8;
	[tilespmem:$0x1C600] =	vst v63  }
0x2c: {  	_ =	swait.ge [sflag:s21], $0x4000  }
0x2d: {  	[sflag:s21] =	ssyncset.done $0x0  }
0x2e: {  	[sflag:s21] =	ssyncadd.s32 $0xFFFFC000  }
0x2f: {  	[spmem:s2] =	stream.indirect.scatter [tilespmem:s20], [sflag:$0x7], $0x80, s22, s18, $0xb8;
	[tilespmem:$0x1C600] =	vst v63  }
0x30: {  	_ =	swait.ge [sflag:s21], $0x4000  }
0x31: {  	[sflag:s21] =	ssyncset.done $0x0  }
0x32: {  	[sflag:s21] =	ssyncadd.s32 $0xFFFFC000  }
0x33: {  	[spmem:s2] =	stream.indirect.scatter [tilespmem:s20], [sflag:$0x7], $0x80, s23, s18, $0xb8;
	[tilespmem:$0x1C600] =	vst v63  }
0x34: {  	_ =	swait.ge [sflag:s21], $0x4000  }
0x35: {  	[sflag:s21] =	ssyncset.done $0x0  }
0x36: {  	[sflag:s21] =	ssyncadd.s32 $0xFFFFC000  }
0x37: {  	[spmem:s2] =	stream.indirect.scatter [tilespmem:s20], [sflag:$0x7], $0x80, s24, s18, $0xb8;
	[tilespmem:$0x1C600] =	vst v63  }
0x38: {  	_ =	swait.ge [sflag:s21], $0x4000  }
0x39: {  	[sflag:s21] =	ssyncset.done $0x0  }
0x3a: {  	[sflag:s21] =	ssyncadd.s32 $0xFFFFC000  }
0x3b: {  	[spmem:s2] =	stream.indirect.scatter [tilespmem:s20], [sflag:$0x7], $0x80, s25, s18, $0xb8;
	[tilespmem:$0x1C600] =	vst v63  }
0x3c: {  	_ =	swait.ge [sflag:s21], $0x4000  }
0x3d: {  	[sflag:s21] =	ssyncset.done $0x0  }
0x3e: {  	[sflag:s21] =	ssyncadd.s32 $0xFFFFC000  }
0x3f: {  	[bflag:$0x0] =	sbarrier.arrive $0xFFFF  }
0x40: {  	s11 =	rddreg [dreg:$0x5]  }
0x41: {  	[tilespmem:s4], [sflag:$0x7] =	stream.linear.gather [hbm4b:s11+s4], $0x80, $0x38;
	[tilespmem:$0x1C600] =	vst v63  }
0x42: {  	_ =	swait.ge [sflag:s21], $0x80  }
0x43: {  	[sflag:s21] =	ssyncset.done $0x0  }
0x44: {  	s14 =	rddreg [dreg:$0x6];
	[sflag:s21] =	ssyncadd.s32 $0xFFFFFF80  }
0x45: {  	[tilespmem:s18], [sflag:$0x7] =	stream.linear.gather [hbm4b:s14+s4], $0x80, $0x38;
	[tilespmem:$0x1C600] =	vst v63  }
0x46: {  	_ =	swait.ge [sflag:s21], $0x80  }
0x47: {  	[sflag:s21] =	ssyncset.done $0x0  }
0x48: {  	s15 =	rddreg [dreg:$0x7];
	[sflag:s21] =	ssyncadd.s32 $0xFFFFFF80  }
0x49: {  	[tilespmem:s26], [sflag:$0x3] =	stream.linear.gather [hbm4b:s15+s4], $0x80, $0x38;
	[tilespmem:$0x1C600] =	vst v63  }
0x4a: {  	s12 =	rddreg [dreg:$0x8]  }
0x4b: {  	[tilespmem:s28], [sflag:$0x4] =	stream.linear.gather [hbm4b:s12+s4], $0x80, $0x38;
	[tilespmem:$0x1C600] =	vst v63  }
0x4c: {  	_ = 	snop  }
0x4d: {  	[tilespmem:s20], [sflag:$0x1] =	stream.indirect.gather [hbm4b:s5+s18], $0x80, s4, s18, $0xb8;
	[tilespmem:$0x1C600] =	vst v63  }
0x4e: {  	_ =	swait.ge [sflag:s29], $0x4000  }
0x4f: {  	[sflag:s29] =	ssyncset.done $0x0  }
0x50: {  	[sflag:s29] =	ssyncadd.s32 $0xFFFFC000  }
0x51: {  	[tilespmem:s30], [sflag:$0x2] =	stream.indirect.gather [hbm4b:s5+s18], $0x80, s18, s18, $0xb8;
	[tilespmem:$0x1C600] =	vst v63  }
0x52: {  	_ =	swait.ge [sflag:s31], $0x80  }
0x53: {  	[sflag:s31] =	ssyncset.done $0x0  }
0x54: {  	[sflag:s31] =	ssyncadd.s32 $0xFFFFFF80  }
0x55: {  	[spmem:s2] =	stream.indirect.scatter.add.f32 [tilespmem:s20], [sflag:$0x7], $0x80, s26, s18, $0xb8;
	[tilespmem:$0x1C600] =	vst v63  }
0x56: {  	_ =	swait.ge [sflag:s21], $0x4000  }
0x57: {  	s13 =	rddreg [dreg:$0x4]  }
0x58: {  	s11 =	sadd.s32 $0x30, s13  }
0x59: {  	s13 =	simm.s32 $0x20;
	s14 =	sadd.s32 $0xFFFFFFF0, s11  }
0x5a: {  	s13 =	sand.u32 $0x60, s13;
	s12 =	sand.u32 $0xFFFFF80, s14  }
0x5b: {  	[sflag:s21] =	ssyncset.done $0x0;
	s12 =	sor.u32 s13, s12  }
0x5c: {  	[sflag:s21] =	ssyncadd.s32 $0xFFFFC000;
	s13 =	sadd.s32 s1, s12  }
0x5d: {  	[tilespmem:s4], [sflag:$0x5] =	stream.linear.gather [hbm4b:s13+s4], $0x80, $0x38;
	[tilespmem:$0x1C600] =	vst v63  }
0x5e: {  	s12 =	sadd.s32 s6, s12  }
0x5f: {  	[tilespmem:s26], [sflag:$0x3] =	stream.linear.gather [hbm4b:s12+s4], $0x80, $0x38;
	[tilespmem:$0x1C600] =	vst v63  }
0x60: {  	_ =	swait.ge [sflag:s0], $0x4000  }
0x61: {  	[sflag:s0] =	ssyncset.done $0x0  }
0x62: {  	[sflag:s0] =	ssyncadd.s32 $0xFFFFC000  }
0x63: {  	_ =	swait.ge [sflag:s3], $0x80  }
0x64: {  	[sflag:s3] =	ssyncset.done $0x0  }
0x65: {  	[sflag:s3] =	ssyncadd.s32 $0xFFFFFF80  }
0x66: {  	[tilespmem:s20], [sflag:$0x1] =	stream.indirect.gather [hbm4b:s5+s18], $0x80, s4, s18, $0xb8;
	[tilespmem:$0x1C600] =	vst v63  }
0x67: {  	_ =	swait.ge [sflag:s8], $0x80  }
0x68: {  	[sflag:s8] =	ssyncset.done $0x0  }
0x69: {  	s15 =	simm.s32 $0x30;
	[sflag:s8] =	ssyncadd.s32 $0xFFFFFF80  }
0x6a: {  	[spmem:s2] =	stream.indirect.scatter.add.f32 [tilespmem:s30], [sflag:$0x7], $0x80, s28, s18, $0xb8;
	[tilespmem:$0x1C600] =	vst v63  }
0x6b: {  	s11 =	sand.u32 $0xFFFFF80, s11;
	s12 =	sand.u32 $0x70, s15;
	_ =	swait.ge [sflag:s21], $0x4000  }
0x6c: {  	s11 =	sor.u32 s12, s11;
	[sflag:s21] =	ssyncset.done $0x0  }
0x6d: {  	s12 =	sadd.s32 s1, s11;
	[sflag:s21] =	ssyncadd.s32 $0xFFFFC000  }
0x6e: {  	[tilespmem:s18], [sflag:$0x6] =	stream.linear.gather [hbm4b:s12+s4], $0x80, $0x38;
	[tilespmem:$0x1C600] =	vst v63  }
0x6f: {  	s11 =	sadd.s32 s6, s11  }
0x70: {  	[tilespmem:s28], [sflag:$0x4] =	stream.linear.gather [hbm4b:s11+s4], $0x80, $0x38;
	[tilespmem:$0x1C600] =	vst v63  }
0x71: {  	_ =	swait.ge [sflag:s9], $0x80  }
0x72: {  	s11 =	simm.s32 $0x50;
	[sflag:s9] =	ssyncset.done $0x0  }
.LBB2_6:
0x73: {  	[sflag:s9] =	ssyncadd.s32 $0xFFFFFF80  }
0x74: {  	_ =	swait.ge [sflag:s29], $0x4000  }
0x75: {  	[sflag:s29] =	ssyncset.done $0x0  }
0x76: {  	[sflag:s29] =	ssyncadd.s32 $0xFFFFC000  }
0x77: {  	[tilespmem:s30], [sflag:$0x2] =	stream.indirect.gather [hbm4b:s5+s18], $0x80, s18, s18, $0xb8;
	[tilespmem:$0x1C600] =	vst v63  }
0x78: {  	_ =	swait.ge [sflag:s31], $0x80  }
0x79: {  	[sflag:s31] =	ssyncset.done $0x0  }
0x7a: {  	[sflag:s31] =	ssyncadd.s32 $0xFFFFFF80  }
0x7b: {  	[spmem:s2] =	stream.indirect.scatter.add.f32 [tilespmem:s20], [sflag:$0x7], $0x80, s26, s18, $0xb8;
	[tilespmem:$0x1C600] =	vst v63  }
0x7c: {  	_ =	swait.ge [sflag:s21], $0x4000  }
0x7d: {  	s12 =	smov.u32 s11;
	s13 =	rddreg [dreg:$0x4]  }
0x7e: {  	s13 =	sadd.s32 s12, s13  }
0x7f: {  	s14 =	sand.u32 $0x70, s12;
	s12 =	sadd.s32 $0xFFFFFFF0, s12;
	s15 =	sadd.s32 $0xFFFFFFF0, s13  }
0x80: {  	s12 =	sand.u32 $0x60, s12;
	s15 =	sand.u32 $0xFFFFF80, s15  }
0x81: {  	[sflag:s21] =	ssyncset.done $0x0;
	s12 =	sor.u32 s12, s15  }
0x82: {  	[sflag:s21] =	ssyncadd.s32 $0xFFFFC000;
	s15 =	sadd.s32 s1, s12  }
0x83: {  	[tilespmem:s4], [sflag:$0x5] =	stream.linear.gather [hbm4b:s15+s4], $0x80, $0x38;
	[tilespmem:$0x1C600] =	vst v63  }
0x84: {  	s12 =	sadd.s32 s6, s12  }
0x85: {  	[tilespmem:s26], [sflag:$0x3] =	stream.linear.gather [hbm4b:s12+s4], $0x80, $0x38;
	[tilespmem:$0x1C600] =	vst v63  }
0x86: {  	_ =	swait.ge [sflag:s0], $0x4000  }
0x87: {  	[sflag:s0] =	ssyncset.done $0x0  }
0x88: {  	[sflag:s0] =	ssyncadd.s32 $0xFFFFC000  }
0x89: {  	_ =	swait.ge [sflag:s3], $0x80  }
0x8a: {  	[sflag:s3] =	ssyncset.done $0x0  }
0x8b: {  	[sflag:s3] =	ssyncadd.s32 $0xFFFFFF80  }
0x8c: {  	[tilespmem:s20], [sflag:$0x1] =	stream.indirect.gather [hbm4b:s5+s18], $0x80, s4, s18, $0xb8;
	[tilespmem:$0x1C600] =	vst v63  }
0x8d: {  	_ =	swait.ge [sflag:s8], $0x80  }
0x8e: {  	[sflag:s8] =	ssyncset.done $0x0  }
0x8f: {  	[sflag:s8] =	ssyncadd.s32 $0xFFFFFF80  }
0x90: {  	[spmem:s2] =	stream.indirect.scatter.add.f32 [tilespmem:s30], [sflag:$0x7], $0x80, s28, s18, $0xb8;
	[tilespmem:$0x1C600] =	vst v63  }
0x91: {  	s13 =	sand.u32 $0xFFFFF80, s13;
	_ =	swait.ge [sflag:s21], $0x4000  }
0x92: {  	s13 =	sor.u32 s14, s13;
	[sflag:s21] =	ssyncset.done $0x0  }
0x93: {  	p0 =	sne.s32 s11, $0x4F0;
	s14 =	sadd.s32 s1, s13;
	[sflag:s21] =	ssyncadd.s32 $0xFFFFC000  }
0x94: {  	[tilespmem:s18], [sflag:$0x6] =	stream.linear.gather [hbm4b:s14+s4], $0x80, $0x38;
	[tilespmem:$0x1C600] =	vst v63  }
.Ltmp2:
0x95: {  	_ = 	snop;
	(pc) =	sbr.rel @p0 .LBB2_6-.Ltmp2, $4  }
0x96: {  	s15 =	sadd.s32 s6, s13  }
0x97: {  	[tilespmem:s28], [sflag:$0x4] =	stream.linear.gather [hbm4b:s15+s4], $0x80, $0x38;
	[tilespmem:$0x1C600] =	vst v63  }
0x98: {  	_ =	swait.ge [sflag:s9], $0x80  }
0x99: {  	s11 =	sadd.s32 $0x20, s11;
	[sflag:s9] =	ssyncset.done $0x0  }
0x9a: {  	[sflag:s9] =	ssyncadd.s32 $0xFFFFFF80  }
0x9b: {  	_ =	swait.ge [sflag:s29], $0x4000  }
0x9c: {  	[sflag:s29] =	ssyncset.done $0x0  }
0x9d: {  	[sflag:s29] =	ssyncadd.s32 $0xFFFFC000  }
0x9e: {  	[tilespmem:s30], [sflag:$0x2] =	stream.indirect.gather [hbm4b:s5+s18], $0x80, s18, s18, $0xb8;
	[tilespmem:$0x1C600] =	vst v63  }
0x9f: {  	_ =	swait.ge [sflag:s31], $0x80  }
0xa0: {  	[sflag:s31] =	ssyncset.done $0x0  }
0xa1: {  	[sflag:s31] =	ssyncadd.s32 $0xFFFFFF80  }
0xa2: {  	[spmem:s2] =	stream.indirect.scatter.add.f32 [tilespmem:s20], [sflag:$0x7], $0x80, s26, s18, $0xb8;
	[tilespmem:$0x1C600] =	vst v63  }
0xa3: {  	_ =	swait.ge [sflag:s21], $0x4000  }
0xa4: {  	[sflag:s21] =	ssyncset.done $0x0  }
0xa5: {  	[sflag:s21] =	ssyncadd.s32 $0xFFFFC000  }
0xa6: {  	_ =	swait.ge [sflag:s0], $0x4000  }
0xa7: {  	[sflag:s0] =	ssyncset.done $0x0  }
0xa8: {  	[sflag:s0] =	ssyncadd.s32 $0xFFFFC000  }
0xa9: {  	_ =	swait.ge [sflag:s8], $0x80  }
0xaa: {  	[sflag:s8] =	ssyncset.done $0x0  }
0xab: {  	[sflag:s8] =	ssyncadd.s32 $0xFFFFFF80  }
0xac: {  	[spmem:s2] =	stream.indirect.scatter.add.f32 [tilespmem:s30], [sflag:$0x7], $0x80, s28, s18, $0xb8;
	[tilespmem:$0x1C600] =	vst v63  }
0xad: {  	_ =	swait.ge [sflag:s21], $0x4000  }
0xae: {  	[sflag:s21] =	ssyncset.done $0x0  }
0xaf: {  	[sflag:s21] =	ssyncadd.s32 $0xFFFFC000  }
0xb0: {  	[bflag:$0x0] =	sbarrier.arrive $0xFFFF  }
0xb1: {  	[tilespmem:s20], [sflag:$0x1] =	stream.indirect.gather [spmem:s2], $0x80, s19, s18, $0xb8;
	[tilespmem:$0x1C600] =	vst v63  }
0xb2: {  	_ =	swait.ge [sflag:s29], $0x4000  }
0xb3: {  	[sflag:s29] =	ssyncset.done $0x0  }
0xb4: {  	s11 =	rddreg [dreg:$0x9];
	[sflag:s29] =	ssyncadd.s32 $0xFFFFC000  }
0xb5: {  	[hbm4b:s11+s4] =	stream.linear.scatter [tilespmem:s20], [sflag:$0x7], $0x4000, $0x38;
	[tilespmem:$0x1C600] =	vst v63  }
0xb6: {  	_ =	swait.ge [sflag:s21], $0x4000  }
0xb7: {  	[sflag:s21] =	ssyncset.done $0x0  }
0xb8: {  	[sflag:s21] =	ssyncadd.s32 $0xFFFFC000  }
0xb9: {  	[tilespmem:s20], [sflag:$0x1] =	stream.indirect.gather [spmem:s2], $0x80, s22, s18, $0xb8;
	[tilespmem:$0x1C600] =	vst v63  }
0xba: {  	_ =	swait.ge [sflag:s29], $0x4000  }
0xbb: {  	[sflag:s29] =	ssyncset.done $0x0  }
0xbc: {  	s13 =	rddreg [dreg:$0xa];
	[sflag:s29] =	ssyncadd.s32 $0xFFFFC000  }
0xbd: {  	[hbm4b:s13+s4] =	stream.linear.scatter [tilespmem:s20], [sflag:$0x7], $0x4000, $0x38;
	[tilespmem:$0x1C600] =	vst v63  }
0xbe: {  	_ =	swait.ge [sflag:s21], $0x4000  }
0xbf: {  	[sflag:s21] =	ssyncset.done $0x0  }
0xc0: {  	[sflag:s21] =	ssyncadd.s32 $0xFFFFC000  }
0xc1: {  	[tilespmem:s20], [sflag:$0x1] =	stream.indirect.gather [spmem:s2], $0x80, s23, s18, $0xb8;
	[tilespmem:$0x1C600] =	vst v63  }
0xc2: {  	_ =	swait.ge [sflag:s29], $0x4000  }
0xc3: {  	[sflag:s29] =	ssyncset.done $0x0  }
0xc4: {  	s14 =	rddreg [dreg:$0xb];
	[sflag:s29] =	ssyncadd.s32 $0xFFFFC000  }
0xc5: {  	[hbm4b:s14+s4] =	stream.linear.scatter [tilespmem:s20], [sflag:$0x7], $0x4000, $0x38;
	[tilespmem:$0x1C600] =	vst v63  }
0xc6: {  	_ =	swait.ge [sflag:s21], $0x4000  }
0xc7: {  	[sflag:s21] =	ssyncset.done $0x0  }
0xc8: {  	[sflag:s21] =	ssyncadd.s32 $0xFFFFC000  }
0xc9: {  	[tilespmem:s20], [sflag:$0x1] =	stream.indirect.gather [spmem:s2], $0x80, s24, s18, $0xb8;
	[tilespmem:$0x1C600] =	vst v63  }
0xca: {  	_ =	swait.ge [sflag:s29], $0x4000  }
0xcb: {  	[sflag:s29] =	ssyncset.done $0x0  }
0xcc: {  	s15 =	rddreg [dreg:$0xc];
	[sflag:s29] =	ssyncadd.s32 $0xFFFFC000  }
0xcd: {  	[hbm4b:s15+s4] =	stream.linear.scatter [tilespmem:s20], [sflag:$0x7], $0x4000, $0x38;
	[tilespmem:$0x1C600] =	vst v63  }
0xce: {  	_ =	swait.ge [sflag:s21], $0x4000  }
0xcf: {  	[sflag:s21] =	ssyncset.done $0x0  }
0xd0: {  	[sflag:s21] =	ssyncadd.s32 $0xFFFFC000  }
0xd1: {  	[tilespmem:s20], [sflag:$0x1] =	stream.indirect.gather [spmem:s2], $0x80, s25, s18, $0xb8;
	[tilespmem:$0x1C600] =	vst v63  }
0xd2: {  	s10 =	sadd.s32 $0x1, s10;
	_ =	swait.ge [sflag:s29], $0x4000  }
0xd3: {  	p0 =	sne.s32 s10, s17;
	[sflag:s29] =	ssyncset.done $0x0  }
.Ltmp3:
0xd4: {  	[sflag:s29] =	ssyncadd.s32 $0xFFFFC000;
	(pc) =	sbr.rel @p0 .LBB2_1-.Ltmp3, $4  }
0xd5: {  	[hbm4b:s16+s4] =	stream.linear.scatter [tilespmem:s20], [sflag:$0x7], $0x4000, $0x38;
	[tilespmem:$0x1C600] =	vst v63  }
0xd6: {  	_ =	swait.ge [sflag:s21], $0x4000  }
0xd7: {  	[sflag:s21] =	ssyncset.done $0x0  }
0xd8: {  	[sflag:s21] =	ssyncadd.s32 $0xFFFFC000  }
0xd9: {  	_ =	sfence.sel $0x180000  }
0xda: {  	[bflag:$0x0] =	sbarrier.arrive $0xFFFF  }
0xdb: {  	_ =	strace $0x9000004D  }
0xdc: {  	s0 =	stileid.u32;
	[bflag:$0x2] =	sbarrier.arrive $0xFFFF  }
0xdd: {  	p0 =	sne.s32 s0, $0x0;
	s0 =	rddreg [dreg:$0x3]  }
0xde: {  	s0 =	sadd.s32 @!p0 $0x100000, s0  }
0xdf: {  	[sflag:s0] =	ssyncadd.tile.s32 @!p0 $0x1;
	_ =	shalt  }
.Lfunc_end2:
_tile_overlayer_lowered:
.L_overlay_start_2:
0xe0: {  	(tag) =	ssettag $0x2  }
0xe1: {  	s0 =	rddreg [dreg:$0x0];
	s2 =	stileid.u32  }
0xe2: {  	s1 =	rddreg [dreg:$0x1];
	p0 =	sne.s32 s2, $0x0  }
0xe3: {  	s3 =	rddreg [dreg:$0x2];
	[bflag:$0x3] =	sbarrier.arrive $0xFFFF;
	s2 =	simm.s32 @!p0 $0x1C07  }
0xe4: {  	[timem:s3], [sflag:s2] =	dma.local @!p0 [hbm:s0], s1  }
0xe5: {  	s0 =	simm.s32 @!p0 $0x7  }
0xe6: {  	_ =	swait.ge @!p0 [sflag:s0], s1  }
0xe7: {  	s1 =	ssub.s32 @!p0 $0x0, s1;
	[sflag:s0] =	ssyncset.done @!p0 $0x0  }
0xe8: {  	[sflag:s0] =	ssyncadd.s32 @!p0 s1  }
0xe9: {  	[bflag:$0x3] =	sbarrier.arrive $0xFFFF  }
0xea: {  	_ =	shalt  }

// kernel: kernel.8.cloned.1.call-start
scs
__scs_entry_jumppad:
0x0: {  	(pc) =	sbr.rel $0x88, $3  }
0x1: {  	(tag) =	ssettag $0x0;
	lr =	simm.s32 $0x1  }
0x2: {  	[smem:$0x3F9B] =	sst lr;
	_ =	strace $0xD0000000  }
0x3: {  	_ = 	snop  }
0x4: {  	_ = 	snop  }
0x5: {  	_ = 	snop  }
0x6: {  	_ = 	snop  }
0x7: {  	_ = 	snop  }
__scs_overlays_trampoline_lowered:
0x8: {  	[smem:$0x3FAA] =	sst s0  }
0x9: {  	[smem:$0x3FAB] =	sst s1  }
0xa: {  	[smem:$0x3FAC] =	sst s2  }
0xb: {  	[smem:$0x3FAD] =	sst s3  }
0xc: {  	[smem:$0x3FAE] =	sst s4  }
0xd: {  	[smem:$0x3FAF] =	sst s5  }
0xe: {  	[smem:$0x3FB0] =	sst s6  }
0xf: {  	[smem:$0x3FB1] =	sst s7  }
0x10: {  	[smem:$0x3FB2] =	sst s8  }
0x11: {  	[smem:$0x3FB3] =	sst s9;
	s0 =	simm.s32 @!p0 $0x0  }
0x12: {  	s1 =	sld [smem:$0x3F99];
	s0 =	simm.s32 @p0 $0x1  }
0x13: {  	[smem:$0x3FB4] =	sst s0;
	s0 =	simm.s32 @!p1 $0x0  }
0x14: {  	s2 =	sld [smem:$0x3F98];
	s0 =	simm.s32 @p1 $0x1  }
0x15: {  	[smem:$0x3FB5] =	sst s0;
	s0 =	simm.s32 @!p2 $0x0  }
0x16: {  	s3 =	sld [smem:$0x3FDB];
	s0 =	simm.s32 @p2 $0x1  }
0x17: {  	s4 =	simm.s32 $0x1BF5;
	[smem:$0x3FB7] =	sst s0  }
0x18: {  	s0 =	sld [smem:$0x3F9A];
	_ =	swait.ge [sflag:s4], $0x0  }
0x19: {  	s7 =	sld [smem:$0x3F9B]  }
0x1a: {  	s8 =	sadd.s32 $0xFFFFE003, lr  }
0x1b: {  	s9 =	sadd.s32 $0xFFFFFEF7, lr;
	s5 =	simm.s32 $0xFFFFFFFF;
	p2 =	slt.u32 s8, $0xFFFFF086  }
0x1c: {  	p1 =	slt.u32 s9, $0xF7A;
	s5 =	simm.s32 @!p2 $0x0  }
0x1d: {  	s5 =	simm.s32 @p1 $0x1;
	p0 =	seq.s32 s7, s2  }
0x1e: {  	s7 =	smul.u32 @!p0 $0xF7A, s2;
	p2 =	seq.s32 @!p0 s5, $0x0  }
0x1f: {  	s9 =	smul.u32 $0xF7A, s1;
	s8 =	simm.s32 @!p0 $0x1BF5;
	p2 =	por !p2, p0  }
0x20: {  	[sflag:s8] =	ssyncset.s32 @!p0 $0xFFFFF086;
	s6 =	sadd.s32 @!p0 s3, s7;
	s7 =	simm.s32 @!p0 $0x108  }
0x21: {  	s3 =	sadd.s32 s3, s9;
	s6 =	sadd.s32 @!p0 $0x88, s6;
	s7 =	simm.s32 @p2 $0x1082  }
0x22: {  	[simem:s7], [sflag:s8] =	dma.local @!p0 [hbm:s6], $0xF7A  }
0x23: {  	s9 =	sor.u32 $0xD0000000, s2;
	s6 =	simm.s32 $0x108;
	_ =	swait.ge @!p0 [sflag:s8], $0x0  }
0x24: {  	s3 =	sadd.s32 $0x88, s3;
	s6 =	simm.s32 @!p1 $0x1082;
	[sflag:s4] =	ssyncset.s32 $0xFFFFF086  }
0x25: {  	[simem:s6], [sflag:s4] =	dma.local [hbm:s3], $0xF7A  }
0x26: {  	[smem:$0x3F9B] =	sst s1;
	(tag) =	ssettag s2;
	_ =	strace s9  }
0x27: {  	s1 =	sld [smem:$0x3FAB]  }
0x28: {  	s2 =	sld [smem:$0x3FAC]  }
0x29: {  	s4 =	sld [smem:$0x3FAE]  }
0x2a: {  	p0 =	seq.s32 s5, $0x0;
	s5 =	sld [smem:$0x3FAF]  }
0x2b: {  	s6 =	sld [smem:$0x3FB0]  }
0x2c: {  	s7 =	sld [smem:$0x3FB1]  }
0x2d: {  	s3 =	simm.s32 $0x108;
	s8 =	sld [smem:$0x3FB2]  }
0x2e: {  	s3 =	simm.s32 @!p0 $0x1082;
	s9 =	sld [smem:$0x3FB3]  }
0x2f: {  	lr =	sadd.s32 s0, s3;
	s0 =	sld [smem:$0x3FAA]  }
0x30: {  	s3 =	sld [smem:$0x3FAD]  }
0x31: {  	[smem:$0x3FB6] =	sst s10  }
0x32: {  	s10 =	sld [smem:$0x3FB4];
	_ =	sdelay $0x3  }
0x33: {  	p0 =	seq.s32 s10, $0x1;
	s10 =	sld [smem:$0x3FB6];
	_ =	sdelay $0x3  }
0x34: {  	[smem:$0x3FB6] =	sst s10  }
0x35: {  	s10 =	sld [smem:$0x3FB5];
	_ =	sdelay $0x3  }
0x36: {  	p1 =	seq.s32 s10, $0x1;
	s10 =	sld [smem:$0x3FB6];
	_ =	sdelay $0x3  }
0x37: {  	[smem:$0x3FB6] =	sst s10  }
0x38: {  	s10 =	sld [smem:$0x3FB7]  }
0x39: {  	_ = 	snop;
	(pc) =	sbr.ind lr, $3  }
0x3a: {  	_ = 	snop  }
0x3b: {  	_ = 	snop  }
0x3c: {  	p2 =	seq.s32 s10, $0x1;
	s10 =	sld [smem:$0x3FB6]  }
0x3d: {  	_ =	shalt  }
0x3e: {  	_ =	shalt  }
0x3f: {  	_ =	shalt  }
0x40: {  	_ =	shalt  }
0x41: {  	_ =	shalt  }
0x42: {  	_ =	shalt  }
0x43: {  	_ =	shalt  }
0x44: {  	_ =	shalt  }
0x45: {  	_ =	shalt  }
0x46: {  	_ =	shalt  }
0x47: {  	_ =	shalt  }
0x48: {  	_ =	shalt  }
0x49: {  	_ =	shalt  }
0x4a: {  	_ =	shalt  }
0x4b: {  	_ =	shalt  }
0x4c: {  	_ =	shalt  }
0x4d: {  	_ =	shalt  }
0x4e: {  	_ =	shalt  }
0x4f: {  	_ =	shalt  }
0x50: {  	_ =	shalt  }
0x51: {  	_ =	shalt  }
0x52: {  	_ =	shalt  }
0x53: {  	_ =	shalt  }
0x54: {  	_ =	shalt  }
0x55: {  	_ =	shalt  }
0x56: {  	_ =	shalt  }
0x57: {  	_ =	shalt  }
0x58: {  	_ =	shalt  }
0x59: {  	_ =	shalt  }
0x5a: {  	_ =	shalt  }
0x5b: {  	_ =	shalt  }
0x5c: {  	_ =	shalt  }
0x5d: {  	_ =	shalt  }
0x5e: {  	_ =	shalt  }
0x5f: {  	_ =	shalt  }
0x60: {  	_ =	shalt  }
0x61: {  	_ =	shalt  }
0x62: {  	_ =	shalt  }
0x63: {  	_ =	shalt  }
0x64: {  	_ =	shalt  }
0x65: {  	_ =	shalt  }
0x66: {  	_ =	shalt  }
0x67: {  	_ =	shalt  }
0x68: {  	_ =	shalt  }
0x69: {  	_ =	shalt  }
0x6a: {  	_ =	shalt  }
0x6b: {  	_ =	shalt  }
0x6c: {  	_ =	shalt  }
0x6d: {  	_ =	shalt  }
0x6e: {  	_ =	shalt  }
0x6f: {  	_ =	shalt  }
0x70: {  	_ =	shalt  }
0x71: {  	_ =	shalt  }
0x72: {  	_ =	shalt  }
0x73: {  	_ =	shalt  }
0x74: {  	_ =	shalt  }
0x75: {  	_ =	shalt  }
0x76: {  	_ =	shalt  }
0x77: {  	_ =	shalt  }
0x78: {  	_ =	shalt  }
0x79: {  	_ =	shalt  }
0x7a: {  	_ =	shalt  }
0x7b: {  	_ =	shalt  }
0x7c: {  	_ =	shalt  }
0x7d: {  	_ =	shalt  }
0x7e: {  	_ =	shalt  }
0x7f: {  	_ =	shalt  }
0x80: {  	_ =	shalt  }
0x81: {  	_ =	shalt  }
0x82: {  	_ =	shalt  }
0x83: {  	_ =	shalt  }
0x84: {  	_ =	shalt  }
0x85: {  	_ =	shalt  }
0x86: {  	_ =	shalt  }
0x87: {  	_ =	shalt  }
.Lfunc_end0:
.L_simem_size_0:
called_computation_lowered:
.L_overlay_start_0:
0x88: {  	s2 =	sld [smem:$0x3FD9]  }
0x89: {  	s3 =	sld [smem:$0x3FFE];
	_ =	sdelay $0x1  }
0x8a: {  	s1 =	srdreg.scid  }
0x8b: {  	s0 =	sand.u32 $0x1, s1  }
0x8c: {  	s16 =	sshll.u32 s0, $0xA;
	s2 =	sadd.s32 s3, s2  }
0x8d: {  	s2 =	sadd.s32 s2, s16  }
0x8e: {  	[smem:$0x3FC2] =	sst s2  }
0x8f: {  	_ = 	snop  }
0x90: {  	(tm) =	ssettm $0x1  }
0x91: {  	s17 =	sld [smem:$0x3FFB];
	_ =	sdelay $0x3  }
0x92: {  	_ =	strace s17  }
0x93: {  	s2 =	sld [smem:$0x3FFC];
	_ =	sdelay $0x3  }
0x94: {  	_ =	strace s2  }
0x95: {  	s2 =	sld [smem:$0x3FFD];
	_ =	sdelay $0x3  }
0x96: {  	_ =	strace s2  }
0x97: {  	_ =	strace $0x8FFFFFFF  }
0x98: {  	s18 =	sld [smem:$0x3FDB];
	_ =	sdelay $0x1  }
0x99: {  	s19 =	simm.s32 $_scs_section_size  }
0x9a: {  	s4 =	simm.s32 $_size__tile_overlayer_lowered;
	s5 =	simm.s32 $_tile_overlayer_lowered  }
0x9b: {  	s22 =	simm.s32 $0x1BFF;
	s21 =	sshll.u32 s5, $0x1;
	s2 =	sadd.s32 s19, s18  }
0x9c: {  	s6 =	simm.s32 $0x0;
	s20 =	sshll.u32 s4, $0x1;
	s4 =	sadd.s32 s21, s2  }
0x9d: {  	[timem:s6], [sflag:s22] =	dma.local [hbm:s4], s20  }
0x9e: {  	_ =	swait.ge [sflag:s22], s20  }
0x9f: {  	s3 =	ssub.s32 $0x0, s20;
	[sflag:s22] =	ssyncset.done $0x0  }
0xa0: {  	[sflag:s22] =	ssyncadd.s32 s3;
	_ =	sdelay $0x1  }
0xa1: {  	s23 =	simm.s32 $0x1B8B  }
0xa2: {  	_ =	swait.ge [sflag:s23], $0x1  }
0xa3: {  	[sflag:s23] =	ssyncset.done $0x0  }
0xa4: {  	s25 =	simm.s32 $0x1B8E;
	s24 =	sld [smem:$0x3FFE];
	[sflag:s23] =	ssyncadd.s32 $0xFFFFFFFF  }
0xa5: {  	s26 =	simm.s32 $execute0_lowered;
	[smem:$0x3FD2] =	sst s25  }
0xa6: {  	s4 =	sshll.u32 s26, $0x1;
	_ =	strace $0x80000046;
	[dreg:$0x1] =	wrdreg $0xFFFFFFFF  }
0xa7: {  	s28 =	simm.s32 $_size_execute0_lowered;
	s2 =	sadd.s32 s2, s4;
	[dreg:$0x0] =	wrdreg $0x0  }
0xa8: {  	s4 =	sshll.u32 s28, $0x1;
	[dreg:$0x2] =	wrdreg s2  }
0xa9: {  	[dreg:$0x3] =	wrdreg s4  }
0xaa: {  	[dreg:$0x4] =	wrdreg $0xC0  }
0xab: {  	_ =	task [dreg:s6], $0x5FFFF  }
0xac: {  	[dreg:$0x1] =	wrdreg $0xFFFFFFFF  }
0xad: {  	[dreg:$0x0] =	wrdreg $0x60  }
0xae: {  	[dreg:$0x2] =	wrdreg s24  }
0xaf: {  	[dreg:$0x3] =	wrdreg $0xC5000  }
0xb0: {  	[dreg:$0x4] =	wrdreg $0x9  }
0xb1: {  	_ =	task.clear_ibuf [dreg:s6], $0x5FFFF;
	_ =	strace $0x90000046  }
0xb2: {  	s29 =	simm.s32 $0x9;
	_ =	strace $0x80000048  }
0xb3: {  	_ =	swait.ge [sflag:s29], $0x1  }
0xb4: {  	[sflag:s29] =	ssyncadd.s32 $0xFFFFFFFF  }
0xb5: {  	_ =	strace $0x90000048  }
0xb6: {  	_ =	sfence  }
0xb7: {  	s30 =	sld [smem:$0x0];
	_ =	sdelay $0x2  }
0xb8: {  	s31 =	sshll.u32 s1, $0xD;
	s1 =	sshrl.u32 s1, $0x2  }
0xb9: {  	s3 =	sand.u32 $0x4000, s31;
	s1 =	sadd.s32 s1, s30  }
0xba: {  	s0 =	sor.u32 s3, s0;
	s1 =	sshll.u32 s1, $0x11  }
0xbb: {  	s0 =	sor.u32 s1, s0  }
0xbc: {  	s0 =	sadd.s32 $0x8F2B, s0  }
0xbd: {  	[sflag:s0] =	ssyncadd.remote.s32 $0x1  }
0xbe: {  	_ =	sfence.sel $0xFFFF  }
0xbf: {  	[dreg:$0x0] =	wrdreg $0xFFFFFFFF;
	(pc) =	sbr.abs _section_cstart, $3  }
0xc0: {  	[dreg:$0x1] =	wrdreg $0xFFFFFFFF  }
0xc1: {  	_ =	task.clear_ibuf [dreg:s6], $0x2FFFF;
	_ =	strace $0x9FFFFFFF  }
0xc2: {  	(tm) =	ssettm $0x7FFFFFFF  }
0xc3: {  	_ =	shalt  }
tec
execute0_lowered:
.L_overlay_start_1:
0x0: {  	(tag) =	ssettag $0x1  }
0x1: {  	s0 =	srdreg.scid  }
0x2: {  	s5 =	rddreg [dreg:$0x0];
	s26 =	stileid.u32  }
0x3: {  	s2 =	rddreg [dreg:$0x1];
	s3 =	simm.s32 $0x0;
	s16 =	simm.s32 $0x8100  }
0x4: {  	s17 =	simm.s32 $0x4100;
	s18 =	simm.s32 $0x3;
	s19 =	simm.s32 $0x8180  }
0x5: {  	s20 =	simm.s32 $0x8200;
	s21 =	simm.s32 $0x8280;
	s22 =	simm.s32 $0x8300  }
0x6: {  	s23 =	simm.s32 $0x1;
	s24 =	simm.s32 $0x100;
	s6 =	smul.u32 $0x14000, s26  }
0x7: {  	s25 =	simm.s32 $0x2;
	s8 =	sand.u32 $0x1, s0;
	s15 =	smul.u32 $0x500, s26  }
0x8: {  	s28 =	simm.s32 $0x0;
	[smem:$0x7FF] =	sst s3;
	s4 =	smul.u32 $0x140000, s8  }
0x9: {  	s7 =	sshll.u32 s8, $0x4;
	_ =	strace $0x80000047;
	s31 =	ssub.s32 $0x2, s8  }
0xa: {  	s14 =	smul.u32 $0x5000, s8;
	s29 =	sor.u32 s26, s7;
	s9 =	sshrl.u32 s31, $0x1  }
0xb: {  	s4 =	sadd.s32 s6, s4;
	s6 =	smul.u32 $0x500, s29;
	s13 =	ssub.s32 s31, s9  }
0xc: {  	s14 =	sadd.s32 s15, s14;
	s15 =	simm.s32 $0x80;
	s30 =	sshrl.u32 s4, $0x3  }
0xd: {  	s4 =	sadd.s32 $0x2A00, s5;
	s13 =	smax.u32 s13, $0x1;
	s12 =	sadd.s32 s30, s5  }
0xe: {  	s5 =	smul.u32 $0x280, s26;
	s6 =	sadd.s32 s4, s6;
	s26 =	simm.s32 $0x8500  }
0xf: {  	v0 =	vimm.f32 $0.0e+00;
	vm0 =	vcmask $0x300;
	s7 =	sadd.s32 $0x10, s6;
	s8 =	sadd.s32 $0xCA00, s12;
	s9 =	sadd.s32 $0xD200, s12  }
0x10: {  	v2 =	vlaneseq.u32;
	v1 =	vsel vm0, $0x3F800000, v0;
	s10 =	sadd.s32 $0xDA00, s12;
	s11 =	sadd.s32 $0xE200, s12;
	s12 =	sadd.s32 $0xEA00, s12  }
.LBB2_1:
0x11: {  	s29 =	simm.s32 $0x0  }
.LBB2_2:
0x12: {  	p0 =	sne.s32 s29, $0xFE00  }
.Ltmp0:
0x13: {  	_ = 	snop;
	(pc) =	sbr.rel @p0 .LBB2_2-.Ltmp0, $4  }
0x14: {  	_ = 	snop  }
0x15: {  	s30 =	sshra.s32 s29, $0x2  }
0x16: {  	[tilespmem:s30+$0x4100] =	vst v0  }
0x17: {  	s29 =	sadd.s32 $0x200, s29;
	[tilespmem:s30+$0x100] =	vst v1  }
0x18: {  	s29 =	simm.s32 $0x0  }
0x19: {  	s30 =	sand.u32 $0x380, s29  }
0x1a: {  	s1 =	sand.u32 $0x70, s29;
	s31 =	sadd.s32 s5, s30  }
0x1b: {  	s31 =	sor.u32 s1, s31  }
0x1c: {  	s29 =	simm.s32 $0x10;
	s30 =	sor.u32 s1, s30;
	v3 =	vor.u32 s31, v2  }
.LBB2_4:
0x1d: {  	p0 =	sne.s32 s29, $0x270;
	[tilespmem:s30+$0x8100] =	vst v3;
	s1 =	smov.u32 s29;
	s29 =	sadd.s32 $0x10, s29  }
.Ltmp1:
0x1e: {  	(pc) =	sbr.rel @p0 .LBB2_4-.Ltmp1, $4  }
0x1f: {  	s30 =	sand.u32 $0x380, s1  }
0x20: {  	s1 =	sand.u32 $0x70, s1;
	s31 =	sadd.s32 s5, s30  }
0x21: {  	s31 =	sor.u32 s1, s31  }
0x22: {  	s30 =	sor.u32 s1, s30;
	v3 =	vor.u32 s31, v2  }
0x23: {  	[tilespmem:s30+$0x8100] =	vst v3  }
0x24: {  	[spmem:s2] =	stream.indirect.scatter [tilespmem:s17], [sflag:$0x3], $0x10, s16, s15, $0xb8;
	[tilespmem:$0xED00] =	vst v63  }
0x25: {  	_ =	swait.ge [sflag:s18], $0x800  }
0x26: {  	[sflag:s18] =	ssyncset.done $0x0  }
0x27: {  	[sflag:s18] =	ssyncadd.s32 $0xFFFFF800  }
0x28: {  	[spmem:s2] =	stream.indirect.scatter [tilespmem:s17], [sflag:$0x3], $0x10, s19, s15, $0xb8;
	[tilespmem:$0xED00] =	vst v63  }
0x29: {  	_ =	swait.ge [sflag:s18], $0x800  }
0x2a: {  	[sflag:s18] =	ssyncset.done $0x0  }
0x2b: {  	[sflag:s18] =	ssyncadd.s32 $0xFFFFF800  }
0x2c: {  	[spmem:s2] =	stream.indirect.scatter [tilespmem:s17], [sflag:$0x3], $0x10, s20, s15, $0xb8;
	[tilespmem:$0xED00] =	vst v63  }
0x2d: {  	_ =	swait.ge [sflag:s18], $0x800  }
0x2e: {  	[sflag:s18] =	ssyncset.done $0x0  }
0x2f: {  	[sflag:s18] =	ssyncadd.s32 $0xFFFFF800  }
0x30: {  	[spmem:s2] =	stream.indirect.scatter [tilespmem:s17], [sflag:$0x3], $0x10, s21, s15, $0xb8;
	[tilespmem:$0xED00] =	vst v63  }
0x31: {  	_ =	swait.ge [sflag:s18], $0x800  }
0x32: {  	[sflag:s18] =	ssyncset.done $0x0  }
0x33: {  	[sflag:s18] =	ssyncadd.s32 $0xFFFFF800  }
0x34: {  	[spmem:s2] =	stream.indirect.scatter [tilespmem:s17], [sflag:$0x3], $0x10, s22, s15, $0xb8;
	[tilespmem:$0xED00] =	vst v63  }
0x35: {  	_ =	swait.ge [sflag:s18], $0x800  }
0x36: {  	[sflag:s18] =	ssyncset.done $0x0  }
0x37: {  	[sflag:s18] =	ssyncadd.s32 $0xFFFFF800  }
0x38: {  	[bflag:$0x0] =	sbarrier.arrive $0xFFFF  }
0x39: {  	[tilespmem:s3], [sflag:$0x1] =	stream.linear.gather [hbm4b:s6+s3], $0x80, $0x38;
	[tilespmem:$0xED00] =	vst v63  }
0x3a: {  	_ = 	snop  }
0x3b: {  	[tilespmem:s15], [sflag:$0x2] =	stream.linear.gather [hbm4b:s7+s3], $0x80, $0x38;
	[tilespmem:$0xED00] =	vst v63  }
0x3c: {  	_ =	swait.ge [sflag:s23], $0x80  }
0x3d: {  	[sflag:s23] =	ssyncset.done $0x0  }
0x3e: {  	s1 =	sadd.s32 $0x30, s14;
	s29 =	simm.s32 $0x20;
	[sflag:s23] =	ssyncadd.s32 $0xFFFFFF80  }
0x3f: {  	[spmem:s2] =	stream.indirect.scatter.add.f32 [tilespmem:s24], [sflag:$0x3], $0x10, s3, s15, $0xb8;
	[tilespmem:$0xED00] =	vst v63  }
0x40: {  	s30 =	sadd.s32 $0xFFFFFFF0, s1;
	s29 =	sand.u32 $0x60, s29;
	_ =	swait.ge [sflag:s18], $0x800  }
0x41: {  	s30 =	sand.u32 $0xFFFFF80, s30;
	s29 =	sadd.s32 s4, s29;
	[sflag:s18] =	ssyncset.done $0x0  }
0x42: {  	s29 =	sadd.s32 s30, s29;
	[sflag:s18] =	ssyncadd.s32 $0xFFFFF800  }
0x43: {  	[tilespmem:s3], [sflag:$0x1] =	stream.linear.gather [hbm4b:s29+s3], $0x80, $0x38;
	[tilespmem:$0xED00] =	vst v63  }
0x44: {  	_ =	swait.ge [sflag:s25], $0x80  }
0x45: {  	[sflag:s25] =	ssyncset.done $0x0  }
0x46: {  	s29 =	simm.s32 $0x30;
	[sflag:s25] =	ssyncadd.s32 $0xFFFFFF80  }
0x47: {  	[spmem:s2] =	stream.indirect.scatter.add.f32 [tilespmem:s24], [sflag:$0x3], $0x10, s15, s15, $0xb8;
	[tilespmem:$0xED00] =	vst v63  }
0x48: {  	s29 =	sand.u32 $0x70, s29;
	_ =	swait.ge [sflag:s18], $0x800  }
0x49: {  	s1 =	sand.u32 $0xFFFFF80, s1;
	s30 =	sadd.s32 s4, s29;
	[sflag:s18] =	ssyncset.done $0x0  }
0x4a: {  	s29 =	simm.s32 $0x50;
	s30 =	sadd.s32 s1, s30;
	[sflag:s18] =	ssyncadd.s32 $0xFFFFF800  }
.LBB2_6:
0x4b: {  	[tilespmem:s15], [sflag:$0x2] =	stream.linear.gather [hbm4b:s30+s3], $0x80, $0x38;
	[tilespmem:$0xED00] =	vst v63  }
0x4c: {  	s1 =	smov.u32 s29  }
0x4d: {  	p0 =	sne.s32 s29, $0x4F0;
	s29 =	sadd.s32 $0x20, s29;
	_ =	swait.ge [sflag:s23], $0x80  }
0x4e: {  	[sflag:s23] =	ssyncset.done $0x0  }
0x4f: {  	s30 =	sadd.s32 s1, s14;
	s31 =	sadd.s32 $0xFFFFFFF0, s1;
	[sflag:s23] =	ssyncadd.s32 $0xFFFFFF80  }
0x50: {  	[spmem:s2] =	stream.indirect.scatter.add.f32 [tilespmem:s24], [sflag:$0x3], $0x10, s3, s15, $0xb8;
	[tilespmem:$0xED00] =	vst v63  }
0x51: {  	s0 =	sadd.s32 $0xFFFFFFF0, s30;
	s31 =	sand.u32 $0x60, s31;
	_ =	swait.ge [sflag:s18], $0x800  }
0x52: {  	s0 =	sand.u32 $0xFFFFF80, s0;
	s31 =	sadd.s32 s4, s31;
	[sflag:s18] =	ssyncset.done $0x0  }
0x53: {  	s30 =	sand.u32 $0xFFFFF80, s30;
	s0 =	sadd.s32 s0, s31;
	[sflag:s18] =	ssyncadd.s32 $0xFFFFF800  }
0x54: {  	[tilespmem:s3], [sflag:$0x1] =	stream.linear.gather [hbm4b:s0+s3], $0x80, $0x38;
	[tilespmem:$0xED00] =	vst v63  }
0x55: {  	_ =	swait.ge [sflag:s25], $0x80  }
0x56: {  	[sflag:s25] =	ssyncset.done $0x0  }
.Ltmp2:
0x57: {  	[sflag:s25] =	ssyncadd.s32 $0xFFFFFF80;
	(pc) =	sbr.rel @p0 .LBB2_6-.Ltmp2, $4  }
0x58: {  	[spmem:s2] =	stream.indirect.scatter.add.f32 [tilespmem:s24], [sflag:$0x3], $0x10, s15, s15, $0xb8;
	[tilespmem:$0xED00] =	vst v63  }
0x59: {  	s0 =	sand.u32 $0x70, s1;
	_ =	swait.ge [sflag:s18], $0x800  }
0x5a: {  	s0 =	sadd.s32 s4, s0;
	[sflag:s18] =	ssyncset.done $0x0  }
0x5b: {  	s30 =	sadd.s32 s30, s0;
	[sflag:s18] =	ssyncadd.s32 $0xFFFFF800  }
0x5c: {  	[tilespmem:s15], [sflag:$0x2] =	stream.linear.gather [hbm4b:s30+s3], $0x80, $0x38;
	[tilespmem:$0xED00] =	vst v63  }
0x5d: {  	_ =	swait.ge [sflag:s23], $0x80  }
0x5e: {  	[sflag:s23] =	ssyncset.done $0x0  }
0x5f: {  	[sflag:s23] =	ssyncadd.s32 $0xFFFFFF80  }
0x60: {  	[spmem:s2] =	stream.indirect.scatter.add.f32 [tilespmem:s24], [sflag:$0x3], $0x10, s3, s15, $0xb8;
	[tilespmem:$0xED00] =	vst v63  }
0x61: {  	_ =	swait.ge [sflag:s18], $0x800  }
0x62: {  	[sflag:s18] =	ssyncset.done $0x0  }
0x63: {  	[sflag:s18] =	ssyncadd.s32 $0xFFFFF800  }
0x64: {  	_ =	swait.ge [sflag:s25], $0x80  }
0x65: {  	[sflag:s25] =	ssyncset.done $0x0  }
0x66: {  	[sflag:s25] =	ssyncadd.s32 $0xFFFFFF80  }
0x67: {  	[spmem:s2] =	stream.indirect.scatter.add.f32 [tilespmem:s24], [sflag:$0x3], $0x10, s15, s15, $0xb8;
	[tilespmem:$0xED00] =	vst v63  }
0x68: {  	_ =	swait.ge [sflag:s18], $0x800  }
0x69: {  	[sflag:s18] =	ssyncset.done $0x0  }
0x6a: {  	[sflag:s18] =	ssyncadd.s32 $0xFFFFF800  }
0x6b: {  	[bflag:$0x0] =	sbarrier.arrive $0xFFFF  }
0x6c: {  	[tilespmem:s26], [sflag:$0x1] =	stream.indirect.gather [spmem:s2], $0x10, s16, s15, $0xb8;
	[tilespmem:$0xED00] =	vst v63  }
0x6d: {  	_ =	swait.ge [sflag:s23], $0x800  }
0x6e: {  	[sflag:s23] =	ssyncset.done $0x0  }
0x6f: {  	[sflag:s23] =	ssyncadd.s32 $0xFFFFF800  }
0x70: {  	[hbm4b:s8+s3] =	stream.linear.scatter [tilespmem:s26], [sflag:$0x3], $0x4000, $0x38;
	[tilespmem:$0xED00] =	vst v63  }
0x71: {  	_ =	swait.ge [sflag:s18], $0x4000  }
0x72: {  	[sflag:s18] =	ssyncset.done $0x0  }
0x73: {  	[sflag:s18] =	ssyncadd.s32 $0xFFFFC000  }
0x74: {  	[tilespmem:s26], [sflag:$0x1] =	stream.indirect.gather [spmem:s2], $0x10, s19, s15, $0xb8;
	[tilespmem:$0xED00] =	vst v63  }
0x75: {  	_ =	swait.ge [sflag:s23], $0x800  }
0x76: {  	[sflag:s23] =	ssyncset.done $0x0  }
0x77: {  	[sflag:s23] =	ssyncadd.s32 $0xFFFFF800  }
0x78: {  	[hbm4b:s9+s3] =	stream.linear.scatter [tilespmem:s26], [sflag:$0x3], $0x4000, $0x38;
	[tilespmem:$0xED00] =	vst v63  }
0x79: {  	_ =	swait.ge [sflag:s18], $0x4000  }
0x7a: {  	[sflag:s18] =	ssyncset.done $0x0  }
0x7b: {  	[sflag:s18] =	ssyncadd.s32 $0xFFFFC000  }
0x7c: {  	[tilespmem:s26], [sflag:$0x1] =	stream.indirect.gather [spmem:s2], $0x10, s20, s15, $0xb8;
	[tilespmem:$0xED00] =	vst v63  }
0x7d: {  	_ =	swait.ge [sflag:s23], $0x800  }
0x7e: {  	[sflag:s23] =	ssyncset.done $0x0  }
0x7f: {  	[sflag:s23] =	ssyncadd.s32 $0xFFFFF800  }
0x80: {  	[hbm4b:s10+s3] =	stream.linear.scatter [tilespmem:s26], [sflag:$0x3], $0x4000, $0x38;
	[tilespmem:$0xED00] =	vst v63  }
0x81: {  	_ =	swait.ge [sflag:s18], $0x4000  }
0x82: {  	[sflag:s18] =	ssyncset.done $0x0  }
0x83: {  	[sflag:s18] =	ssyncadd.s32 $0xFFFFC000  }
0x84: {  	[tilespmem:s26], [sflag:$0x1] =	stream.indirect.gather [spmem:s2], $0x10, s21, s15, $0xb8;
	[tilespmem:$0xED00] =	vst v63  }
0x85: {  	_ =	swait.ge [sflag:s23], $0x800  }
0x86: {  	[sflag:s23] =	ssyncset.done $0x0  }
0x87: {  	[sflag:s23] =	ssyncadd.s32 $0xFFFFF800  }
0x88: {  	[hbm4b:s11+s3] =	stream.linear.scatter [tilespmem:s26], [sflag:$0x3], $0x4000, $0x38;
	[tilespmem:$0xED00] =	vst v63  }
0x89: {  	_ =	swait.ge [sflag:s18], $0x4000  }
0x8a: {  	[sflag:s18] =	ssyncset.done $0x0  }
0x8b: {  	[sflag:s18] =	ssyncadd.s32 $0xFFFFC000  }
0x8c: {  	[tilespmem:s26], [sflag:$0x1] =	stream.indirect.gather [spmem:s2], $0x10, s22, s15, $0xb8;
	[tilespmem:$0xED00] =	vst v63  }
0x8d: {  	s28 =	sadd.s32 $0x1, s28;
	_ =	swait.ge [sflag:s23], $0x800  }
0x8e: {  	p0 =	sne.s32 s28, s13;
	[sflag:s23] =	ssyncset.done $0x0  }
.Ltmp3:
0x8f: {  	[sflag:s23] =	ssyncadd.s32 $0xFFFFF800;
	(pc) =	sbr.rel @p0 .LBB2_1-.Ltmp3, $4  }
0x90: {  	[hbm4b:s12+s3] =	stream.linear.scatter [tilespmem:s26], [sflag:$0x3], $0x4000, $0x38;
	[tilespmem:$0xED00] =	vst v63  }
0x91: {  	_ =	swait.ge [sflag:s18], $0x4000  }
0x92: {  	[sflag:s18] =	ssyncset.done $0x0  }
0x93: {  	[sflag:s18] =	ssyncadd.s32 $0xFFFFC000  }
0x94: {  	_ =	sfence.sel $0x180000  }
0x95: {  	[bflag:$0x0] =	sbarrier.arrive $0xFFFF  }
0x96: {  	_ =	strace $0x90000047  }
0x97: {  	s0 =	stileid.u32;
	[bflag:$0x2] =	sbarrier.arrive $0xFFFF  }
0x98: {  	p0 =	sne.s32 s0, $0x0;
	s0 =	rddreg [dreg:$0x2]  }
0x99: {  	s0 =	sadd.s32 @!p0 $0x100000, s0  }
0x9a: {  	[sflag:s0] =	ssyncadd.tile.s32 @!p0 $0x1;
	_ =	shalt  }
.Lfunc_end2:
_tile_overlayer_lowered:
.L_overlay_start_2:
0x9b: {  	(tag) =	ssettag $0x2  }
0x9c: {  	s0 =	rddreg [dreg:$0x0];
	s2 =	stileid.u32  }
0x9d: {  	s1 =	rddreg [dreg:$0x1];
	p0 =	sne.s32 s2, $0x0  }
0x9e: {  	s3 =	rddreg [dreg:$0x2];
	[bflag:$0x3] =	sbarrier.arrive $0xFFFF;
	s2 =	simm.s32 @!p0 $0x1C03  }
0x9f: {  	[timem:s3], [sflag:s2] =	dma.local @!p0 [hbm:s0], s1  }
0xa0: {  	s0 =	simm.s32 @!p0 $0x3  }
0xa1: {  	_ =	swait.ge @!p0 [sflag:s0], s1  }
0xa2: {  	s1 =	ssub.s32 @!p0 $0x0, s1;
	[sflag:s0] =	ssyncset.done @!p0 $0x0  }
0xa3: {  	[sflag:s0] =	ssyncadd.s32 @!p0 s1  }
0xa4: {  	[bflag:$0x3] =	sbarrier.arrive $0xFFFF  }
0xa5: {  	_ =	shalt  }

</sc_bundles>
